<compile_context>
chip_gen: v7x
topology: tpu7x:2x2x1
jax: 0.10.2.dev20260603
libtpu: 0.0.44.dev20260713+nightly
codegen_flags: <defaults>
</compile_context>

<pallas_src>
import functools

import jax
import jax.numpy as jnp
from jax import lax
from jax.experimental import pallas as pl
from jax.experimental.pallas import tpu as pltpu
from jax.experimental.pallas import tpu_sc as plsc

N = 10000
E = 160000
D = 256
NP = 10240
GARB = NP - 1
K = 128
NT = 1280
EP = NT * K
NSUB = 16
NCORE = 2
ROWS_PER_SUB = NP // NSUB
TILES_PER_SUB = NT // NSUB
TILES_PER_WORKER = NT // (NSUB * NCORE)
BN = 256
CHUNK = 8


@functools.cache
def _sc_kernels():
    mesh = plsc.VectorSubcoreMesh(core_axis_name="c", subcore_axis_name="s",
                                  num_cores=NCORE, num_subcores=NSUB)

    @functools.partial(
        pl.kernel,
        out_type=jax.ShapeDtypeStruct((NCORE * NP,), jnp.float32),
        mesh=mesh,
        scratch_types=[
            pltpu.VMEM((K,), jnp.int32),
            pltpu.VMEM((K,), jnp.float32),
            pltpu.VMEM_SHARED((NP,), jnp.float32),
        ],
    )
    def _sc_degree(dst_hbm, zeros1_hbm, out_hbm, dst_v, ones_v, acc):
        c = lax.axis_index("c")
        s = lax.axis_index("s")
        r0 = s * ROWS_PER_SUB
        pltpu.sync_copy(zeros1_hbm.at[pl.ds(r0, ROWS_PER_SUB)],
                        acc.at[pl.ds(r0, ROWS_PER_SUB)])

        @pl.loop(0, K, step=16)
        def _fill(j):
            ones_v[pl.ds(j, 16)] = jnp.ones((16,), jnp.float32)

        plsc.subcore_barrier()
        t0 = (c * NSUB + s) * TILES_PER_WORKER

        @pl.loop(0, TILES_PER_WORKER)
        def _body(i):
            pltpu.sync_copy(dst_hbm.at[t0 + i], dst_v)
            pltpu.sync_copy(ones_v, acc.at[dst_v], add=True)

        plsc.subcore_barrier()
        pltpu.sync_copy(acc.at[pl.ds(r0, ROWS_PER_SUB)],
                        out_hbm.at[pl.ds(c * NP + r0, ROWS_PER_SUB)])

    @functools.partial(
        pl.kernel,
        out_type=jax.ShapeDtypeStruct((NCORE * NP, 128), jnp.float32),
        mesh=mesh,
        scratch_types=[
            pltpu.VMEM((2 * CHUNK, K), jnp.int32),
            pltpu.VMEM((2 * CHUNK, K), jnp.int32),
            pltpu.VMEM((K, 128), jnp.float32),
            pltpu.VMEM((K, 128), jnp.float32),
            pltpu.VMEM_SHARED((NP, 128), jnp.float32),
            pltpu.SemaphoreType.DMA,
            pltpu.SemaphoreType.DMA,
        ],
    )
    def _sc_propagate(g_hbm, src2_hbm, dst_hbm, zeros_hbm, out_hbm,
                      sidx, didx, rows0, rows1, acc, g0, g1):
        c = lax.axis_index("c")
        s = lax.axis_index("s")
        r0 = s * ROWS_PER_SUB
        t0 = s * TILES_PER_SUB
        pltpu.sync_copy(src2_hbm.at[pl.ds(c * NT + t0, 2 * CHUNK)], sidx)
        pltpu.sync_copy(dst_hbm.at[pl.ds(t0, 2 * CHUNK)], didx)
        pltpu.sync_copy(zeros_hbm.at[pl.ds(r0, ROWS_PER_SUB)],
                        acc.at[pl.ds(r0, ROWS_PER_SUB)])
        plsc.subcore_barrier()

        pltpu.async_copy(g_hbm.at[sidx.at[0]], rows0, g0)
        pltpu.async_copy(g_hbm.at[sidx.at[1]], rows1, g1)
        nchunks = TILES_PER_SUB // CHUNK

        @pl.loop(0, nchunks)
        def _chunk(ci):
            half = lax.rem(ci, 2) * CHUNK

            @pl.when(jnp.logical_and(ci >= 1, ci < nchunks - 1))
            def _():
                other = CHUNK - half
                pltpu.sync_copy(
                    src2_hbm.at[pl.ds(c * NT + t0 + (ci + 1) * CHUNK, CHUNK)],
                    sidx.at[pl.ds(other, CHUNK)])
                pltpu.sync_copy(
                    dst_hbm.at[pl.ds(t0 + (ci + 1) * CHUNK, CHUNK)],
                    didx.at[pl.ds(other, CHUNK)])

            for j in range(CHUNK):
                t = ci * CHUNK + j
                rows, sem = (rows0, g0) if j % 2 == 0 else (rows1, g1)
                pltpu.make_async_copy(g_hbm.at[sidx.at[0]], rows, sem).wait()
                pltpu.sync_copy(rows, acc.at[didx.at[half + j]], add=True)

                @pl.when(t + 2 < TILES_PER_SUB)
                def _():
                    nxt = lax.rem(t + 2, 2 * CHUNK)
                    pltpu.async_copy(g_hbm.at[sidx.at[nxt]], rows, sem)

        plsc.subcore_barrier()
        pltpu.sync_copy(acc.at[pl.ds(r0, ROWS_PER_SUB)],
                        out_hbm.at[pl.ds(c * NP + r0, ROWS_PER_SUB)])

    return _sc_degree, _sc_propagate



def _mm_body(x_ref, w_ref, o_ref):
    m = jnp.dot(x_ref[...], w_ref[...], preferred_element_type=jnp.float32)
    o_ref[0] = m[:, :128]
    o_ref[1] = m[:, 128:]


def _tc_matmul_split(x, w):
    return pl.pallas_call(
        _mm_body,
        grid=(NP // BN,),
        in_specs=[pl.BlockSpec((BN, D), lambda i: (i, 0)),
                  pl.BlockSpec((D, D), lambda i: (0, 0))],
        out_specs=pl.BlockSpec((NCORE, BN, 128), lambda i: (0, i, 0)),
        out_shape=jax.ShapeDtypeStruct((NCORE, NP, 128), jnp.float32),
    )(x, w)


def _scale_body(d_ref, m_ref, g_ref, dv_ref):
    dv = lax.rsqrt(1.0 + d_ref[0] + d_ref[1])
    dvw = jnp.broadcast_to(dv, (BN, 128))
    dv_ref[...] = dvw
    g_ref[0] = dvw * m_ref[0]
    g_ref[1] = dvw * m_ref[1]


def _tc_scale(deg2, m1):
    return pl.pallas_call(
        _scale_body,
        grid=(NP // BN,),
        in_specs=[pl.BlockSpec((NCORE, BN, 1), lambda i: (0, i, 0)),
                  pl.BlockSpec((NCORE, BN, 128), lambda i: (0, i, 0))],
        out_specs=[pl.BlockSpec((NCORE, BN, 128), lambda i: (0, i, 0)),
                   pl.BlockSpec((BN, 128), lambda i: (i, 0))],
        out_shape=[jax.ShapeDtypeStruct((NCORE, NP, 128), jnp.float32),
                   jax.ShapeDtypeStruct((NP, 128), jnp.float32)],
    )(deg2, m1)


def _fused_body(s_ref, g_ref, dv_ref, b_ref, w_ref, o_ref):
    dv = dv_ref[...]
    b = b_ref[...]
    y0 = jnp.maximum(dv * (s_ref[0] + g_ref[0]) + b[:, :128], 0.0)
    y1 = jnp.maximum(dv * (s_ref[1] + g_ref[1]) + b[:, 128:], 0.0)
    y = jnp.concatenate([y0, y1], axis=1)
    m = jnp.dot(y, w_ref[...], preferred_element_type=jnp.float32)
    o_ref[0] = dv * m[:, :128]
    o_ref[1] = dv * m[:, 128:]


def _tc_fused(S, g, dinvw, b, w):
    return pl.pallas_call(
        _fused_body,
        grid=(NP // BN,),
        in_specs=[pl.BlockSpec((NCORE, BN, 128), lambda i: (0, i, 0)),
                  pl.BlockSpec((NCORE, BN, 128), lambda i: (0, i, 0)),
                  pl.BlockSpec((BN, 128), lambda i: (i, 0)),
                  pl.BlockSpec((1, D), lambda i: (0, 0)),
                  pl.BlockSpec((D, D), lambda i: (0, 0))],
        out_specs=pl.BlockSpec((NCORE, BN, 128), lambda i: (0, i, 0)),
        out_shape=jax.ShapeDtypeStruct((NCORE, NP, 128), jnp.float32),
    )(S, g, dinvw, b, w)


def _epilogue_body(s_ref, g_ref, dv_ref, b_ref, o_ref):
    dv = dv_ref[...]
    b = b_ref[...]
    y0 = dv * (s_ref[0] + g_ref[0]) + b[:, :128]
    y1 = dv * (s_ref[1] + g_ref[1]) + b[:, 128:]
    o_ref[...] = jnp.concatenate([y0, y1], axis=1)


def _tc_epilogue(S, g, dinvw, b):
    return pl.pallas_call(
        _epilogue_body,
        grid=(NP // BN,),
        in_specs=[pl.BlockSpec((NCORE, BN, 128), lambda i: (0, i, 0)),
                  pl.BlockSpec((NCORE, BN, 128), lambda i: (0, i, 0)),
                  pl.BlockSpec((BN, 128), lambda i: (i, 0)),
                  pl.BlockSpec((1, D), lambda i: (0, 0))],
        out_specs=pl.BlockSpec((BN, D), lambda i: (i, 0)),
        out_shape=jax.ShapeDtypeStruct((NP, D), jnp.float32),
    )(S, g, dinvw, b)



def kernel(x, edge_index, W1, b1, W2, b2, W3, b3):
    src = edge_index[0]
    dst = edge_index[1]
    pad = EP - E
    srcp = jnp.concatenate([src, jnp.zeros((pad,), jnp.int32)])
    dstp = jnp.concatenate([dst, jnp.full((pad,), GARB, jnp.int32)])
    src2 = jnp.concatenate([srcp, srcp + NP]).reshape(NCORE * NT, K)
    dstt = dstp.reshape(NT, K)
    x_pad = jnp.pad(x, ((0, NP - N), (0, 0)))
    zeros1 = jnp.zeros((NP,), jnp.float32)
    zeros2 = jnp.zeros((NP, 128), jnp.float32)
    b1r = b1.reshape(1, D)
    b2r = b2.reshape(1, D)
    b3r = b3.reshape(1, D)

    _sc_degree, _sc_propagate = _sc_kernels()
    deg2 = _sc_degree(dstt, zeros1)
    m1 = _tc_matmul_split(x_pad, W1)
    g1, dinvw = _tc_scale(deg2.reshape(NCORE, NP, 1), m1)

    g1f = g1.reshape(NCORE * NP, 128)
    S1 = _sc_propagate(g1f, src2, dstt, zeros2)
    g2 = _tc_fused(S1.reshape(NCORE, NP, 128), g1, dinvw, b1r, W2)

    g2f = g2.reshape(NCORE * NP, 128)
    S2 = _sc_propagate(g2f, src2, dstt, zeros2)
    g3 = _tc_fused(S2.reshape(NCORE, NP, 128), g2, dinvw, b2r, W3)

    g3f = g3.reshape(NCORE * NP, 128)
    S3 = _sc_propagate(g3f, src2, dstt, zeros2)
    out = _tc_epilogue(S3.reshape(NCORE, NP, 128), g3, dinvw, b3r)
    return out[:N]

# --- scband reference (transcript-rebuilt; emitter-appended) ---
"""Pipeline reference for scband-gcn-20598663152069 (READ-ONLY COPY).

The authoritative reference and input builder live on the scoring server;
editing this copy changes nothing except your own understanding.
"""

import jax, jax.numpy as jnp
import numpy as np

N = 10000
E = 160000
D = 256


def setup_inputs(seed: int = 0) -> dict:
    key = jax.random.key(seed)
    ks = jax.random.split(key, 8)
    x = jax.random.normal(ks[0], (N, D), dtype=jnp.float32)
    edge_index = jax.random.randint(ks[1], (2, E), 0, N, dtype=jnp.int32)

    def glorot(k, shape):
        lim = (6.0 / (shape[0] + shape[1])) ** 0.5
        return jax.random.uniform(k, shape, minval=-lim, maxval=lim, dtype=jnp.float32)

    W1 = glorot(ks[2], (D, D)); b1 = jnp.zeros((D,), dtype=jnp.float32)
    W2 = glorot(ks[3], (D, D)); b2 = jnp.zeros((D,), dtype=jnp.float32)
    W3 = glorot(ks[4], (D, D)); b3 = jnp.zeros((D,), dtype=jnp.float32)
    return {"x": x, "edge_index": edge_index, "W1": W1, "b1": b1, "W2": W2, "b2": b2, "W3": W3, "b3": b3}


def gcn_conv(x, edge_index, W, b):
    # Faithful PyG GCNConv: add self-loops, symmetric deg^{-1/2} normalization,
    # linear transform, gather on src, scatter-add on dst, add bias.
    n = x.shape[0]
    src = edge_index[0]
    dst = edge_index[1]
    loop = jnp.arange(n, dtype=src.dtype)
    src = jnp.concatenate([src, loop])
    dst = jnp.concatenate([dst, loop])
    ones = jnp.ones(src.shape[0], dtype=x.dtype)
    deg = jax.ops.segment_sum(ones, dst, num_segments=n)
    dinv = jnp.where(deg > 0, 1.0 / jnp.sqrt(deg), 0.0)
    norm = dinv[src] * dinv[dst]
    h = x @ W
    msg = h[src] * norm[:, None]
    out = jax.ops.segment_sum(msg, dst, num_segments=n)
    return out + b


def reference(x, edge_index, W1, b1, W2, b2, W3, b3):
    # Eval mode: dropout_edge(training=False) is identity; nn.Dropout in eval is identity.
    h = jax.nn.relu(gcn_conv(x, edge_index, W1, b1))
    h = jax.nn.relu(gcn_conv(h, edge_index, W2, b2))
    out = gcn_conv(h, edge_index, W3, b3)
    return out

if __name__ == "__main__":
    import jax
    _d = setup_inputs()
    print(jax.jit(kernel)(*tuple(_d.values())))

</pallas_src>

<mosaic_0001>
#map = affine_map<(d0, d1) -> (0, 0)>
module attributes {stable_mosaic.version = 14 : i64} {
  func.func @_sc_propagate(%arg0: i32, %arg1: i32, %arg2: memref<20480x128xf32, #tpu.memory_space<hbm>>, %arg3: memref<2560x128xi32, #tpu.memory_space<hbm>>, %arg4: memref<1280x128xi32, #tpu.memory_space<hbm>>, %arg5: memref<10240x128xf32, #tpu.memory_space<hbm>>, %arg6: memref<20480x128xf32, #tpu.memory_space<hbm>>, %arg7: memref<16x128xi32, #tpu.memory_space<vmem>>, %arg8: memref<16x128xi32, #tpu.memory_space<vmem>>, %arg9: memref<128x128xf32, #tpu.memory_space<vmem>>, %arg10: memref<128x128xf32, #tpu.memory_space<vmem>>, %arg11: memref<10240x128xf32, #tpu.memory_space<vmem_shared>>, %arg12: memref<!tpu.dma_semaphore, #tpu.memory_space<semaphore_mem>>, %arg13: memref<!tpu.dma_semaphore, #tpu.memory_space<semaphore_mem>>) attributes {dimension_semantics = [#tpu.dimension_semantics<core_parallel>, #tpu.dimension_semantics<subcore_parallel>], iteration_bounds = array<i64: 2, 16>, scalar_prefetch = 0 : i64, scratch_operands = 7 : i64, tpu.core_type = #tpu.core_type<sc_vector_subcore>, window_params = [{transform_indices = #map}, {transform_indices = #map}, {transform_indices = #map}, {transform_indices = #map}, {transform_indices = #map}]} {
    %mul3A = arith.constant 640 : i32
    %mul3A_0 = arith.muli %arg1, %mul3A : i32
    %mul3A_1 = arith.constant 80 : i32
    %mul3A_2 = arith.muli %arg1, %mul3A_1 : i32
    %mul3A_3 = arith.constant 1280 : i32
    %mul3A_4 = arith.muli %arg0, %mul3A_3 : i32
    %add3A = arith.addi %mul3A_4, %mul3A_2 : i32
    "tpu.region"() ({
      %run_scoped3A = tpu.sem_alloc : memref<!tpu.dma_semaphore, #tpu.memory_space<semaphore_mem>>
      %dma_start3A_26 = arith.constant 0 : i32
      %dma_start3A_27 = tpu.memref_slice %arg3[%add3A, %dma_start3A_26] : memref<2560x128xi32, #tpu.memory_space<hbm>> -> memref<16x128xi32, #tpu.memory_space<hbm>>
      %dma_start3A_28 = arith.constant 0 : i32
      %dma_start3A_29 = tpu.memref_slice %arg3[%add3A, %dma_start3A_28] : memref<2560x128xi32, #tpu.memory_space<hbm>> -> memref<16x128xi32, #tpu.memory_space<hbm>>
      tpu.enqueue_dma source(%dma_start3A_29 : memref<16x128xi32, #tpu.memory_space<hbm>>) target(%arg7 : memref<16x128xi32, #tpu.memory_space<vmem>>) target_semaphore(%run_scoped3A : memref<!tpu.dma_semaphore, #tpu.memory_space<semaphore_mem>>)
      %dma_wait3A = arith.constant 0 : i32
      %dma_wait3A_30 = tpu.memref_slice %arg3[%add3A, %dma_wait3A] : memref<2560x128xi32, #tpu.memory_space<hbm>> -> memref<16x128xi32, #tpu.memory_space<hbm>>
      %dma_wait3A_31 = arith.constant 0 : i32
      %dma_wait3A_32 = tpu.memref_slice %arg3[%add3A, %dma_wait3A_31] : memref<2560x128xi32, #tpu.memory_space<hbm>> -> memref<16x128xi32, #tpu.memory_space<hbm>>
      tpu.wait_dma2 semaphore(%run_scoped3A : memref<!tpu.dma_semaphore, #tpu.memory_space<semaphore_mem>>) src(%dma_wait3A_32 : memref<16x128xi32, #tpu.memory_space<hbm>>) dst(%arg7 : memref<16x128xi32, #tpu.memory_space<vmem>>)
      tpu.yield
    }) : () -> ()
    "tpu.region"() ({
      %run_scoped3A = tpu.sem_alloc : memref<!tpu.dma_semaphore, #tpu.memory_space<semaphore_mem>>
      %dma_start3A_26 = arith.constant 0 : i32
      %dma_start3A_27 = tpu.memref_slice %arg4[%mul3A_2, %dma_start3A_26] : memref<1280x128xi32, #tpu.memory_space<hbm>> -> memref<16x128xi32, #tpu.memory_space<hbm>>
      %dma_start3A_28 = arith.constant 0 : i32
      %dma_start3A_29 = tpu.memref_slice %arg4[%mul3A_2, %dma_start3A_28] : memref<1280x128xi32, #tpu.memory_space<hbm>> -> memref<16x128xi32, #tpu.memory_space<hbm>>
      tpu.enqueue_dma source(%dma_start3A_29 : memref<16x128xi32, #tpu.memory_space<hbm>>) target(%arg8 : memref<16x128xi32, #tpu.memory_space<vmem>>) target_semaphore(%run_scoped3A : memref<!tpu.dma_semaphore, #tpu.memory_space<semaphore_mem>>)
      %dma_wait3A = arith.constant 0 : i32
      %dma_wait3A_30 = tpu.memref_slice %arg4[%mul3A_2, %dma_wait3A] : memref<1280x128xi32, #tpu.memory_space<hbm>> -> memref<16x128xi32, #tpu.memory_space<hbm>>
      %dma_wait3A_31 = arith.constant 0 : i32
      %dma_wait3A_32 = tpu.memref_slice %arg4[%mul3A_2, %dma_wait3A_31] : memref<1280x128xi32, #tpu.memory_space<hbm>> -> memref<16x128xi32, #tpu.memory_space<hbm>>
      tpu.wait_dma2 semaphore(%run_scoped3A : memref<!tpu.dma_semaphore, #tpu.memory_space<semaphore_mem>>) src(%dma_wait3A_32 : memref<16x128xi32, #tpu.memory_space<hbm>>) dst(%arg8 : memref<16x128xi32, #tpu.memory_space<vmem>>)
      tpu.yield
    }) : () -> ()
    "tpu.region"() ({
      %run_scoped3A = tpu.sem_alloc : memref<!tpu.dma_semaphore, #tpu.memory_space<semaphore_mem>>
      %dma_start3A_26 = arith.constant 0 : i32
      %dma_start3A_27 = tpu.memref_slice %arg11[%mul3A_0, %dma_start3A_26] : memref<10240x128xf32, #tpu.memory_space<vmem_shared>> -> memref<640x128xf32, #tpu.memory_space<vmem_shared>>
      %dma_start3A_28 = arith.constant 0 : i32
      %dma_start3A_29 = tpu.memref_slice %arg5[%mul3A_0, %dma_start3A_28] : memref<10240x128xf32, #tpu.memory_space<hbm>> -> memref<640x128xf32, #tpu.memory_space<hbm>>
      tpu.enqueue_dma source(%dma_start3A_29 : memref<640x128xf32, #tpu.memory_space<hbm>>) target(%dma_start3A_27 : memref<640x128xf32, #tpu.memory_space<vmem_shared>>) target_semaphore(%run_scoped3A : memref<!tpu.dma_semaphore, #tpu.memory_space<semaphore_mem>>)
      %dma_wait3A = arith.constant 0 : i32
      %dma_wait3A_30 = tpu.memref_slice %arg11[%mul3A_0, %dma_wait3A] : memref<10240x128xf32, #tpu.memory_space<vmem_shared>> -> memref<640x128xf32, #tpu.memory_space<vmem_shared>>
      %dma_wait3A_31 = arith.constant 0 : i32
      %dma_wait3A_32 = tpu.memref_slice %arg5[%mul3A_0, %dma_wait3A_31] : memref<10240x128xf32, #tpu.memory_space<hbm>> -> memref<640x128xf32, #tpu.memory_space<hbm>>
      tpu.wait_dma2 semaphore(%run_scoped3A : memref<!tpu.dma_semaphore, #tpu.memory_space<semaphore_mem>>) src(%dma_wait3A_32 : memref<640x128xf32, #tpu.memory_space<hbm>>) dst(%dma_wait3A_30 : memref<640x128xf32, #tpu.memory_space<vmem_shared>>)
      tpu.yield
    }) : () -> ()
    %barrier3A = arith.constant 0 : index
    tpu.barrier barrier_id(%barrier3A)
    %dma_start3A = arith.constant 0 : i32
    %dma_start3A_5 = arith.constant 0 : i32
    %dma_start3A_6 = tpu.memref_slice %arg7[%dma_start3A, %dma_start3A_5] : memref<16x128xi32, #tpu.memory_space<vmem>> -> memref<1x128xi32, #tpu.memory_space<vmem>>
    %dma_start3A_7 = tpu.memref_squeeze %dma_start3A_6 : memref<1x128xi32, #tpu.memory_space<vmem>> -> memref<128xi32, #tpu.memory_space<vmem>>
    %dma_start3A_8 = arith.constant 0 : i32
    %dma_start3A_9 = arith.constant 0 : i32
    %dma_start3A_10 = tpu.memref_slice %arg2[%dma_start3A_8, %dma_start3A_9] : memref<20480x128xf32, #tpu.memory_space<hbm>> -> memref<20480x128xf32, #tpu.memory_space<hbm>>
    tpu.enqueue_indirect_dma source(%dma_start3A_10 : memref<20480x128xf32, #tpu.memory_space<hbm>>) target(%arg9 : memref<128x128xf32, #tpu.memory_space<vmem>>) offsets(%dma_start3A_7 : memref<128xi32, #tpu.memory_space<vmem>>) semaphore(%arg12 : memref<!tpu.dma_semaphore, #tpu.memory_space<semaphore_mem>>)
    %dma_start3A_11 = arith.constant 1 : i32
    %dma_start3A_12 = arith.constant 0 : i32
    %dma_start3A_13 = tpu.memref_slice %arg7[%dma_start3A_11, %dma_start3A_12] : memref<16x128xi32, #tpu.memory_space<vmem>> -> memref<1x128xi32, #tpu.memory_space<vmem>>
    %dma_start3A_14 = tpu.memref_squeeze %dma_start3A_13 : memref<1x128xi32, #tpu.memory_space<vmem>> -> memref<128xi32, #tpu.memory_space<vmem>>
    %dma_start3A_15 = arith.constant 0 : i32
    %dma_start3A_16 = arith.constant 0 : i32
    %dma_start3A_17 = tpu.memref_slice %arg2[%dma_start3A_15, %dma_start3A_16] : memref<20480x128xf32, #tpu.memory_space<hbm>> -> memref<20480x128xf32, #tpu.memory_space<hbm>>
    tpu.enqueue_indirect_dma source(%dma_start3A_17 : memref<20480x128xf32, #tpu.memory_space<hbm>>) target(%arg10 : memref<128x128xf32, #tpu.memory_space<vmem>>) offsets(%dma_start3A_14 : memref<128xi32, #tpu.memory_space<vmem>>) semaphore(%arg13 : memref<!tpu.dma_semaphore, #tpu.memory_space<semaphore_mem>>)
    %scan3A = arith.constant 0 : i32
    %scan3A_18 = arith.constant 10 : i32
    %scan3A_19 = arith.addi %scan3A, %scan3A_18 : i32
    %scan3A_20 = arith.constant 1 : i32
    scf.for %scan3A_26 = %scan3A to %scan3A_19 step %scan3A_20  : i32 {
      %mul3A_27 = arith.constant 1 : i32
      %mul3A_28 = arith.muli %scan3A_26, %mul3A_27 : i32
      %add3A_29 = arith.constant 0 : i32
      %add3A_30 = arith.addi %add3A_29, %mul3A_28 : i32
      %rem3A = arith.constant 2 : i32
      %rem3A_31 = arith.remsi %add3A_30, %rem3A : i32
      %mul3A_32 = arith.constant 8 : i32
      %mul3A_33 = arith.muli %rem3A_31, %mul3A_32 : i32
      %ge3A = arith.constant 1 : i32
      %ge3A_34 = arith.cmpi sge, %add3A_30, %ge3A : i32
      %lt3A = arith.constant 9 : i32
      %lt3A_35 = arith.cmpi slt, %add3A_30, %lt3A : i32
      %and3A = arith.andi %ge3A_34, %lt3A_35 : i1
      %convert_element_type3A = arith.extui %and3A : i1 to i32
      %cond3A = arith.constant 0 : i32
      %cond3A_36 = arith.cmpi ne, %convert_element_type3A, %cond3A : i32
      scf.if %cond3A_36 {
        %sub3A = arith.constant 8 : i32
        %sub3A_196 = arith.subi %sub3A, %mul3A_33 : i32
        %mul3A_197 = arith.constant 1280 : i32
        %mul3A_198 = arith.muli %arg0, %mul3A_197 : i32
        %add3A_199 = arith.addi %mul3A_198, %mul3A_2 : i32
        %add3A_200 = arith.constant 1 : i32
        %add3A_201 = arith.addi %add3A_30, %add3A_200 : i32
        %mul3A_202 = arith.constant 8 : i32
        %mul3A_203 = arith.muli %add3A_201, %mul3A_202 : i32
        %add3A_204 = arith.addi %add3A_199, %mul3A_203 : i32
        "tpu.region"() ({
          %run_scoped3A = tpu.sem_alloc : memref<!tpu.dma_semaphore, #tpu.memory_space<semaphore_mem>>
          %dma_start3A_210 = arith.constant 0 : i32
          %dma_start3A_211 = tpu.memref_slice %arg7[%sub3A_196, %dma_start3A_210] : memref<16x128xi32, #tpu.memory_space<vmem>> -> memref<8x128xi32, #tpu.memory_space<vmem>>
          %dma_start3A_212 = arith.constant 0 : i32
          %dma_start3A_213 = tpu.memref_slice %arg3[%add3A_204, %dma_start3A_212] : memref<2560x128xi32, #tpu.memory_space<hbm>> -> memref<8x128xi32, #tpu.memory_space<hbm>>
          %dma_start3A_214 = arith.constant 0 : i32
          %dma_start3A_215 = tpu.memref_slice %arg7[%sub3A_196, %dma_start3A_214] : memref<16x128xi32, #tpu.memory_space<vmem>> -> memref<8x128xi32, #tpu.memory_space<vmem>>
          %dma_start3A_216 = arith.constant 0 : i32
          %dma_start3A_217 = tpu.memref_slice %arg3[%add3A_204, %dma_start3A_216] : memref<2560x128xi32, #tpu.memory_space<hbm>> -> memref<8x128xi32, #tpu.memory_space<hbm>>
          tpu.enqueue_dma source(%dma_start3A_217 : memref<8x128xi32, #tpu.memory_space<hbm>>) target(%dma_start3A_215 : memref<8x128xi32, #tpu.memory_space<vmem>>) target_semaphore(%run_scoped3A : memref<!tpu.dma_semaphore, #tpu.memory_space<semaphore_mem>>)
          %dma_wait3A_218 = arith.constant 0 : i32
          %dma_wait3A_219 = tpu.memref_slice %arg7[%sub3A_196, %dma_wait3A_218] : memref<16x128xi32, #tpu.memory_space<vmem>> -> memref<8x128xi32, #tpu.memory_space<vmem>>
          %dma_wait3A_220 = arith.constant 0 : i32
          %dma_wait3A_221 = tpu.memref_slice %arg3[%add3A_204, %dma_wait3A_220] : memref<2560x128xi32, #tpu.memory_space<hbm>> -> memref<8x128xi32, #tpu.memory_space<hbm>>
          %dma_wait3A_222 = arith.constant 0 : i32
          %dma_wait3A_223 = tpu.memref_slice %arg7[%sub3A_196, %dma_wait3A_222] : memref<16x128xi32, #tpu.memory_space<vmem>> -> memref<8x128xi32, #tpu.memory_space<vmem>>
          %dma_wait3A_224 = arith.constant 0 : i32
          %dma_wait3A_225 = tpu.memref_slice %arg3[%add3A_204, %dma_wait3A_224] : memref<2560x128xi32, #tpu.memory_space<hbm>> -> memref<8x128xi32, #tpu.memory_space<hbm>>
          tpu.wait_dma2 semaphore(%run_scoped3A : memref<!tpu.dma_semaphore, #tpu.memory_space<semaphore_mem>>) src(%dma_wait3A_225 : memref<8x128xi32, #tpu.memory_space<hbm>>) dst(%dma_wait3A_223 : memref<8x128xi32, #tpu.memory_space<vmem>>)
          tpu.yield
        }) : () -> ()
        %add3A_205 = arith.constant 1 : i32
        %add3A_206 = arith.addi %add3A_30, %add3A_205 : i32
        %mul3A_207 = arith.constant 8 : i32
        %mul3A_208 = arith.muli %add3A_206, %mul3A_207 : i32
        %add3A_209 = arith.addi %mul3A_2, %mul3A_208 : i32
        "tpu.region"() ({
          %run_scoped3A = tpu.sem_alloc : memref<!tpu.dma_semaphore, #tpu.memory_space<semaphore_mem>>
          %dma_start3A_210 = arith.constant 0 : i32
          %dma_start3A_211 = tpu.memref_slice %arg8[%sub3A_196, %dma_start3A_210] : memref<16x128xi32, #tpu.memory_space<vmem>> -> memref<8x128xi32, #tpu.memory_space<vmem>>
          %dma_start3A_212 = arith.constant 0 : i32
          %dma_start3A_213 = tpu.memref_slice %arg4[%add3A_209, %dma_start3A_212] : memref<1280x128xi32, #tpu.memory_space<hbm>> -> memref<8x128xi32, #tpu.memory_space<hbm>>
          %dma_start3A_214 = arith.constant 0 : i32
          %dma_start3A_215 = tpu.memref_slice %arg8[%sub3A_196, %dma_start3A_214] : memref<16x128xi32, #tpu.memory_space<vmem>> -> memref<8x128xi32, #tpu.memory_space<vmem>>
          %dma_start3A_216 = arith.constant 0 : i32
          %dma_start3A_217 = tpu.memref_slice %arg4[%add3A_209, %dma_start3A_216] : memref<1280x128xi32, #tpu.memory_space<hbm>> -> memref<8x128xi32, #tpu.memory_space<hbm>>
          tpu.enqueue_dma source(%dma_start3A_217 : memref<8x128xi32, #tpu.memory_space<hbm>>) target(%dma_start3A_215 : memref<8x128xi32, #tpu.memory_space<vmem>>) target_semaphore(%run_scoped3A : memref<!tpu.dma_semaphore, #tpu.memory_space<semaphore_mem>>)
          %dma_wait3A_218 = arith.constant 0 : i32
          %dma_wait3A_219 = tpu.memref_slice %arg8[%sub3A_196, %dma_wait3A_218] : memref<16x128xi32, #tpu.memory_space<vmem>> -> memref<8x128xi32, #tpu.memory_space<vmem>>
          %dma_wait3A_220 = arith.constant 0 : i32
          %dma_wait3A_221 = tpu.memref_slice %arg4[%add3A_209, %dma_wait3A_220] : memref<1280x128xi32, #tpu.memory_space<hbm>> -> memref<8x128xi32, #tpu.memory_space<hbm>>
          %dma_wait3A_222 = arith.constant 0 : i32
          %dma_wait3A_223 = tpu.memref_slice %arg8[%sub3A_196, %dma_wait3A_222] : memref<16x128xi32, #tpu.memory_space<vmem>> -> memref<8x128xi32, #tpu.memory_space<vmem>>
          %dma_wait3A_224 = arith.constant 0 : i32
          %dma_wait3A_225 = tpu.memref_slice %arg4[%add3A_209, %dma_wait3A_224] : memref<1280x128xi32, #tpu.memory_space<hbm>> -> memref<8x128xi32, #tpu.memory_space<hbm>>
          tpu.wait_dma2 semaphore(%run_scoped3A : memref<!tpu.dma_semaphore, #tpu.memory_space<semaphore_mem>>) src(%dma_wait3A_225 : memref<8x128xi32, #tpu.memory_space<hbm>>) dst(%dma_wait3A_223 : memref<8x128xi32, #tpu.memory_space<vmem>>)
          tpu.yield
        }) : () -> ()
      } else {
      }
      %mul3A_37 = arith.constant 8 : i32
      %mul3A_38 = arith.muli %add3A_30, %mul3A_37 : i32
      %add3A_39 = arith.constant 0 : i32
      %add3A_40 = arith.addi %mul3A_38, %add3A_39 : i32
      %dma_wait3A = arith.constant 0 : i32
      %dma_wait3A_41 = arith.constant 0 : i32
      %dma_wait3A_42 = tpu.memref_slice %arg7[%dma_wait3A, %dma_wait3A_41] : memref<16x128xi32, #tpu.memory_space<vmem>> -> memref<1x128xi32, #tpu.memory_space<vmem>>
      %dma_wait3A_43 = tpu.memref_squeeze %dma_wait3A_42 : memref<1x128xi32, #tpu.memory_space<vmem>> -> memref<128xi32, #tpu.memory_space<vmem>>
      %dma_wait3A_44 = arith.constant 0 : i32
      %dma_wait3A_45 = arith.constant 0 : i32
      %dma_wait3A_46 = tpu.memref_slice %arg2[%dma_wait3A_44, %dma_wait3A_45] : memref<20480x128xf32, #tpu.memory_space<hbm>> -> memref<20480x128xf32, #tpu.memory_space<hbm>>
      tpu.wait_indirect_dma semaphore(%arg12 : memref<!tpu.dma_semaphore, #tpu.memory_space<semaphore_mem>>) src(%dma_wait3A_46 : memref<20480x128xf32, #tpu.memory_space<hbm>>) dst(%arg9 : memref<128x128xf32, #tpu.memory_space<vmem>>)
      %add3A_47 = arith.constant 0 : i32
      %add3A_48 = arith.addi %mul3A_33, %add3A_47 : i32
      "tpu.region"() ({
        %run_scoped3A = tpu.sem_alloc : memref<!tpu.dma_semaphore, #tpu.memory_space<semaphore_mem>>
        %dma_start3A_196 = arith.constant 0 : i32
        %dma_start3A_197 = tpu.memref_slice %arg8[%add3A_48, %dma_start3A_196] : memref<16x128xi32, #tpu.memory_space<vmem>> -> memref<1x128xi32, #tpu.memory_space<vmem>>
        %dma_start3A_198 = tpu.memref_squeeze %dma_start3A_197 : memref<1x128xi32, #tpu.memory_space<vmem>> -> memref<128xi32, #tpu.memory_space<vmem>>
        %dma_start3A_199 = arith.constant 0 : i32
        %dma_start3A_200 = arith.constant 0 : i32
        %dma_start3A_201 = tpu.memref_slice %arg11[%dma_start3A_199, %dma_start3A_200] : memref<10240x128xf32, #tpu.memory_space<vmem_shared>> -> memref<10240x128xf32, #tpu.memory_space<vmem_shared>>
        tpu.enqueue_indirect_dma source(%arg9 : memref<128x128xf32, #tpu.memory_space<vmem>>) target(%dma_start3A_201 : memref<10240x128xf32, #tpu.memory_space<vmem_shared>>) offsets(%dma_start3A_198 : memref<128xi32, #tpu.memory_space<vmem>>) semaphore(%run_scoped3A : memref<!tpu.dma_semaphore, #tpu.memory_space<semaphore_mem>>) {add = true}
        %dma_wait3A_202 = arith.constant 0 : i32
        %dma_wait3A_203 = tpu.memref_slice %arg8[%add3A_48, %dma_wait3A_202] : memref<16x128xi32, #tpu.memory_space<vmem>> -> memref<1x128xi32, #tpu.memory_space<vmem>>
        %dma_wait3A_204 = tpu.memref_squeeze %dma_wait3A_203 : memref<1x128xi32, #tpu.memory_space<vmem>> -> memref<128xi32, #tpu.memory_space<vmem>>
        %dma_wait3A_205 = arith.constant 0 : i32
        %dma_wait3A_206 = arith.constant 0 : i32
        %dma_wait3A_207 = tpu.memref_slice %arg11[%dma_wait3A_205, %dma_wait3A_206] : memref<10240x128xf32, #tpu.memory_space<vmem_shared>> -> memref<10240x128xf32, #tpu.memory_space<vmem_shared>>
        tpu.wait_indirect_dma semaphore(%run_scoped3A : memref<!tpu.dma_semaphore, #tpu.memory_space<semaphore_mem>>) src(%arg9 : memref<128x128xf32, #tpu.memory_space<vmem>>) dst(%dma_wait3A_207 : memref<10240x128xf32, #tpu.memory_space<vmem_shared>>)
        tpu.yield
      }) : () -> ()
      %add3A_49 = arith.constant 2 : i32
      %add3A_50 = arith.addi %add3A_40, %add3A_49 : i32
      %lt3A_51 = arith.constant 80 : i32
      %lt3A_52 = arith.cmpi slt, %add3A_50, %lt3A_51 : i32
      %convert_element_type3A_53 = arith.extui %lt3A_52 : i1 to i32
      %cond3A_54 = arith.constant 0 : i32
      %cond3A_55 = arith.cmpi ne, %convert_element_type3A_53, %cond3A_54 : i32
      scf.if %cond3A_55 {
        %add3A_196 = arith.constant 2 : i32
        %add3A_197 = arith.addi %add3A_40, %add3A_196 : i32
        %rem3A_198 = arith.constant 16 : i32
        %rem3A_199 = arith.remsi %add3A_197, %rem3A_198 : i32
        %dma_start3A_200 = arith.constant 0 : i32
        %dma_start3A_201 = tpu.memref_slice %arg7[%rem3A_199, %dma_start3A_200] : memref<16x128xi32, #tpu.memory_space<vmem>> -> memref<1x128xi32, #tpu.memory_space<vmem>>
        %dma_start3A_202 = tpu.memref_squeeze %dma_start3A_201 : memref<1x128xi32, #tpu.memory_space<vmem>> -> memref<128xi32, #tpu.memory_space<vmem>>
        %dma_start3A_203 = arith.constant 0 : i32
        %dma_start3A_204 = arith.constant 0 : i32
        %dma_start3A_205 = tpu.memref_slice %arg2[%dma_start3A_203, %dma_start3A_204] : memref<20480x128xf32, #tpu.memory_space<hbm>> -> memref<20480x128xf32, #tpu.memory_space<hbm>>
        tpu.enqueue_indirect_dma source(%dma_start3A_205 : memref<20480x128xf32, #tpu.memory_space<hbm>>) target(%arg9 : memref<128x128xf32, #tpu.memory_space<vmem>>) offsets(%dma_start3A_202 : memref<128xi32, #tpu.memory_space<vmem>>) semaphore(%arg12 : memref<!tpu.dma_semaphore, #tpu.memory_space<semaphore_mem>>)
      } else {
      }
      %mul3A_56 = arith.constant 8 : i32
      %mul3A_57 = arith.muli %add3A_30, %mul3A_56 : i32
      %add3A_58 = arith.constant 1 : i32
      %add3A_59 = arith.addi %mul3A_57, %add3A_58 : i32
      %dma_wait3A_60 = arith.constant 0 : i32
      %dma_wait3A_61 = arith.constant 0 : i32
      %dma_wait3A_62 = tpu.memref_slice %arg7[%dma_wait3A_60, %dma_wait3A_61] : memref<16x128xi32, #tpu.memory_space<vmem>> -> memref<1x128xi32, #tpu.memory_space<vmem>>
      %dma_wait3A_63 = tpu.memref_squeeze %dma_wait3A_62 : memref<1x128xi32, #tpu.memory_space<vmem>> -> memref<128xi32, #tpu.memory_space<vmem>>
      %dma_wait3A_64 = arith.constant 0 : i32
      %dma_wait3A_65 = arith.constant 0 : i32
      %dma_wait3A_66 = tpu.memref_slice %arg2[%dma_wait3A_64, %dma_wait3A_65] : memref<20480x128xf32, #tpu.memory_space<hbm>> -> memref<20480x128xf32, #tpu.memory_space<hbm>>
      tpu.wait_indirect_dma semaphore(%arg13 : memref<!tpu.dma_semaphore, #tpu.memory_space<semaphore_mem>>) src(%dma_wait3A_66 : memref<20480x128xf32, #tpu.memory_space<hbm>>) dst(%arg10 : memref<128x128xf32, #tpu.memory_space<vmem>>)
      %add3A_67 = arith.constant 1 : i32
      %add3A_68 = arith.addi %mul3A_33, %add3A_67 : i32
      "tpu.region"() ({
        %run_scoped3A = tpu.sem_alloc : memref<!tpu.dma_semaphore, #tpu.memory_space<semaphore_mem>>
        %dma_start3A_196 = arith.constant 0 : i32
        %dma_start3A_197 = tpu.memref_slice %arg8[%add3A_68, %dma_start3A_196] : memref<16x128xi32, #tpu.memory_space<vmem>> -> memref<1x128xi32, #tpu.memory_space<vmem>>
        %dma_start3A_198 = tpu.memref_squeeze %dma_start3A_197 : memref<1x128xi32, #tpu.memory_space<vmem>> -> memref<128xi32, #tpu.memory_space<vmem>>
        %dma_start3A_199 = arith.constant 0 : i32
        %dma_start3A_200 = arith.constant 0 : i32
        %dma_start3A_201 = tpu.memref_slice %arg11[%dma_start3A_199, %dma_start3A_200] : memref<10240x128xf32, #tpu.memory_space<vmem_shared>> -> memref<10240x128xf32, #tpu.memory_space<vmem_shared>>
        tpu.enqueue_indirect_dma source(%arg10 : memref<128x128xf32, #tpu.memory_space<vmem>>) target(%dma_start3A_201 : memref<10240x128xf32, #tpu.memory_space<vmem_shared>>) offsets(%dma_start3A_198 : memref<128xi32, #tpu.memory_space<vmem>>) semaphore(%run_scoped3A : memref<!tpu.dma_semaphore, #tpu.memory_space<semaphore_mem>>) {add = true}
        %dma_wait3A_202 = arith.constant 0 : i32
        %dma_wait3A_203 = tpu.memref_slice %arg8[%add3A_68, %dma_wait3A_202] : memref<16x128xi32, #tpu.memory_space<vmem>> -> memref<1x128xi32, #tpu.memory_space<vmem>>
        %dma_wait3A_204 = tpu.memref_squeeze %dma_wait3A_203 : memref<1x128xi32, #tpu.memory_space<vmem>> -> memref<128xi32, #tpu.memory_space<vmem>>
        %dma_wait3A_205 = arith.constant 0 : i32
        %dma_wait3A_206 = arith.constant 0 : i32
        %dma_wait3A_207 = tpu.memref_slice %arg11[%dma_wait3A_205, %dma_wait3A_206] : memref<10240x128xf32, #tpu.memory_space<vmem_shared>> -> memref<10240x128xf32, #tpu.memory_space<vmem_shared>>
        tpu.wait_indirect_dma semaphore(%run_scoped3A : memref<!tpu.dma_semaphore, #tpu.memory_space<semaphore_mem>>) src(%arg10 : memref<128x128xf32, #tpu.memory_space<vmem>>) dst(%dma_wait3A_207 : memref<10240x128xf32, #tpu.memory_space<vmem_shared>>)
        tpu.yield
      }) : () -> ()
      %add3A_69 = arith.constant 2 : i32
      %add3A_70 = arith.addi %add3A_59, %add3A_69 : i32
      %lt3A_71 = arith.constant 80 : i32
      %lt3A_72 = arith.cmpi slt, %add3A_70, %lt3A_71 : i32
      %convert_element_type3A_73 = arith.extui %lt3A_72 : i1 to i32
      %cond3A_74 = arith.constant 0 : i32
      %cond3A_75 = arith.cmpi ne, %convert_element_type3A_73, %cond3A_74 : i32
      scf.if %cond3A_75 {
        %add3A_196 = arith.constant 2 : i32
        %add3A_197 = arith.addi %add3A_59, %add3A_196 : i32
        %rem3A_198 = arith.constant 16 : i32
        %rem3A_199 = arith.remsi %add3A_197, %rem3A_198 : i32
        %dma_start3A_200 = arith.constant 0 : i32
        %dma_start3A_201 = tpu.memref_slice %arg7[%rem3A_199, %dma_start3A_200] : memref<16x128xi32, #tpu.memory_space<vmem>> -> memref<1x128xi32, #tpu.memory_space<vmem>>
        %dma_start3A_202 = tpu.memref_squeeze %dma_start3A_201 : memref<1x128xi32, #tpu.memory_space<vmem>> -> memref<128xi32, #tpu.memory_space<vmem>>
        %dma_start3A_203 = arith.constant 0 : i32
        %dma_start3A_204 = arith.constant 0 : i32
        %dma_start3A_205 = tpu.memref_slice %arg2[%dma_start3A_203, %dma_start3A_204] : memref<20480x128xf32, #tpu.memory_space<hbm>> -> memref<20480x128xf32, #tpu.memory_space<hbm>>
        tpu.enqueue_indirect_dma source(%dma_start3A_205 : memref<20480x128xf32, #tpu.memory_space<hbm>>) target(%arg10 : memref<128x128xf32, #tpu.memory_space<vmem>>) offsets(%dma_start3A_202 : memref<128xi32, #tpu.memory_space<vmem>>) semaphore(%arg13 : memref<!tpu.dma_semaphore, #tpu.memory_space<semaphore_mem>>)
      } else {
      }
      %mul3A_76 = arith.constant 8 : i32
      %mul3A_77 = arith.muli %add3A_30, %mul3A_76 : i32
      %add3A_78 = arith.constant 2 : i32
      %add3A_79 = arith.addi %mul3A_77, %add3A_78 : i32
      %dma_wait3A_80 = arith.constant 0 : i32
      %dma_wait3A_81 = arith.constant 0 : i32
      %dma_wait3A_82 = tpu.memref_slice %arg7[%dma_wait3A_80, %dma_wait3A_81] : memref<16x128xi32, #tpu.memory_space<vmem>> -> memref<1x128xi32, #tpu.memory_space<vmem>>
      %dma_wait3A_83 = tpu.memref_squeeze %dma_wait3A_82 : memref<1x128xi32, #tpu.memory_space<vmem>> -> memref<128xi32, #tpu.memory_space<vmem>>
      %dma_wait3A_84 = arith.constant 0 : i32
      %dma_wait3A_85 = arith.constant 0 : i32
      %dma_wait3A_86 = tpu.memref_slice %arg2[%dma_wait3A_84, %dma_wait3A_85] : memref<20480x128xf32, #tpu.memory_space<hbm>> -> memref<20480x128xf32, #tpu.memory_space<hbm>>
      tpu.wait_indirect_dma semaphore(%arg12 : memref<!tpu.dma_semaphore, #tpu.memory_space<semaphore_mem>>) src(%dma_wait3A_86 : memref<20480x128xf32, #tpu.memory_space<hbm>>) dst(%arg9 : memref<128x128xf32, #tpu.memory_space<vmem>>)
      %add3A_87 = arith.constant 2 : i32
      %add3A_88 = arith.addi %mul3A_33, %add3A_87 : i32
      "tpu.region"() ({
        %run_scoped3A = tpu.sem_alloc : memref<!tpu.dma_semaphore, #tpu.memory_space<semaphore_mem>>
        %dma_start3A_196 = arith.constant 0 : i32
        %dma_start3A_197 = tpu.memref_slice %arg8[%add3A_88, %dma_start3A_196] : memref<16x128xi32, #tpu.memory_space<vmem>> -> memref<1x128xi32, #tpu.memory_space<vmem>>
        %dma_start3A_198 = tpu.memref_squeeze %dma_start3A_197 : memref<1x128xi32, #tpu.memory_space<vmem>> -> memref<128xi32, #tpu.memory_space<vmem>>
        %dma_start3A_199 = arith.constant 0 : i32
        %dma_start3A_200 = arith.constant 0 : i32
        %dma_start3A_201 = tpu.memref_slice %arg11[%dma_start3A_199, %dma_start3A_200] : memref<10240x128xf32, #tpu.memory_space<vmem_shared>> -> memref<10240x128xf32, #tpu.memory_space<vmem_shared>>
        tpu.enqueue_indirect_dma source(%arg9 : memref<128x128xf32, #tpu.memory_space<vmem>>) target(%dma_start3A_201 : memref<10240x128xf32, #tpu.memory_space<vmem_shared>>) offsets(%dma_start3A_198 : memref<128xi32, #tpu.memory_space<vmem>>) semaphore(%run_scoped3A : memref<!tpu.dma_semaphore, #tpu.memory_space<semaphore_mem>>) {add = true}
        %dma_wait3A_202 = arith.constant 0 : i32
        %dma_wait3A_203 = tpu.memref_slice %arg8[%add3A_88, %dma_wait3A_202] : memref<16x128xi32, #tpu.memory_space<vmem>> -> memref<1x128xi32, #tpu.memory_space<vmem>>
        %dma_wait3A_204 = tpu.memref_squeeze %dma_wait3A_203 : memref<1x128xi32, #tpu.memory_space<vmem>> -> memref<128xi32, #tpu.memory_space<vmem>>
        %dma_wait3A_205 = arith.constant 0 : i32
        %dma_wait3A_206 = arith.constant 0 : i32
        %dma_wait3A_207 = tpu.memref_slice %arg11[%dma_wait3A_205, %dma_wait3A_206] : memref<10240x128xf32, #tpu.memory_space<vmem_shared>> -> memref<10240x128xf32, #tpu.memory_space<vmem_shared>>
        tpu.wait_indirect_dma semaphore(%run_scoped3A : memref<!tpu.dma_semaphore, #tpu.memory_space<semaphore_mem>>) src(%arg9 : memref<128x128xf32, #tpu.memory_space<vmem>>) dst(%dma_wait3A_207 : memref<10240x128xf32, #tpu.memory_space<vmem_shared>>)
        tpu.yield
      }) : () -> ()
      %add3A_89 = arith.constant 2 : i32
      %add3A_90 = arith.addi %add3A_79, %add3A_89 : i32
      %lt3A_91 = arith.constant 80 : i32
      %lt3A_92 = arith.cmpi slt, %add3A_90, %lt3A_91 : i32
      %convert_element_type3A_93 = arith.extui %lt3A_92 : i1 to i32
      %cond3A_94 = arith.constant 0 : i32
      %cond3A_95 = arith.cmpi ne, %convert_element_type3A_93, %cond3A_94 : i32
      scf.if %cond3A_95 {
        %add3A_196 = arith.constant 2 : i32
        %add3A_197 = arith.addi %add3A_79, %add3A_196 : i32
        %rem3A_198 = arith.constant 16 : i32
        %rem3A_199 = arith.remsi %add3A_197, %rem3A_198 : i32
        %dma_start3A_200 = arith.constant 0 : i32
        %dma_start3A_201 = tpu.memref_slice %arg7[%rem3A_199, %dma_start3A_200] : memref<16x128xi32, #tpu.memory_space<vmem>> -> memref<1x128xi32, #tpu.memory_space<vmem>>
        %dma_start3A_202 = tpu.memref_squeeze %dma_start3A_201 : memref<1x128xi32, #tpu.memory_space<vmem>> -> memref<128xi32, #tpu.memory_space<vmem>>
        %dma_start3A_203 = arith.constant 0 : i32
        %dma_start3A_204 = arith.constant 0 : i32
        %dma_start3A_205 = tpu.memref_slice %arg2[%dma_start3A_203, %dma_start3A_204] : memref<20480x128xf32, #tpu.memory_space<hbm>> -> memref<20480x128xf32, #tpu.memory_space<hbm>>
        tpu.enqueue_indirect_dma source(%dma_start3A_205 : memref<20480x128xf32, #tpu.memory_space<hbm>>) target(%arg9 : memref<128x128xf32, #tpu.memory_space<vmem>>) offsets(%dma_start3A_202 : memref<128xi32, #tpu.memory_space<vmem>>) semaphore(%arg12 : memref<!tpu.dma_semaphore, #tpu.memory_space<semaphore_mem>>)
      } else {
      }
      %mul3A_96 = arith.constant 8 : i32
      %mul3A_97 = arith.muli %add3A_30, %mul3A_96 : i32
      %add3A_98 = arith.constant 3 : i32
      %add3A_99 = arith.addi %mul3A_97, %add3A_98 : i32
      %dma_wait3A_100 = arith.constant 0 : i32
      %dma_wait3A_101 = arith.constant 0 : i32
      %dma_wait3A_102 = tpu.memref_slice %arg7[%dma_wait3A_100, %dma_wait3A_101] : memref<16x128xi32, #tpu.memory_space<vmem>> -> memref<1x128xi32, #tpu.memory_space<vmem>>
      %dma_wait3A_103 = tpu.memref_squeeze %dma_wait3A_102 : memref<1x128xi32, #tpu.memory_space<vmem>> -> memref<128xi32, #tpu.memory_space<vmem>>
      %dma_wait3A_104 = arith.constant 0 : i32
      %dma_wait3A_105 = arith.constant 0 : i32
      %dma_wait3A_106 = tpu.memref_slice %arg2[%dma_wait3A_104, %dma_wait3A_105] : memref<20480x128xf32, #tpu.memory_space<hbm>> -> memref<20480x128xf32, #tpu.memory_space<hbm>>
      tpu.wait_indirect_dma semaphore(%arg13 : memref<!tpu.dma_semaphore, #tpu.memory_space<semaphore_mem>>) src(%dma_wait3A_106 : memref<20480x128xf32, #tpu.memory_space<hbm>>) dst(%arg10 : memref<128x128xf32, #tpu.memory_space<vmem>>)
      %add3A_107 = arith.constant 3 : i32
      %add3A_108 = arith.addi %mul3A_33, %add3A_107 : i32
      "tpu.region"() ({
        %run_scoped3A = tpu.sem_alloc : memref<!tpu.dma_semaphore, #tpu.memory_space<semaphore_mem>>
        %dma_start3A_196 = arith.constant 0 : i32
        %dma_start3A_197 = tpu.memref_slice %arg8[%add3A_108, %dma_start3A_196] : memref<16x128xi32, #tpu.memory_space<vmem>> -> memref<1x128xi32, #tpu.memory_space<vmem>>
        %dma_start3A_198 = tpu.memref_squeeze %dma_start3A_197 : memref<1x128xi32, #tpu.memory_space<vmem>> -> memref<128xi32, #tpu.memory_space<vmem>>
        %dma_start3A_199 = arith.constant 0 : i32
        %dma_start3A_200 = arith.constant 0 : i32
        %dma_start3A_201 = tpu.memref_slice %arg11[%dma_start3A_199, %dma_start3A_200] : memref<10240x128xf32, #tpu.memory_space<vmem_shared>> -> memref<10240x128xf32, #tpu.memory_space<vmem_shared>>
        tpu.enqueue_indirect_dma source(%arg10 : memref<128x128xf32, #tpu.memory_space<vmem>>) target(%dma_start3A_201 : memref<10240x128xf32, #tpu.memory_space<vmem_shared>>) offsets(%dma_start3A_198 : memref<128xi32, #tpu.memory_space<vmem>>) semaphore(%run_scoped3A : memref<!tpu.dma_semaphore, #tpu.memory_space<semaphore_mem>>) {add = true}
        %dma_wait3A_202 = arith.constant 0 : i32
        %dma_wait3A_203 = tpu.memref_slice %arg8[%add3A_108, %dma_wait3A_202] : memref<16x128xi32, #tpu.memory_space<vmem>> -> memref<1x128xi32, #tpu.memory_space<vmem>>
        %dma_wait3A_204 = tpu.memref_squeeze %dma_wait3A_203 : memref<1x128xi32, #tpu.memory_space<vmem>> -> memref<128xi32, #tpu.memory_space<vmem>>
        %dma_wait3A_205 = arith.constant 0 : i32
        %dma_wait3A_206 = arith.constant 0 : i32
        %dma_wait3A_207 = tpu.memref_slice %arg11[%dma_wait3A_205, %dma_wait3A_206] : memref<10240x128xf32, #tpu.memory_space<vmem_shared>> -> memref<10240x128xf32, #tpu.memory_space<vmem_shared>>
        tpu.wait_indirect_dma semaphore(%run_scoped3A : memref<!tpu.dma_semaphore, #tpu.memory_space<semaphore_mem>>) src(%arg10 : memref<128x128xf32, #tpu.memory_space<vmem>>) dst(%dma_wait3A_207 : memref<10240x128xf32, #tpu.memory_space<vmem_shared>>)
        tpu.yield
      }) : () -> ()
      %add3A_109 = arith.constant 2 : i32
      %add3A_110 = arith.addi %add3A_99, %add3A_109 : i32
      %lt3A_111 = arith.constant 80 : i32
      %lt3A_112 = arith.cmpi slt, %add3A_110, %lt3A_111 : i32
      %convert_element_type3A_113 = arith.extui %lt3A_112 : i1 to i32
      %cond3A_114 = arith.constant 0 : i32
      %cond3A_115 = arith.cmpi ne, %convert_element_type3A_113, %cond3A_114 : i32
      scf.if %cond3A_115 {
        %add3A_196 = arith.constant 2 : i32
        %add3A_197 = arith.addi %add3A_99, %add3A_196 : i32
        %rem3A_198 = arith.constant 16 : i32
        %rem3A_199 = arith.remsi %add3A_197, %rem3A_198 : i32
        %dma_start3A_200 = arith.constant 0 : i32
        %dma_start3A_201 = tpu.memref_slice %arg7[%rem3A_199, %dma_start3A_200] : memref<16x128xi32, #tpu.memory_space<vmem>> -> memref<1x128xi32, #tpu.memory_space<vmem>>
        %dma_start3A_202 = tpu.memref_squeeze %dma_start3A_201 : memref<1x128xi32, #tpu.memory_space<vmem>> -> memref<128xi32, #tpu.memory_space<vmem>>
        %dma_start3A_203 = arith.constant 0 : i32
        %dma_start3A_204 = arith.constant 0 : i32
        %dma_start3A_205 = tpu.memref_slice %arg2[%dma_start3A_203, %dma_start3A_204] : memref<20480x128xf32, #tpu.memory_space<hbm>> -> memref<20480x128xf32, #tpu.memory_space<hbm>>
        tpu.enqueue_indirect_dma source(%dma_start3A_205 : memref<20480x128xf32, #tpu.memory_space<hbm>>) target(%arg10 : memref<128x128xf32, #tpu.memory_space<vmem>>) offsets(%dma_start3A_202 : memref<128xi32, #tpu.memory_space<vmem>>) semaphore(%arg13 : memref<!tpu.dma_semaphore, #tpu.memory_space<semaphore_mem>>)
      } else {
      }
      %mul3A_116 = arith.constant 8 : i32
      %mul3A_117 = arith.muli %add3A_30, %mul3A_116 : i32
      %add3A_118 = arith.constant 4 : i32
      %add3A_119 = arith.addi %mul3A_117, %add3A_118 : i32
      %dma_wait3A_120 = arith.constant 0 : i32
      %dma_wait3A_121 = arith.constant 0 : i32
      %dma_wait3A_122 = tpu.memref_slice %arg7[%dma_wait3A_120, %dma_wait3A_121] : memref<16x128xi32, #tpu.memory_space<vmem>> -> memref<1x128xi32, #tpu.memory_space<vmem>>
      %dma_wait3A_123 = tpu.memref_squeeze %dma_wait3A_122 : memref<1x128xi32, #tpu.memory_space<vmem>> -> memref<128xi32, #tpu.memory_space<vmem>>
      %dma_wait3A_124 = arith.constant 0 : i32
      %dma_wait3A_125 = arith.constant 0 : i32
      %dma_wait3A_126 = tpu.memref_slice %arg2[%dma_wait3A_124, %dma_wait3A_125] : memref<20480x128xf32, #tpu.memory_space<hbm>> -> memref<20480x128xf32, #tpu.memory_space<hbm>>
      tpu.wait_indirect_dma semaphore(%arg12 : memref<!tpu.dma_semaphore, #tpu.memory_space<semaphore_mem>>) src(%dma_wait3A_126 : memref<20480x128xf32, #tpu.memory_space<hbm>>) dst(%arg9 : memref<128x128xf32, #tpu.memory_space<vmem>>)
      %add3A_127 = arith.constant 4 : i32
      %add3A_128 = arith.addi %mul3A_33, %add3A_127 : i32
      "tpu.region"() ({
        %run_scoped3A = tpu.sem_alloc : memref<!tpu.dma_semaphore, #tpu.memory_space<semaphore_mem>>
        %dma_start3A_196 = arith.constant 0 : i32
        %dma_start3A_197 = tpu.memref_slice %arg8[%add3A_128, %dma_start3A_196] : memref<16x128xi32, #tpu.memory_space<vmem>> -> memref<1x128xi32, #tpu.memory_space<vmem>>
        %dma_start3A_198 = tpu.memref_squeeze %dma_start3A_197 : memref<1x128xi32, #tpu.memory_space<vmem>> -> memref<128xi32, #tpu.memory_space<vmem>>
        %dma_start3A_199 = arith.constant 0 : i32
        %dma_start3A_200 = arith.constant 0 : i32
        %dma_start3A_201 = tpu.memref_slice %arg11[%dma_start3A_199, %dma_start3A_200] : memref<10240x128xf32, #tpu.memory_space<vmem_shared>> -> memref<10240x128xf32, #tpu.memory_space<vmem_shared>>
        tpu.enqueue_indirect_dma source(%arg9 : memref<128x128xf32, #tpu.memory_space<vmem>>) target(%dma_start3A_201 : memref<10240x128xf32, #tpu.memory_space<vmem_shared>>) offsets(%dma_start3A_198 : memref<128xi32, #tpu.memory_space<vmem>>) semaphore(%run_scoped3A : memref<!tpu.dma_semaphore, #tpu.memory_space<semaphore_mem>>) {add = true}
        %dma_wait3A_202 = arith.constant 0 : i32
        %dma_wait3A_203 = tpu.memref_slice %arg8[%add3A_128, %dma_wait3A_202] : memref<16x128xi32, #tpu.memory_space<vmem>> -> memref<1x128xi32, #tpu.memory_space<vmem>>
        %dma_wait3A_204 = tpu.memref_squeeze %dma_wait3A_203 : memref<1x128xi32, #tpu.memory_space<vmem>> -> memref<128xi32, #tpu.memory_space<vmem>>
        %dma_wait3A_205 = arith.constant 0 : i32
        %dma_wait3A_206 = arith.constant 0 : i32
        %dma_wait3A_207 = tpu.memref_slice %arg11[%dma_wait3A_205, %dma_wait3A_206] : memref<10240x128xf32, #tpu.memory_space<vmem_shared>> -> memref<10240x128xf32, #tpu.memory_space<vmem_shared>>
        tpu.wait_indirect_dma semaphore(%run_scoped3A : memref<!tpu.dma_semaphore, #tpu.memory_space<semaphore_mem>>) src(%arg9 : memref<128x128xf32, #tpu.memory_space<vmem>>) dst(%dma_wait3A_207 : memref<10240x128xf32, #tpu.memory_space<vmem_shared>>)
        tpu.yield
      }) : () -> ()
      %add3A_129 = arith.constant 2 : i32
      %add3A_130 = arith.addi %add3A_119, %add3A_129 : i32
      %lt3A_131 = arith.constant 80 : i32
      %lt3A_132 = arith.cmpi slt, %add3A_130, %lt3A_131 : i32
      %convert_element_type3A_133 = arith.extui %lt3A_132 : i1 to i32
      %cond3A_134 = arith.constant 0 : i32
      %cond3A_135 = arith.cmpi ne, %convert_element_type3A_133, %cond3A_134 : i32
      scf.if %cond3A_135 {
        %add3A_196 = arith.constant 2 : i32
        %add3A_197 = arith.addi %add3A_119, %add3A_196 : i32
        %rem3A_198 = arith.constant 16 : i32
        %rem3A_199 = arith.remsi %add3A_197, %rem3A_198 : i32
        %dma_start3A_200 = arith.constant 0 : i32
        %dma_start3A_201 = tpu.memref_slice %arg7[%rem3A_199, %dma_start3A_200] : memref<16x128xi32, #tpu.memory_space<vmem>> -> memref<1x128xi32, #tpu.memory_space<vmem>>
        %dma_start3A_202 = tpu.memref_squeeze %dma_start3A_201 : memref<1x128xi32, #tpu.memory_space<vmem>> -> memref<128xi32, #tpu.memory_space<vmem>>
        %dma_start3A_203 = arith.constant 0 : i32
        %dma_start3A_204 = arith.constant 0 : i32
        %dma_start3A_205 = tpu.memref_slice %arg2[%dma_start3A_203, %dma_start3A_204] : memref<20480x128xf32, #tpu.memory_space<hbm>> -> memref<20480x128xf32, #tpu.memory_space<hbm>>
        tpu.enqueue_indirect_dma source(%dma_start3A_205 : memref<20480x128xf32, #tpu.memory_space<hbm>>) target(%arg9 : memref<128x128xf32, #tpu.memory_space<vmem>>) offsets(%dma_start3A_202 : memref<128xi32, #tpu.memory_space<vmem>>) semaphore(%arg12 : memref<!tpu.dma_semaphore, #tpu.memory_space<semaphore_mem>>)
      } else {
      }
      %mul3A_136 = arith.constant 8 : i32
      %mul3A_137 = arith.muli %add3A_30, %mul3A_136 : i32
      %add3A_138 = arith.constant 5 : i32
      %add3A_139 = arith.addi %mul3A_137, %add3A_138 : i32
      %dma_wait3A_140 = arith.constant 0 : i32
      %dma_wait3A_141 = arith.constant 0 : i32
      %dma_wait3A_142 = tpu.memref_slice %arg7[%dma_wait3A_140, %dma_wait3A_141] : memref<16x128xi32, #tpu.memory_space<vmem>> -> memref<1x128xi32, #tpu.memory_space<vmem>>
      %dma_wait3A_143 = tpu.memref_squeeze %dma_wait3A_142 : memref<1x128xi32, #tpu.memory_space<vmem>> -> memref<128xi32, #tpu.memory_space<vmem>>
      %dma_wait3A_144 = arith.constant 0 : i32
      %dma_wait3A_145 = arith.constant 0 : i32
      %dma_wait3A_146 = tpu.memref_slice %arg2[%dma_wait3A_144, %dma_wait3A_145] : memref<20480x128xf32, #tpu.memory_space<hbm>> -> memref<20480x128xf32, #tpu.memory_space<hbm>>
      tpu.wait_indirect_dma semaphore(%arg13 : memref<!tpu.dma_semaphore, #tpu.memory_space<semaphore_mem>>) src(%dma_wait3A_146 : memref<20480x128xf32, #tpu.memory_space<hbm>>) dst(%arg10 : memref<128x128xf32, #tpu.memory_space<vmem>>)
      %add3A_147 = arith.constant 5 : i32
      %add3A_148 = arith.addi %mul3A_33, %add3A_147 : i32
      "tpu.region"() ({
        %run_scoped3A = tpu.sem_alloc : memref<!tpu.dma_semaphore, #tpu.memory_space<semaphore_mem>>
        %dma_start3A_196 = arith.constant 0 : i32
        %dma_start3A_197 = tpu.memref_slice %arg8[%add3A_148, %dma_start3A_196] : memref<16x128xi32, #tpu.memory_space<vmem>> -> memref<1x128xi32, #tpu.memory_space<vmem>>
        %dma_start3A_198 = tpu.memref_squeeze %dma_start3A_197 : memref<1x128xi32, #tpu.memory_space<vmem>> -> memref<128xi32, #tpu.memory_space<vmem>>
        %dma_start3A_199 = arith.constant 0 : i32
        %dma_start3A_200 = arith.constant 0 : i32
        %dma_start3A_201 = tpu.memref_slice %arg11[%dma_start3A_199, %dma_start3A_200] : memref<10240x128xf32, #tpu.memory_space<vmem_shared>> -> memref<10240x128xf32, #tpu.memory_space<vmem_shared>>
        tpu.enqueue_indirect_dma source(%arg10 : memref<128x128xf32, #tpu.memory_space<vmem>>) target(%dma_start3A_201 : memref<10240x128xf32, #tpu.memory_space<vmem_shared>>) offsets(%dma_start3A_198 : memref<128xi32, #tpu.memory_space<vmem>>) semaphore(%run_scoped3A : memref<!tpu.dma_semaphore, #tpu.memory_space<semaphore_mem>>) {add = true}
        %dma_wait3A_202 = arith.constant 0 : i32
        %dma_wait3A_203 = tpu.memref_slice %arg8[%add3A_148, %dma_wait3A_202] : memref<16x128xi32, #tpu.memory_space<vmem>> -> memref<1x128xi32, #tpu.memory_space<vmem>>
        %dma_wait3A_204 = tpu.memref_squeeze %dma_wait3A_203 : memref<1x128xi32, #tpu.memory_space<vmem>> -> memref<128xi32, #tpu.memory_space<vmem>>
        %dma_wait3A_205 = arith.constant 0 : i32
        %dma_wait3A_206 = arith.constant 0 : i32
        %dma_wait3A_207 = tpu.memref_slice %arg11[%dma_wait3A_205, %dma_wait3A_206] : memref<10240x128xf32, #tpu.memory_space<vmem_shared>> -> memref<10240x128xf32, #tpu.memory_space<vmem_shared>>
        tpu.wait_indirect_dma semaphore(%run_scoped3A : memref<!tpu.dma_semaphore, #tpu.memory_space<semaphore_mem>>) src(%arg10 : memref<128x128xf32, #tpu.memory_space<vmem>>) dst(%dma_wait3A_207 : memref<10240x128xf32, #tpu.memory_space<vmem_shared>>)
        tpu.yield
      }) : () -> ()
      %add3A_149 = arith.constant 2 : i32
      %add3A_150 = arith.addi %add3A_139, %add3A_149 : i32
      %lt3A_151 = arith.constant 80 : i32
      %lt3A_152 = arith.cmpi slt, %add3A_150, %lt3A_151 : i32
      %convert_element_type3A_153 = arith.extui %lt3A_152 : i1 to i32
      %cond3A_154 = arith.constant 0 : i32
      %cond3A_155 = arith.cmpi ne, %convert_element_type3A_153, %cond3A_154 : i32
      scf.if %cond3A_155 {
        %add3A_196 = arith.constant 2 : i32
        %add3A_197 = arith.addi %add3A_139, %add3A_196 : i32
        %rem3A_198 = arith.constant 16 : i32
        %rem3A_199 = arith.remsi %add3A_197, %rem3A_198 : i32
        %dma_start3A_200 = arith.constant 0 : i32
        %dma_start3A_201 = tpu.memref_slice %arg7[%rem3A_199, %dma_start3A_200] : memref<16x128xi32, #tpu.memory_space<vmem>> -> memref<1x128xi32, #tpu.memory_space<vmem>>
        %dma_start3A_202 = tpu.memref_squeeze %dma_start3A_201 : memref<1x128xi32, #tpu.memory_space<vmem>> -> memref<128xi32, #tpu.memory_space<vmem>>
        %dma_start3A_203 = arith.constant 0 : i32
        %dma_start3A_204 = arith.constant 0 : i32
        %dma_start3A_205 = tpu.memref_slice %arg2[%dma_start3A_203, %dma_start3A_204] : memref<20480x128xf32, #tpu.memory_space<hbm>> -> memref<20480x128xf32, #tpu.memory_space<hbm>>
        tpu.enqueue_indirect_dma source(%dma_start3A_205 : memref<20480x128xf32, #tpu.memory_space<hbm>>) target(%arg10 : memref<128x128xf32, #tpu.memory_space<vmem>>) offsets(%dma_start3A_202 : memref<128xi32, #tpu.memory_space<vmem>>) semaphore(%arg13 : memref<!tpu.dma_semaphore, #tpu.memory_space<semaphore_mem>>)
      } else {
      }
      %mul3A_156 = arith.constant 8 : i32
      %mul3A_157 = arith.muli %add3A_30, %mul3A_156 : i32
      %add3A_158 = arith.constant 6 : i32
      %add3A_159 = arith.addi %mul3A_157, %add3A_158 : i32
      %dma_wait3A_160 = arith.constant 0 : i32
      %dma_wait3A_161 = arith.constant 0 : i32
      %dma_wait3A_162 = tpu.memref_slice %arg7[%dma_wait3A_160, %dma_wait3A_161] : memref<16x128xi32, #tpu.memory_space<vmem>> -> memref<1x128xi32, #tpu.memory_space<vmem>>
      %dma_wait3A_163 = tpu.memref_squeeze %dma_wait3A_162 : memref<1x128xi32, #tpu.memory_space<vmem>> -> memref<128xi32, #tpu.memory_space<vmem>>
      %dma_wait3A_164 = arith.constant 0 : i32
      %dma_wait3A_165 = arith.constant 0 : i32
      %dma_wait3A_166 = tpu.memref_slice %arg2[%dma_wait3A_164, %dma_wait3A_165] : memref<20480x128xf32, #tpu.memory_space<hbm>> -> memref<20480x128xf32, #tpu.memory_space<hbm>>
      tpu.wait_indirect_dma semaphore(%arg12 : memref<!tpu.dma_semaphore, #tpu.memory_space<semaphore_mem>>) src(%dma_wait3A_166 : memref<20480x128xf32, #tpu.memory_space<hbm>>) dst(%arg9 : memref<128x128xf32, #tpu.memory_space<vmem>>)
      %add3A_167 = arith.constant 6 : i32
      %add3A_168 = arith.addi %mul3A_33, %add3A_167 : i32
      "tpu.region"() ({
        %run_scoped3A = tpu.sem_alloc : memref<!tpu.dma_semaphore, #tpu.memory_space<semaphore_mem>>
        %dma_start3A_196 = arith.constant 0 : i32
        %dma_start3A_197 = tpu.memref_slice %arg8[%add3A_168, %dma_start3A_196] : memref<16x128xi32, #tpu.memory_space<vmem>> -> memref<1x128xi32, #tpu.memory_space<vmem>>
        %dma_start3A_198 = tpu.memref_squeeze %dma_start3A_197 : memref<1x128xi32, #tpu.memory_space<vmem>> -> memref<128xi32, #tpu.memory_space<vmem>>
        %dma_start3A_199 = arith.constant 0 : i32
        %dma_start3A_200 = arith.constant 0 : i32
        %dma_start3A_201 = tpu.memref_slice %arg11[%dma_start3A_199, %dma_start3A_200] : memref<10240x128xf32, #tpu.memory_space<vmem_shared>> -> memref<10240x128xf32, #tpu.memory_space<vmem_shared>>
        tpu.enqueue_indirect_dma source(%arg9 : memref<128x128xf32, #tpu.memory_space<vmem>>) target(%dma_start3A_201 : memref<10240x128xf32, #tpu.memory_space<vmem_shared>>) offsets(%dma_start3A_198 : memref<128xi32, #tpu.memory_space<vmem>>) semaphore(%run_scoped3A : memref<!tpu.dma_semaphore, #tpu.memory_space<semaphore_mem>>) {add = true}
        %dma_wait3A_202 = arith.constant 0 : i32
        %dma_wait3A_203 = tpu.memref_slice %arg8[%add3A_168, %dma_wait3A_202] : memref<16x128xi32, #tpu.memory_space<vmem>> -> memref<1x128xi32, #tpu.memory_space<vmem>>
        %dma_wait3A_204 = tpu.memref_squeeze %dma_wait3A_203 : memref<1x128xi32, #tpu.memory_space<vmem>> -> memref<128xi32, #tpu.memory_space<vmem>>
        %dma_wait3A_205 = arith.constant 0 : i32
        %dma_wait3A_206 = arith.constant 0 : i32
        %dma_wait3A_207 = tpu.memref_slice %arg11[%dma_wait3A_205, %dma_wait3A_206] : memref<10240x128xf32, #tpu.memory_space<vmem_shared>> -> memref<10240x128xf32, #tpu.memory_space<vmem_shared>>
        tpu.wait_indirect_dma semaphore(%run_scoped3A : memref<!tpu.dma_semaphore, #tpu.memory_space<semaphore_mem>>) src(%arg9 : memref<128x128xf32, #tpu.memory_space<vmem>>) dst(%dma_wait3A_207 : memref<10240x128xf32, #tpu.memory_space<vmem_shared>>)
        tpu.yield
      }) : () -> ()
      %add3A_169 = arith.constant 2 : i32
      %add3A_170 = arith.addi %add3A_159, %add3A_169 : i32
      %lt3A_171 = arith.constant 80 : i32
      %lt3A_172 = arith.cmpi slt, %add3A_170, %lt3A_171 : i32
      %convert_element_type3A_173 = arith.extui %lt3A_172 : i1 to i32
      %cond3A_174 = arith.constant 0 : i32
      %cond3A_175 = arith.cmpi ne, %convert_element_type3A_173, %cond3A_174 : i32
      scf.if %cond3A_175 {
        %add3A_196 = arith.constant 2 : i32
        %add3A_197 = arith.addi %add3A_159, %add3A_196 : i32
        %rem3A_198 = arith.constant 16 : i32
        %rem3A_199 = arith.remsi %add3A_197, %rem3A_198 : i32
        %dma_start3A_200 = arith.constant 0 : i32
        %dma_start3A_201 = tpu.memref_slice %arg7[%rem3A_199, %dma_start3A_200] : memref<16x128xi32, #tpu.memory_space<vmem>> -> memref<1x128xi32, #tpu.memory_space<vmem>>
        %dma_start3A_202 = tpu.memref_squeeze %dma_start3A_201 : memref<1x128xi32, #tpu.memory_space<vmem>> -> memref<128xi32, #tpu.memory_space<vmem>>
        %dma_start3A_203 = arith.constant 0 : i32
        %dma_start3A_204 = arith.constant 0 : i32
        %dma_start3A_205 = tpu.memref_slice %arg2[%dma_start3A_203, %dma_start3A_204] : memref<20480x128xf32, #tpu.memory_space<hbm>> -> memref<20480x128xf32, #tpu.memory_space<hbm>>
        tpu.enqueue_indirect_dma source(%dma_start3A_205 : memref<20480x128xf32, #tpu.memory_space<hbm>>) target(%arg9 : memref<128x128xf32, #tpu.memory_space<vmem>>) offsets(%dma_start3A_202 : memref<128xi32, #tpu.memory_space<vmem>>) semaphore(%arg12 : memref<!tpu.dma_semaphore, #tpu.memory_space<semaphore_mem>>)
      } else {
      }
      %mul3A_176 = arith.constant 8 : i32
      %mul3A_177 = arith.muli %add3A_30, %mul3A_176 : i32
      %add3A_178 = arith.constant 7 : i32
      %add3A_179 = arith.addi %mul3A_177, %add3A_178 : i32
      %dma_wait3A_180 = arith.constant 0 : i32
      %dma_wait3A_181 = arith.constant 0 : i32
      %dma_wait3A_182 = tpu.memref_slice %arg7[%dma_wait3A_180, %dma_wait3A_181] : memref<16x128xi32, #tpu.memory_space<vmem>> -> memref<1x128xi32, #tpu.memory_space<vmem>>
      %dma_wait3A_183 = tpu.memref_squeeze %dma_wait3A_182 : memref<1x128xi32, #tpu.memory_space<vmem>> -> memref<128xi32, #tpu.memory_space<vmem>>
      %dma_wait3A_184 = arith.constant 0 : i32
      %dma_wait3A_185 = arith.constant 0 : i32
      %dma_wait3A_186 = tpu.memref_slice %arg2[%dma_wait3A_184, %dma_wait3A_185] : memref<20480x128xf32, #tpu.memory_space<hbm>> -> memref<20480x128xf32, #tpu.memory_space<hbm>>
      tpu.wait_indirect_dma semaphore(%arg13 : memref<!tpu.dma_semaphore, #tpu.memory_space<semaphore_mem>>) src(%dma_wait3A_186 : memref<20480x128xf32, #tpu.memory_space<hbm>>) dst(%arg10 : memref<128x128xf32, #tpu.memory_space<vmem>>)
      %add3A_187 = arith.constant 7 : i32
      %add3A_188 = arith.addi %mul3A_33, %add3A_187 : i32
      "tpu.region"() ({
        %run_scoped3A = tpu.sem_alloc : memref<!tpu.dma_semaphore, #tpu.memory_space<semaphore_mem>>
        %dma_start3A_196 = arith.constant 0 : i32
        %dma_start3A_197 = tpu.memref_slice %arg8[%add3A_188, %dma_start3A_196] : memref<16x128xi32, #tpu.memory_space<vmem>> -> memref<1x128xi32, #tpu.memory_space<vmem>>
        %dma_start3A_198 = tpu.memref_squeeze %dma_start3A_197 : memref<1x128xi32, #tpu.memory_space<vmem>> -> memref<128xi32, #tpu.memory_space<vmem>>
        %dma_start3A_199 = arith.constant 0 : i32
        %dma_start3A_200 = arith.constant 0 : i32
        %dma_start3A_201 = tpu.memref_slice %arg11[%dma_start3A_199, %dma_start3A_200] : memref<10240x128xf32, #tpu.memory_space<vmem_shared>> -> memref<10240x128xf32, #tpu.memory_space<vmem_shared>>
        tpu.enqueue_indirect_dma source(%arg10 : memref<128x128xf32, #tpu.memory_space<vmem>>) target(%dma_start3A_201 : memref<10240x128xf32, #tpu.memory_space<vmem_shared>>) offsets(%dma_start3A_198 : memref<128xi32, #tpu.memory_space<vmem>>) semaphore(%run_scoped3A : memref<!tpu.dma_semaphore, #tpu.memory_space<semaphore_mem>>) {add = true}
        %dma_wait3A_202 = arith.constant 0 : i32
        %dma_wait3A_203 = tpu.memref_slice %arg8[%add3A_188, %dma_wait3A_202] : memref<16x128xi32, #tpu.memory_space<vmem>> -> memref<1x128xi32, #tpu.memory_space<vmem>>
        %dma_wait3A_204 = tpu.memref_squeeze %dma_wait3A_203 : memref<1x128xi32, #tpu.memory_space<vmem>> -> memref<128xi32, #tpu.memory_space<vmem>>
        %dma_wait3A_205 = arith.constant 0 : i32
        %dma_wait3A_206 = arith.constant 0 : i32
        %dma_wait3A_207 = tpu.memref_slice %arg11[%dma_wait3A_205, %dma_wait3A_206] : memref<10240x128xf32, #tpu.memory_space<vmem_shared>> -> memref<10240x128xf32, #tpu.memory_space<vmem_shared>>
        tpu.wait_indirect_dma semaphore(%run_scoped3A : memref<!tpu.dma_semaphore, #tpu.memory_space<semaphore_mem>>) src(%arg10 : memref<128x128xf32, #tpu.memory_space<vmem>>) dst(%dma_wait3A_207 : memref<10240x128xf32, #tpu.memory_space<vmem_shared>>)
        tpu.yield
      }) : () -> ()
      %add3A_189 = arith.constant 2 : i32
      %add3A_190 = arith.addi %add3A_179, %add3A_189 : i32
      %lt3A_191 = arith.constant 80 : i32
      %lt3A_192 = arith.cmpi slt, %add3A_190, %lt3A_191 : i32
      %convert_element_type3A_193 = arith.extui %lt3A_192 : i1 to i32
      %cond3A_194 = arith.constant 0 : i32
      %cond3A_195 = arith.cmpi ne, %convert_element_type3A_193, %cond3A_194 : i32
      scf.if %cond3A_195 {
        %add3A_196 = arith.constant 2 : i32
        %add3A_197 = arith.addi %add3A_179, %add3A_196 : i32
        %rem3A_198 = arith.constant 16 : i32
        %rem3A_199 = arith.remsi %add3A_197, %rem3A_198 : i32
        %dma_start3A_200 = arith.constant 0 : i32
        %dma_start3A_201 = tpu.memref_slice %arg7[%rem3A_199, %dma_start3A_200] : memref<16x128xi32, #tpu.memory_space<vmem>> -> memref<1x128xi32, #tpu.memory_space<vmem>>
        %dma_start3A_202 = tpu.memref_squeeze %dma_start3A_201 : memref<1x128xi32, #tpu.memory_space<vmem>> -> memref<128xi32, #tpu.memory_space<vmem>>
        %dma_start3A_203 = arith.constant 0 : i32
        %dma_start3A_204 = arith.constant 0 : i32
        %dma_start3A_205 = tpu.memref_slice %arg2[%dma_start3A_203, %dma_start3A_204] : memref<20480x128xf32, #tpu.memory_space<hbm>> -> memref<20480x128xf32, #tpu.memory_space<hbm>>
        tpu.enqueue_indirect_dma source(%dma_start3A_205 : memref<20480x128xf32, #tpu.memory_space<hbm>>) target(%arg10 : memref<128x128xf32, #tpu.memory_space<vmem>>) offsets(%dma_start3A_202 : memref<128xi32, #tpu.memory_space<vmem>>) semaphore(%arg13 : memref<!tpu.dma_semaphore, #tpu.memory_space<semaphore_mem>>)
      } else {
      }
    }
    %scan3A_21 = arith.constant 10 : i32
    %barrier3A_22 = arith.constant 0 : index
    tpu.barrier barrier_id(%barrier3A_22)
    %mul3A_23 = arith.constant 10240 : i32
    %mul3A_24 = arith.muli %arg0, %mul3A_23 : i32
    %add3A_25 = arith.addi %mul3A_24, %mul3A_0 : i32
    "tpu.region"() ({
      %run_scoped3A = tpu.sem_alloc : memref<!tpu.dma_semaphore, #tpu.memory_space<semaphore_mem>>
      %dma_start3A_26 = arith.constant 0 : i32
      %dma_start3A_27 = tpu.memref_slice %arg6[%add3A_25, %dma_start3A_26] : memref<20480x128xf32, #tpu.memory_space<hbm>> -> memref<640x128xf32, #tpu.memory_space<hbm>>
      %dma_start3A_28 = arith.constant 0 : i32
      %dma_start3A_29 = tpu.memref_slice %arg11[%mul3A_0, %dma_start3A_28] : memref<10240x128xf32, #tpu.memory_space<vmem_shared>> -> memref<640x128xf32, #tpu.memory_space<vmem_shared>>
      tpu.enqueue_dma source(%dma_start3A_29 : memref<640x128xf32, #tpu.memory_space<vmem_shared>>) target(%dma_start3A_27 : memref<640x128xf32, #tpu.memory_space<hbm>>) target_semaphore(%run_scoped3A : memref<!tpu.dma_semaphore, #tpu.memory_space<semaphore_mem>>)
      %dma_wait3A = arith.constant 0 : i32
      %dma_wait3A_30 = tpu.memref_slice %arg6[%add3A_25, %dma_wait3A] : memref<20480x128xf32, #tpu.memory_space<hbm>> -> memref<640x128xf32, #tpu.memory_space<hbm>>
      %dma_wait3A_31 = arith.constant 0 : i32
      %dma_wait3A_32 = tpu.memref_slice %arg11[%mul3A_0, %dma_wait3A_31] : memref<10240x128xf32, #tpu.memory_space<vmem_shared>> -> memref<640x128xf32, #tpu.memory_space<vmem_shared>>
      tpu.wait_dma2 semaphore(%run_scoped3A : memref<!tpu.dma_semaphore, #tpu.memory_space<semaphore_mem>>) src(%dma_wait3A_32 : memref<640x128xf32, #tpu.memory_space<vmem_shared>>) dst(%dma_wait3A_30 : memref<640x128xf32, #tpu.memory_space<hbm>>)
      tpu.yield
    }) : () -> ()
    return
  }
}

#map = affine_map<(d0, d1) -> (0, 0)>
#map1 = affine_map<(d0, d1) -> (0)>
module attributes {stable_mosaic.version = 14 : i64} {
  func.func @_sc_degree(%arg0: i32, %arg1: i32, %arg2: memref<1280x128xi32, #tpu.memory_space<hbm>>, %arg3: memref<10240xf32, #tpu.memory_space<hbm>>, %arg4: memref<20480xf32, #tpu.memory_space<hbm>>, %arg5: memref<128xi32, #tpu.memory_space<vmem>>, %arg6: memref<128xf32, #tpu.memory_space<vmem>>, %arg7: memref<10240xf32, #tpu.memory_space<vmem_shared>>) attributes {dimension_semantics = [#tpu.dimension_semantics<core_parallel>, #tpu.dimension_semantics<subcore_parallel>], iteration_bounds = array<i64: 2, 16>, scalar_prefetch = 0 : i64, scratch_operands = 3 : i64, tpu.core_type = #tpu.core_type<sc_vector_subcore>, window_params = [{transform_indices = #map}, {transform_indices = #map1}, {transform_indices = #map1}]} {
    %mul3A = arith.constant 640 : i32
    %mul3A_0 = arith.muli %arg1, %mul3A : i32
    "tpu.region"() ({
      %run_scoped3A = tpu.sem_alloc : memref<!tpu.dma_semaphore, #tpu.memory_space<semaphore_mem>>
      %dma_start3A = tpu.memref_slice %arg7[%mul3A_0] : memref<10240xf32, #tpu.memory_space<vmem_shared>> -> memref<640xf32, #tpu.memory_space<vmem_shared>>
      %dma_start3A_18 = tpu.memref_slice %arg3[%mul3A_0] : memref<10240xf32, #tpu.memory_space<hbm>> -> memref<640xf32, #tpu.memory_space<hbm>>
      tpu.enqueue_dma source(%dma_start3A_18 : memref<640xf32, #tpu.memory_space<hbm>>) target(%dma_start3A : memref<640xf32, #tpu.memory_space<vmem_shared>>) target_semaphore(%run_scoped3A : memref<!tpu.dma_semaphore, #tpu.memory_space<semaphore_mem>>)
      %dma_wait3A = tpu.memref_slice %arg7[%mul3A_0] : memref<10240xf32, #tpu.memory_space<vmem_shared>> -> memref<640xf32, #tpu.memory_space<vmem_shared>>
      %dma_wait3A_19 = tpu.memref_slice %arg3[%mul3A_0] : memref<10240xf32, #tpu.memory_space<hbm>> -> memref<640xf32, #tpu.memory_space<hbm>>
      tpu.wait_dma2 semaphore(%run_scoped3A : memref<!tpu.dma_semaphore, #tpu.memory_space<semaphore_mem>>) src(%dma_wait3A_19 : memref<640xf32, #tpu.memory_space<hbm>>) dst(%dma_wait3A : memref<640xf32, #tpu.memory_space<vmem_shared>>)
      tpu.yield
    }) : () -> ()
    %scan3A = arith.constant 0 : i32
    %scan3A_1 = arith.constant 8 : i32
    %scan3A_2 = arith.addi %scan3A, %scan3A_1 : i32
    %scan3A_3 = arith.constant 1 : i32
    scf.for %scan3A_18 = %scan3A to %scan3A_2 step %scan3A_3  : i32 {
      %mul3A_19 = arith.constant 16 : i32
      %mul3A_20 = arith.muli %scan3A_18, %mul3A_19 : i32
      %add3A_21 = arith.constant 0 : i32
      %add3A_22 = arith.addi %add3A_21, %mul3A_20 : i32
      %broadcast_in_dim3A = arith.constant 1.000000e+00 : f32
      %broadcast_in_dim3A_23 = vector.broadcast %broadcast_in_dim3A : f32 to vector<16xf32>
      %swap3A = arith.index_cast %add3A_22 : i32 to index
      %swap3A_24 = tpu.vector_load %arg6[%swap3A] {strides = array<i32>} : memref<128xf32, #tpu.memory_space<vmem>>, vector<16xf32>,
      %swap3A_25 = vector.shape_cast %swap3A_24 : vector<16xf32> to vector<16xf32>
      %swap3A_26 = vector.shape_cast %broadcast_in_dim3A_23 : vector<16xf32> to vector<16xf32>
      tpu.vector_store %arg6[%swap3A], %swap3A_26 {strides = array<i32>} : memref<128xf32, #tpu.memory_space<vmem>>, vector<16xf32>,
    }
    %scan3A_4 = arith.constant 8 : i32
    %barrier3A = arith.constant 0 : index
    tpu.barrier barrier_id(%barrier3A)
    %mul3A_5 = arith.constant 16 : i32
    %mul3A_6 = arith.muli %arg0, %mul3A_5 : i32
    %add3A = arith.addi %mul3A_6, %arg1 : i32
    %mul3A_7 = arith.constant 40 : i32
    %mul3A_8 = arith.muli %add3A, %mul3A_7 : i32
    %scan3A_9 = arith.constant 0 : i32
    %scan3A_10 = arith.constant 40 : i32
    %scan3A_11 = arith.addi %scan3A_9, %scan3A_10 : i32
    %scan3A_12 = arith.constant 1 : i32
    scf.for %scan3A_18 = %scan3A_9 to %scan3A_11 step %scan3A_12  : i32 {
      %mul3A_19 = arith.constant 1 : i32
      %mul3A_20 = arith.muli %scan3A_18, %mul3A_19 : i32
      %add3A_21 = arith.constant 0 : i32
      %add3A_22 = arith.addi %add3A_21, %mul3A_20 : i32
      %add3A_23 = arith.addi %mul3A_8, %add3A_22 : i32
      "tpu.region"() ({
        %run_scoped3A = tpu.sem_alloc : memref<!tpu.dma_semaphore, #tpu.memory_space<semaphore_mem>>
        %dma_start3A = arith.constant 0 : i32
        %dma_start3A_24 = tpu.memref_slice %arg2[%add3A_23, %dma_start3A] : memref<1280x128xi32, #tpu.memory_space<hbm>> -> memref<1x128xi32, #tpu.memory_space<hbm>>
        %dma_start3A_25 = tpu.memref_squeeze %dma_start3A_24 : memref<1x128xi32, #tpu.memory_space<hbm>> -> memref<128xi32, #tpu.memory_space<hbm>>
        %dma_start3A_26 = arith.constant 0 : i32
        %dma_start3A_27 = tpu.memref_slice %arg2[%add3A_23, %dma_start3A_26] : memref<1280x128xi32, #tpu.memory_space<hbm>> -> memref<1x128xi32, #tpu.memory_space<hbm>>
        %dma_start3A_28 = tpu.memref_squeeze %dma_start3A_27 : memref<1x128xi32, #tpu.memory_space<hbm>> -> memref<128xi32, #tpu.memory_space<hbm>>
        tpu.enqueue_dma source(%dma_start3A_28 : memref<128xi32, #tpu.memory_space<hbm>>) target(%arg5 : memref<128xi32, #tpu.memory_space<vmem>>) target_semaphore(%run_scoped3A : memref<!tpu.dma_semaphore, #tpu.memory_space<semaphore_mem>>)
        %dma_wait3A = arith.constant 0 : i32
        %dma_wait3A_29 = tpu.memref_slice %arg2[%add3A_23, %dma_wait3A] : memref<1280x128xi32, #tpu.memory_space<hbm>> -> memref<1x128xi32, #tpu.memory_space<hbm>>
        %dma_wait3A_30 = tpu.memref_squeeze %dma_wait3A_29 : memref<1x128xi32, #tpu.memory_space<hbm>> -> memref<128xi32, #tpu.memory_space<hbm>>
        %dma_wait3A_31 = arith.constant 0 : i32
        %dma_wait3A_32 = tpu.memref_slice %arg2[%add3A_23, %dma_wait3A_31] : memref<1280x128xi32, #tpu.memory_space<hbm>> -> memref<1x128xi32, #tpu.memory_space<hbm>>
        %dma_wait3A_33 = tpu.memref_squeeze %dma_wait3A_32 : memref<1x128xi32, #tpu.memory_space<hbm>> -> memref<128xi32, #tpu.memory_space<hbm>>
        tpu.wait_dma2 semaphore(%run_scoped3A : memref<!tpu.dma_semaphore, #tpu.memory_space<semaphore_mem>>) src(%dma_wait3A_33 : memref<128xi32, #tpu.memory_space<hbm>>) dst(%arg5 : memref<128xi32, #tpu.memory_space<vmem>>)
        tpu.yield
      }) : () -> ()
      "tpu.region"() ({
        %run_scoped3A = tpu.sem_alloc : memref<!tpu.dma_semaphore, #tpu.memory_space<semaphore_mem>>
        %dma_start3A = arith.constant 0 : i32
        %dma_start3A_24 = tpu.memref_slice %arg7[%dma_start3A] : memref<10240xf32, #tpu.memory_space<vmem_shared>> -> memref<10240xf32, #tpu.memory_space<vmem_shared>>
        tpu.enqueue_indirect_dma source(%arg6 : memref<128xf32, #tpu.memory_space<vmem>>) target(%dma_start3A_24 : memref<10240xf32, #tpu.memory_space<vmem_shared>>) offsets(%arg5 : memref<128xi32, #tpu.memory_space<vmem>>) semaphore(%run_scoped3A : memref<!tpu.dma_semaphore, #tpu.memory_space<semaphore_mem>>) {add = true}
        %dma_wait3A = arith.constant 0 : i32
        %dma_wait3A_25 = tpu.memref_slice %arg7[%dma_wait3A] : memref<10240xf32, #tpu.memory_space<vmem_shared>> -> memref<10240xf32, #tpu.memory_space<vmem_shared>>
        tpu.wait_indirect_dma semaphore(%run_scoped3A : memref<!tpu.dma_semaphore, #tpu.memory_space<semaphore_mem>>) src(%arg6 : memref<128xf32, #tpu.memory_space<vmem>>) dst(%dma_wait3A_25 : memref<10240xf32, #tpu.memory_space<vmem_shared>>)
        tpu.yield
      }) : () -> ()
    }
    %scan3A_13 = arith.constant 40 : i32
    %barrier3A_14 = arith.constant 0 : index
    tpu.barrier barrier_id(%barrier3A_14)
    %mul3A_15 = arith.constant 10240 : i32
    %mul3A_16 = arith.muli %arg0, %mul3A_15 : i32
    %add3A_17 = arith.addi %mul3A_16, %mul3A_0 : i32
    "tpu.region"() ({
      %run_scoped3A = tpu.sem_alloc : memref<!tpu.dma_semaphore, #tpu.memory_space<semaphore_mem>>
      %dma_start3A = tpu.memref_slice %arg4[%add3A_17] : memref<20480xf32, #tpu.memory_space<hbm>> -> memref<640xf32, #tpu.memory_space<hbm>>
      %dma_start3A_18 = tpu.memref_slice %arg7[%mul3A_0] : memref<10240xf32, #tpu.memory_space<vmem_shared>> -> memref<640xf32, #tpu.memory_space<vmem_shared>>
      tpu.enqueue_dma source(%dma_start3A_18 : memref<640xf32, #tpu.memory_space<vmem_shared>>) target(%dma_start3A : memref<640xf32, #tpu.memory_space<hbm>>) target_semaphore(%run_scoped3A : memref<!tpu.dma_semaphore, #tpu.memory_space<semaphore_mem>>)
      %dma_wait3A = tpu.memref_slice %arg4[%add3A_17] : memref<20480xf32, #tpu.memory_space<hbm>> -> memref<640xf32, #tpu.memory_space<hbm>>
      %dma_wait3A_19 = tpu.memref_slice %arg7[%mul3A_0] : memref<10240xf32, #tpu.memory_space<vmem_shared>> -> memref<640xf32, #tpu.memory_space<vmem_shared>>
      tpu.wait_dma2 semaphore(%run_scoped3A : memref<!tpu.dma_semaphore, #tpu.memory_space<semaphore_mem>>) src(%dma_wait3A_19 : memref<640xf32, #tpu.memory_space<vmem_shared>>) dst(%dma_wait3A : memref<640xf32, #tpu.memory_space<hbm>>)
      tpu.yield
    }) : () -> ()
    return
  }
}

#map = affine_map<(d0, d1) -> (0, 0)>
module attributes {stable_mosaic.version = 14 : i64} {
  func.func @_sc_propagate(%arg0: i32, %arg1: i32, %arg2: memref<20480x128xf32, #tpu.memory_space<hbm>>, %arg3: memref<2560x128xi32, #tpu.memory_space<hbm>>, %arg4: memref<1280x128xi32, #tpu.memory_space<hbm>>, %arg5: memref<10240x128xf32, #tpu.memory_space<hbm>>, %arg6: memref<20480x128xf32, #tpu.memory_space<hbm>>, %arg7: memref<16x128xi32, #tpu.memory_space<vmem>>, %arg8: memref<16x128xi32, #tpu.memory_space<vmem>>, %arg9: memref<128x128xf32, #tpu.memory_space<vmem>>, %arg10: memref<128x128xf32, #tpu.memory_space<vmem>>, %arg11: memref<10240x128xf32, #tpu.memory_space<vmem_shared>>, %arg12: memref<!tpu.dma_semaphore, #tpu.memory_space<semaphore_mem>>, %arg13: memref<!tpu.dma_semaphore, #tpu.memory_space<semaphore_mem>>) attributes {dimension_semantics = [#tpu.dimension_semantics<core_parallel>, #tpu.dimension_semantics<subcore_parallel>], iteration_bounds = array<i64: 2, 16>, scalar_prefetch = 0 : i64, scratch_operands = 7 : i64, tpu.core_type = #tpu.core_type<sc_vector_subcore>, window_params = [{transform_indices = #map}, {transform_indices = #map}, {transform_indices = #map}, {transform_indices = #map}, {transform_indices = #map}]} {
    %mul3A = arith.constant 640 : i32
    %mul3A_0 = arith.muli %arg1, %mul3A : i32
    %mul3A_1 = arith.constant 80 : i32
    %mul3A_2 = arith.muli %arg1, %mul3A_1 : i32
    %mul3A_3 = arith.constant 1280 : i32
    %mul3A_4 = arith.muli %arg0, %mul3A_3 : i32
    %add3A = arith.addi %mul3A_4, %mul3A_2 : i32
    "tpu.region"() ({
      %run_scoped3A = tpu.sem_alloc : memref<!tpu.dma_semaphore, #tpu.memory_space<semaphore_mem>>
      %dma_start3A_26 = arith.constant 0 : i32
      %dma_start3A_27 = tpu.memref_slice %arg3[%add3A, %dma_start3A_26] : memref<2560x128xi32, #tpu.memory_space<hbm>> -> memref<16x128xi32, #tpu.memory_space<hbm>>
      %dma_start3A_28 = arith.constant 0 : i32
      %dma_start3A_29 = tpu.memref_slice %arg3[%add3A, %dma_start3A_28] : memref<2560x128xi32, #tpu.memory_space<hbm>> -> memref<16x128xi32, #tpu.memory_space<hbm>>
      tpu.enqueue_dma source(%dma_start3A_29 : memref<16x128xi32, #tpu.memory_space<hbm>>) target(%arg7 : memref<16x128xi32, #tpu.memory_space<vmem>>) target_semaphore(%run_scoped3A : memref<!tpu.dma_semaphore, #tpu.memory_space<semaphore_mem>>)
      %dma_wait3A = arith.constant 0 : i32
      %dma_wait3A_30 = tpu.memref_slice %arg3[%add3A, %dma_wait3A] : memref<2560x128xi32, #tpu.memory_space<hbm>> -> memref<16x128xi32, #tpu.memory_space<hbm>>
      %dma_wait3A_31 = arith.constant 0 : i32
      %dma_wait3A_32 = tpu.memref_slice %arg3[%add3A, %dma_wait3A_31] : memref<2560x128xi32, #tpu.memory_space<hbm>> -> memref<16x128xi32, #tpu.memory_space<hbm>>
      tpu.wait_dma2 semaphore(%run_scoped3A : memref<!tpu.dma_semaphore, #tpu.memory_space<semaphore_mem>>) src(%dma_wait3A_32 : memref<16x128xi32, #tpu.memory_space<hbm>>) dst(%arg7 : memref<16x128xi32, #tpu.memory_space<vmem>>)
      tpu.yield
    }) : () -> ()
    "tpu.region"() ({
      %run_scoped3A = tpu.sem_alloc : memref<!tpu.dma_semaphore, #tpu.memory_space<semaphore_mem>>
      %dma_start3A_26 = arith.constant 0 : i32
      %dma_start3A_27 = tpu.memref_slice %arg4[%mul3A_2, %dma_start3A_26] : memref<1280x128xi32, #tpu.memory_space<hbm>> -> memref<16x128xi32, #tpu.memory_space<hbm>>
      %dma_start3A_28 = arith.constant 0 : i32
      %dma_start3A_29 = tpu.memref_slice %arg4[%mul3A_2, %dma_start3A_28] : memref<1280x128xi32, #tpu.memory_space<hbm>> -> memref<16x128xi32, #tpu.memory_space<hbm>>
      tpu.enqueue_dma source(%dma_start3A_29 : memref<16x128xi32, #tpu.memory_space<hbm>>) target(%arg8 : memref<16x128xi32, #tpu.memory_space<vmem>>) target_semaphore(%run_scoped3A : memref<!tpu.dma_semaphore, #tpu.memory_space<semaphore_mem>>)
      %dma_wait3A = arith.constant 0 : i32
      %dma_wait3A_30 = tpu.memref_slice %arg4[%mul3A_2, %dma_wait3A] : memref<1280x128xi32, #tpu.memory_space<hbm>> -> memref<16x128xi32, #tpu.memory_space<hbm>>
      %dma_wait3A_31 = arith.constant 0 : i32
      %dma_wait3A_32 = tpu.memref_slice %arg4[%mul3A_2, %dma_wait3A_31] : memref<1280x128xi32, #tpu.memory_space<hbm>> -> memref<16x128xi32, #tpu.memory_space<hbm>>
      tpu.wait_dma2 semaphore(%run_scoped3A : memref<!tpu.dma_semaphore, #tpu.memory_space<semaphore_mem>>) src(%dma_wait3A_32 : memref<16x128xi32, #tpu.memory_space<hbm>>) dst(%arg8 : memref<16x128xi32, #tpu.memory_space<vmem>>)
      tpu.yield
    }) : () -> ()
    "tpu.region"() ({
      %run_scoped3A = tpu.sem_alloc : memref<!tpu.dma_semaphore, #tpu.memory_space<semaphore_mem>>
      %dma_start3A_26 = arith.constant 0 : i32
      %dma_start3A_27 = tpu.memref_slice %arg11[%mul3A_0, %dma_start3A_26] : memref<10240x128xf32, #tpu.memory_space<vmem_shared>> -> memref<640x128xf32, #tpu.memory_space<vmem_shared>>
      %dma_start3A_28 = arith.constant 0 : i32
      %dma_start3A_29 = tpu.memref_slice %arg5[%mul3A_0, %dma_start3A_28] : memref<10240x128xf32, #tpu.memory_space<hbm>> -> memref<640x128xf32, #tpu.memory_space<hbm>>
      tpu.enqueue_dma source(%dma_start3A_29 : memref<640x128xf32, #tpu.memory_space<hbm>>) target(%dma_start3A_27 : memref<640x128xf32, #tpu.memory_space<vmem_shared>>) target_semaphore(%run_scoped3A : memref<!tpu.dma_semaphore, #tpu.memory_space<semaphore_mem>>)
      %dma_wait3A = arith.constant 0 : i32
      %dma_wait3A_30 = tpu.memref_slice %arg11[%mul3A_0, %dma_wait3A] : memref<10240x128xf32, #tpu.memory_space<vmem_shared>> -> memref<640x128xf32, #tpu.memory_space<vmem_shared>>
      %dma_wait3A_31 = arith.constant 0 : i32
      %dma_wait3A_32 = tpu.memref_slice %arg5[%mul3A_0, %dma_wait3A_31] : memref<10240x128xf32, #tpu.memory_space<hbm>> -> memref<640x128xf32, #tpu.memory_space<hbm>>
      tpu.wait_dma2 semaphore(%run_scoped3A : memref<!tpu.dma_semaphore, #tpu.memory_space<semaphore_mem>>) src(%dma_wait3A_32 : memref<640x128xf32, #tpu.memory_space<hbm>>) dst(%dma_wait3A_30 : memref<640x128xf32, #tpu.memory_space<vmem_shared>>)
      tpu.yield
    }) : () -> ()
    %barrier3A = arith.constant 0 : index
    tpu.barrier barrier_id(%barrier3A)
    %dma_start3A = arith.constant 0 : i32
    %dma_start3A_5 = arith.constant 0 : i32
    %dma_start3A_6 = tpu.memref_slice %arg7[%dma_start3A, %dma_start3A_5] : memref<16x128xi32, #tpu.memory_space<vmem>> -> memref<1x128xi32, #tpu.memory_space<vmem>>
    %dma_start3A_7 = tpu.memref_squeeze %dma_start3A_6 : memref<1x128xi32, #tpu.memory_space<vmem>> -> memref<128xi32, #tpu.memory_space<vmem>>
    %dma_start3A_8 = arith.constant 0 : i32
    %dma_start3A_9 = arith.constant 0 : i32
    %dma_start3A_10 = tpu.memref_slice %arg2[%dma_start3A_8, %dma_start3A_9] : memref<20480x128xf32, #tpu.memory_space<hbm>> -> memref<20480x128xf32, #tpu.memory_space<hbm>>
    tpu.enqueue_indirect_dma source(%dma_start3A_10 : memref<20480x128xf32, #tpu.memory_space<hbm>>) target(%arg9 : memref<128x128xf32, #tpu.memory_space<vmem>>) offsets(%dma_start3A_7 : memref<128xi32, #tpu.memory_space<vmem>>) semaphore(%arg12 : memref<!tpu.dma_semaphore, #tpu.memory_space<semaphore_mem>>)
    %dma_start3A_11 = arith.constant 1 : i32
    %dma_start3A_12 = arith.constant 0 : i32
    %dma_start3A_13 = tpu.memref_slice %arg7[%dma_start3A_11, %dma_start3A_12] : memref<16x128xi32, #tpu.memory_space<vmem>> -> memref<1x128xi32, #tpu.memory_space<vmem>>
    %dma_start3A_14 = tpu.memref_squeeze %dma_start3A_13 : memref<1x128xi32, #tpu.memory_space<vmem>> -> memref<128xi32, #tpu.memory_space<vmem>>
    %dma_start3A_15 = arith.constant 0 : i32
    %dma_start3A_16 = arith.constant 0 : i32
    %dma_start3A_17 = tpu.memref_slice %arg2[%dma_start3A_15, %dma_start3A_16] : memref<20480x128xf32, #tpu.memory_space<hbm>> -> memref<20480x128xf32, #tpu.memory_space<hbm>>
    tpu.enqueue_indirect_dma source(%dma_start3A_17 : memref<20480x128xf32, #tpu.memory_space<hbm>>) target(%arg10 : memref<128x128xf32, #tpu.memory_space<vmem>>) offsets(%dma_start3A_14 : memref<128xi32, #tpu.memory_space<vmem>>) semaphore(%arg13 : memref<!tpu.dma_semaphore, #tpu.memory_space<semaphore_mem>>)
    %scan3A = arith.constant 0 : i32
    %scan3A_18 = arith.constant 10 : i32
    %scan3A_19 = arith.addi %scan3A, %scan3A_18 : i32
    %scan3A_20 = arith.constant 1 : i32
    scf.for %scan3A_26 = %scan3A to %scan3A_19 step %scan3A_20  : i32 {
      %mul3A_27 = arith.constant 1 : i32
      %mul3A_28 = arith.muli %scan3A_26, %mul3A_27 : i32
      %add3A_29 = arith.constant 0 : i32
      %add3A_30 = arith.addi %add3A_29, %mul3A_28 : i32
      %rem3A = arith.constant 2 : i32
      %rem3A_31 = arith.remsi %add3A_30, %rem3A : i32
      %mul3A_32 = arith.constant 8 : i32
      %mul3A_33 = arith.muli %rem3A_31, %mul3A_32 : i32
      %ge3A = arith.constant 1 : i32
      %ge3A_34 = arith.cmpi sge, %add3A_30, %ge3A : i32
      %lt3A = arith.constant 9 : i32
      %lt3A_35 = arith.cmpi slt, %add3A_30, %lt3A : i32
      %and3A = arith.andi %ge3A_34, %lt3A_35 : i1
      %convert_element_type3A = arith.extui %and3A : i1 to i32
      %cond3A = arith.constant 0 : i32
      %cond3A_36 = arith.cmpi ne, %convert_element_type3A, %cond3A : i32
      scf.if %cond3A_36 {
        %sub3A = arith.constant 8 : i32
        %sub3A_196 = arith.subi %sub3A, %mul3A_33 : i32
        %mul3A_197 = arith.constant 1280 : i32
        %mul3A_198 = arith.muli %arg0, %mul3A_197 : i32
        %add3A_199 = arith.addi %mul3A_198, %mul3A_2 : i32
        %add3A_200 = arith.constant 1 : i32
        %add3A_201 = arith.addi %add3A_30, %add3A_200 : i32
        %mul3A_202 = arith.constant 8 : i32
        %mul3A_203 = arith.muli %add3A_201, %mul3A_202 : i32
        %add3A_204 = arith.addi %add3A_199, %mul3A_203 : i32
        "tpu.region"() ({
          %run_scoped3A = tpu.sem_alloc : memref<!tpu.dma_semaphore, #tpu.memory_space<semaphore_mem>>
          %dma_start3A_210 = arith.constant 0 : i32
          %dma_start3A_211 = tpu.memref_slice %arg7[%sub3A_196, %dma_start3A_210] : memref<16x128xi32, #tpu.memory_space<vmem>> -> memref<8x128xi32, #tpu.memory_space<vmem>>
          %dma_start3A_212 = arith.constant 0 : i32
          %dma_start3A_213 = tpu.memref_slice %arg3[%add3A_204, %dma_start3A_212] : memref<2560x128xi32, #tpu.memory_space<hbm>> -> memref<8x128xi32, #tpu.memory_space<hbm>>
          %dma_start3A_214 = arith.constant 0 : i32
          %dma_start3A_215 = tpu.memref_slice %arg7[%sub3A_196, %dma_start3A_214] : memref<16x128xi32, #tpu.memory_space<vmem>> -> memref<8x128xi32, #tpu.memory_space<vmem>>
          %dma_start3A_216 = arith.constant 0 : i32
          %dma_start3A_217 = tpu.memref_slice %arg3[%add3A_204, %dma_start3A_216] : memref<2560x128xi32, #tpu.memory_space<hbm>> -> memref<8x128xi32, #tpu.memory_space<hbm>>
          tpu.enqueue_dma source(%dma_start3A_217 : memref<8x128xi32, #tpu.memory_space<hbm>>) target(%dma_start3A_215 : memref<8x128xi32, #tpu.memory_space<vmem>>) target_semaphore(%run_scoped3A : memref<!tpu.dma_semaphore, #tpu.memory_space<semaphore_mem>>)
          %dma_wait3A_218 = arith.constant 0 : i32
          %dma_wait3A_219 = tpu.memref_slice %arg7[%sub3A_196, %dma_wait3A_218] : memref<16x128xi32, #tpu.memory_space<vmem>> -> memref<8x128xi32, #tpu.memory_space<vmem>>
          %dma_wait3A_220 = arith.constant 0 : i32
          %dma_wait3A_221 = tpu.memref_slice %arg3[%add3A_204, %dma_wait3A_220] : memref<2560x128xi32, #tpu.memory_space<hbm>> -> memref<8x128xi32, #tpu.memory_space<hbm>>
          %dma_wait3A_222 = arith.constant 0 : i32
          %dma_wait3A_223 = tpu.memref_slice %arg7[%sub3A_196, %dma_wait3A_222] : memref<16x128xi32, #tpu.memory_space<vmem>> -> memref<8x128xi32, #tpu.memory_space<vmem>>
          %dma_wait3A_224 = arith.constant 0 : i32
          %dma_wait3A_225 = tpu.memref_slice %arg3[%add3A_204, %dma_wait3A_224] : memref<2560x128xi32, #tpu.memory_space<hbm>> -> memref<8x128xi32, #tpu.memory_space<hbm>>
          tpu.wait_dma2 semaphore(%run_scoped3A : memref<!tpu.dma_semaphore, #tpu.memory_space<semaphore_mem>>) src(%dma_wait3A_225 : memref<8x128xi32, #tpu.memory_space<hbm>>) dst(%dma_wait3A_223 : memref<8x128xi32, #tpu.memory_space<vmem>>)
          tpu.yield
        }) : () -> ()
        %add3A_205 = arith.constant 1 : i32
        %add3A_206 = arith.addi %add3A_30, %add3A_205 : i32
        %mul3A_207 = arith.constant 8 : i32
        %mul3A_208 = arith.muli %add3A_206, %mul3A_207 : i32
        %add3A_209 = arith.addi %mul3A_2, %mul3A_208 : i32
        "tpu.region"() ({
          %run_scoped3A = tpu.sem_alloc : memref<!tpu.dma_semaphore, #tpu.memory_space<semaphore_mem>>
          %dma_start3A_210 = arith.constant 0 : i32
          %dma_start3A_211 = tpu.memref_slice %arg8[%sub3A_196, %dma_start3A_210] : memref<16x128xi32, #tpu.memory_space<vmem>> -> memref<8x128xi32, #tpu.memory_space<vmem>>
          %dma_start3A_212 = arith.constant 0 : i32
          %dma_start3A_213 = tpu.memref_slice %arg4[%add3A_209, %dma_start3A_212] : memref<1280x128xi32, #tpu.memory_space<hbm>> -> memref<8x128xi32, #tpu.memory_space<hbm>>
          %dma_start3A_214 = arith.constant 0 : i32
          %dma_start3A_215 = tpu.memref_slice %arg8[%sub3A_196, %dma_start3A_214] : memref<16x128xi32, #tpu.memory_space<vmem>> -> memref<8x128xi32, #tpu.memory_space<vmem>>
          %dma_start3A_216 = arith.constant 0 : i32
          %dma_start3A_217 = tpu.memref_slice %arg4[%add3A_209, %dma_start3A_216] : memref<1280x128xi32, #tpu.memory_space<hbm>> -> memref<8x128xi32, #tpu.memory_space<hbm>>
          tpu.enqueue_dma source(%dma_start3A_217 : memref<8x128xi32, #tpu.memory_space<hbm>>) target(%dma_start3A_215 : memref<8x128xi32, #tpu.memory_space<vmem>>) target_semaphore(%run_scoped3A : memref<!tpu.dma_semaphore, #tpu.memory_space<semaphore_mem>>)
          %dma_wait3A_218 = arith.constant 0 : i32
          %dma_wait3A_219 = tpu.memref_slice %arg8[%sub3A_196, %dma_wait3A_218] : memref<16x128xi32, #tpu.memory_space<vmem>> -> memref<8x128xi32, #tpu.memory_space<vmem>>
          %dma_wait3A_220 = arith.constant 0 : i32
          %dma_wait3A_221 = tpu.memref_slice %arg4[%add3A_209, %dma_wait3A_220] : memref<1280x128xi32, #tpu.memory_space<hbm>> -> memref<8x128xi32, #tpu.memory_space<hbm>>
          %dma_wait3A_222 = arith.constant 0 : i32
          %dma_wait3A_223 = tpu.memref_slice %arg8[%sub3A_196, %dma_wait3A_222] : memref<16x128xi32, #tpu.memory_space<vmem>> -> memref<8x128xi32, #tpu.memory_space<vmem>>
          %dma_wait3A_224 = arith.constant 0 : i32
          %dma_wait3A_225 = tpu.memref_slice %arg4[%add3A_209, %dma_wait3A_224] : memref<1280x128xi32, #tpu.memory_space<hbm>> -> memref<8x128xi32, #tpu.memory_space<hbm>>
          tpu.wait_dma2 semaphore(%run_scoped3A : memref<!tpu.dma_semaphore, #tpu.memory_space<semaphore_mem>>) src(%dma_wait3A_225 : memref<8x128xi32, #tpu.memory_space<hbm>>) dst(%dma_wait3A_223 : memref<8x128xi32, #tpu.memory_space<vmem>>)
          tpu.yield
        }) : () -> ()
      } else {
      }
      %mul3A_37 = arith.constant 8 : i32
      %mul3A_38 = arith.muli %add3A_30, %mul3A_37 : i32
      %add3A_39 = arith.constant 0 : i32
      %add3A_40 = arith.addi %mul3A_38, %add3A_39 : i32
      %dma_wait3A = arith.constant 0 : i32
      %dma_wait3A_41 = arith.constant 0 : i32
      %dma_wait3A_42 = tpu.memref_slice %arg7[%dma_wait3A, %dma_wait3A_41] : memref<16x128xi32, #tpu.memory_space<vmem>> -> memref<1x128xi32, #tpu.memory_space<vmem>>
      %dma_wait3A_43 = tpu.memref_squeeze %dma_wait3A_42 : memref<1x128xi32, #tpu.memory_space<vmem>> -> memref<128xi32, #tpu.memory_space<vmem>>
      %dma_wait3A_44 = arith.constant 0 : i32
      %dma_wait3A_45 = arith.constant 0 : i32
      %dma_wait3A_46 = tpu.memref_slice %arg2[%dma_wait3A_44, %dma_wait3A_45] : memref<20480x128xf32, #tpu.memory_space<hbm>> -> memref<20480x128xf32, #tpu.memory_space<hbm>>
      tpu.wait_indirect_dma semaphore(%arg12 : memref<!tpu.dma_semaphore, #tpu.memory_space<semaphore_mem>>) src(%dma_wait3A_46 : memref<20480x128xf32, #tpu.memory_space<hbm>>) dst(%arg9 : memref<128x128xf32, #tpu.memory_space<vmem>>)
      %add3A_47 = arith.constant 0 : i32
      %add3A_48 = arith.addi %mul3A_33, %add3A_47 : i32
      "tpu.region"() ({
        %run_scoped3A = tpu.sem_alloc : memref<!tpu.dma_semaphore, #tpu.memory_space<semaphore_mem>>
        %dma_start3A_196 = arith.constant 0 : i32
        %dma_start3A_197 = tpu.memref_slice %arg8[%add3A_48, %dma_start3A_196] : memref<16x128xi32, #tpu.memory_space<vmem>> -> memref<1x128xi32, #tpu.memory_space<vmem>>
        %dma_start3A_198 = tpu.memref_squeeze %dma_start3A_197 : memref<1x128xi32, #tpu.memory_space<vmem>> -> memref<128xi32, #tpu.memory_space<vmem>>
        %dma_start3A_199 = arith.constant 0 : i32
        %dma_start3A_200 = arith.constant 0 : i32
        %dma_start3A_201 = tpu.memref_slice %arg11[%dma_start3A_199, %dma_start3A_200] : memref<10240x128xf32, #tpu.memory_space<vmem_shared>> -> memref<10240x128xf32, #tpu.memory_space<vmem_shared>>
        tpu.enqueue_indirect_dma source(%arg9 : memref<128x128xf32, #tpu.memory_space<vmem>>) target(%dma_start3A_201 : memref<10240x128xf32, #tpu.memory_space<vmem_shared>>) offsets(%dma_start3A_198 : memref<128xi32, #tpu.memory_space<vmem>>) semaphore(%run_scoped3A : memref<!tpu.dma_semaphore, #tpu.memory_space<semaphore_mem>>) {add = true}
        %dma_wait3A_202 = arith.constant 0 : i32
        %dma_wait3A_203 = tpu.memref_slice %arg8[%add3A_48, %dma_wait3A_202] : memref<16x128xi32, #tpu.memory_space<vmem>> -> memref<1x128xi32, #tpu.memory_space<vmem>>
        %dma_wait3A_204 = tpu.memref_squeeze %dma_wait3A_203 : memref<1x128xi32, #tpu.memory_space<vmem>> -> memref<128xi32, #tpu.memory_space<vmem>>
        %dma_wait3A_205 = arith.constant 0 : i32
        %dma_wait3A_206 = arith.constant 0 : i32
        %dma_wait3A_207 = tpu.memref_slice %arg11[%dma_wait3A_205, %dma_wait3A_206] : memref<10240x128xf32, #tpu.memory_space<vmem_shared>> -> memref<10240x128xf32, #tpu.memory_space<vmem_shared>>
        tpu.wait_indirect_dma semaphore(%run_scoped3A : memref<!tpu.dma_semaphore, #tpu.memory_space<semaphore_mem>>) src(%arg9 : memref<128x128xf32, #tpu.memory_space<vmem>>) dst(%dma_wait3A_207 : memref<10240x128xf32, #tpu.memory_space<vmem_shared>>)
        tpu.yield
      }) : () -> ()
      %add3A_49 = arith.constant 2 : i32
      %add3A_50 = arith.addi %add3A_40, %add3A_49 : i32
      %lt3A_51 = arith.constant 80 : i32
      %lt3A_52 = arith.cmpi slt, %add3A_50, %lt3A_51 : i32
      %convert_element_type3A_53 = arith.extui %lt3A_52 : i1 to i32
      %cond3A_54 = arith.constant 0 : i32
      %cond3A_55 = arith.cmpi ne, %convert_element_type3A_53, %cond3A_54 : i32
      scf.if %cond3A_55 {
        %add3A_196 = arith.constant 2 : i32
        %add3A_197 = arith.addi %add3A_40, %add3A_196 : i32
        %rem3A_198 = arith.constant 16 : i32
        %rem3A_199 = arith.remsi %add3A_197, %rem3A_198 : i32
        %dma_start3A_200 = arith.constant 0 : i32
        %dma_start3A_201 = tpu.memref_slice %arg7[%rem3A_199, %dma_start3A_200] : memref<16x128xi32, #tpu.memory_space<vmem>> -> memref<1x128xi32, #tpu.memory_space<vmem>>
        %dma_start3A_202 = tpu.memref_squeeze %dma_start3A_201 : memref<1x128xi32, #tpu.memory_space<vmem>> -> memref<128xi32, #tpu.memory_space<vmem>>
        %dma_start3A_203 = arith.constant 0 : i32
        %dma_start3A_204 = arith.constant 0 : i32
        %dma_start3A_205 = tpu.memref_slice %arg2[%dma_start3A_203, %dma_start3A_204] : memref<20480x128xf32, #tpu.memory_space<hbm>> -> memref<20480x128xf32, #tpu.memory_space<hbm>>
        tpu.enqueue_indirect_dma source(%dma_start3A_205 : memref<20480x128xf32, #tpu.memory_space<hbm>>) target(%arg9 : memref<128x128xf32, #tpu.memory_space<vmem>>) offsets(%dma_start3A_202 : memref<128xi32, #tpu.memory_space<vmem>>) semaphore(%arg12 : memref<!tpu.dma_semaphore, #tpu.memory_space<semaphore_mem>>)
      } else {
      }
      %mul3A_56 = arith.constant 8 : i32
      %mul3A_57 = arith.muli %add3A_30, %mul3A_56 : i32
      %add3A_58 = arith.constant 1 : i32
      %add3A_59 = arith.addi %mul3A_57, %add3A_58 : i32
      %dma_wait3A_60 = arith.constant 0 : i32
      %dma_wait3A_61 = arith.constant 0 : i32
      %dma_wait3A_62 = tpu.memref_slice %arg7[%dma_wait3A_60, %dma_wait3A_61] : memref<16x128xi32, #tpu.memory_space<vmem>> -> memref<1x128xi32, #tpu.memory_space<vmem>>
      %dma_wait3A_63 = tpu.memref_squeeze %dma_wait3A_62 : memref<1x128xi32, #tpu.memory_space<vmem>> -> memref<128xi32, #tpu.memory_space<vmem>>
      %dma_wait3A_64 = arith.constant 0 : i32
      %dma_wait3A_65 = arith.constant 0 : i32
      %dma_wait3A_66 = tpu.memref_slice %arg2[%dma_wait3A_64, %dma_wait3A_65] : memref<20480x128xf32, #tpu.memory_space<hbm>> -> memref<20480x128xf32, #tpu.memory_space<hbm>>
      tpu.wait_indirect_dma semaphore(%arg13 : memref<!tpu.dma_semaphore, #tpu.memory_space<semaphore_mem>>) src(%dma_wait3A_66 : memref<20480x128xf32, #tpu.memory_space<hbm>>) dst(%arg10 : memref<128x128xf32, #tpu.memory_space<vmem>>)
      %add3A_67 = arith.constant 1 : i32
      %add3A_68 = arith.addi %mul3A_33, %add3A_67 : i32
      "tpu.region"() ({
        %run_scoped3A = tpu.sem_alloc : memref<!tpu.dma_semaphore, #tpu.memory_space<semaphore_mem>>
        %dma_start3A_196 = arith.constant 0 : i32
        %dma_start3A_197 = tpu.memref_slice %arg8[%add3A_68, %dma_start3A_196] : memref<16x128xi32, #tpu.memory_space<vmem>> -> memref<1x128xi32, #tpu.memory_space<vmem>>
        %dma_start3A_198 = tpu.memref_squeeze %dma_start3A_197 : memref<1x128xi32, #tpu.memory_space<vmem>> -> memref<128xi32, #tpu.memory_space<vmem>>
        %dma_start3A_199 = arith.constant 0 : i32
        %dma_start3A_200 = arith.constant 0 : i32
        %dma_start3A_201 = tpu.memref_slice %arg11[%dma_start3A_199, %dma_start3A_200] : memref<10240x128xf32, #tpu.memory_space<vmem_shared>> -> memref<10240x128xf32, #tpu.memory_space<vmem_shared>>
        tpu.enqueue_indirect_dma source(%arg10 : memref<128x128xf32, #tpu.memory_space<vmem>>) target(%dma_start3A_201 : memref<10240x128xf32, #tpu.memory_space<vmem_shared>>) offsets(%dma_start3A_198 : memref<128xi32, #tpu.memory_space<vmem>>) semaphore(%run_scoped3A : memref<!tpu.dma_semaphore, #tpu.memory_space<semaphore_mem>>) {add = true}
        %dma_wait3A_202 = arith.constant 0 : i32
        %dma_wait3A_203 = tpu.memref_slice %arg8[%add3A_68, %dma_wait3A_202] : memref<16x128xi32, #tpu.memory_space<vmem>> -> memref<1x128xi32, #tpu.memory_space<vmem>>
        %dma_wait3A_204 = tpu.memref_squeeze %dma_wait3A_203 : memref<1x128xi32, #tpu.memory_space<vmem>> -> memref<128xi32, #tpu.memory_space<vmem>>
        %dma_wait3A_205 = arith.constant 0 : i32
        %dma_wait3A_206 = arith.constant 0 : i32
        %dma_wait3A_207 = tpu.memref_slice %arg11[%dma_wait3A_205, %dma_wait3A_206] : memref<10240x128xf32, #tpu.memory_space<vmem_shared>> -> memref<10240x128xf32, #tpu.memory_space<vmem_shared>>
        tpu.wait_indirect_dma semaphore(%run_scoped3A : memref<!tpu.dma_semaphore, #tpu.memory_space<semaphore_mem>>) src(%arg10 : memref<128x128xf32, #tpu.memory_space<vmem>>) dst(%dma_wait3A_207 : memref<10240x128xf32, #tpu.memory_space<vmem_shared>>)
        tpu.yield
      }) : () -> ()
      %add3A_69 = arith.constant 2 : i32
      %add3A_70 = arith.addi %add3A_59, %add3A_69 : i32
      %lt3A_71 = arith.constant 80 : i32
      %lt3A_72 = arith.cmpi slt, %add3A_70, %lt3A_71 : i32
      %convert_element_type3A_73 = arith.extui %lt3A_72 : i1 to i32
      %cond3A_74 = arith.constant 0 : i32
      %cond3A_75 = arith.cmpi ne, %convert_element_type3A_73, %cond3A_74 : i32
      scf.if %cond3A_75 {
        %add3A_196 = arith.constant 2 : i32
        %add3A_197 = arith.addi %add3A_59, %add3A_196 : i32
        %rem3A_198 = arith.constant 16 : i32
        %rem3A_199 = arith.remsi %add3A_197, %rem3A_198 : i32
        %dma_start3A_200 = arith.constant 0 : i32
        %dma_start3A_201 = tpu.memref_slice %arg7[%rem3A_199, %dma_start3A_200] : memref<16x128xi32, #tpu.memory_space<vmem>> -> memref<1x128xi32, #tpu.memory_space<vmem>>
        %dma_start3A_202 = tpu.memref_squeeze %dma_start3A_201 : memref<1x128xi32, #tpu.memory_space<vmem>> -> memref<128xi32, #tpu.memory_space<vmem>>
        %dma_start3A_203 = arith.constant 0 : i32
        %dma_start3A_204 = arith.constant 0 : i32
        %dma_start3A_205 = tpu.memref_slice %arg2[%dma_start3A_203, %dma_start3A_204] : memref<20480x128xf32, #tpu.memory_space<hbm>> -> memref<20480x128xf32, #tpu.memory_space<hbm>>
        tpu.enqueue_indirect_dma source(%dma_start3A_205 : memref<20480x128xf32, #tpu.memory_space<hbm>>) target(%arg10 : memref<128x128xf32, #tpu.memory_space<vmem>>) offsets(%dma_start3A_202 : memref<128xi32, #tpu.memory_space<vmem>>) semaphore(%arg13 : memref<!tpu.dma_semaphore, #tpu.memory_space<semaphore_mem>>)
      } else {
      }
      %mul3A_76 = arith.constant 8 : i32
      %mul3A_77 = arith.muli %add3A_30, %mul3A_76 : i32
      %add3A_78 = arith.constant 2 : i32
      %add3A_79 = arith.addi %mul3A_77, %add3A_78 : i32
      %dma_wait3A_80 = arith.constant 0 : i32
      %dma_wait3A_81 = arith.constant 0 : i32
      %dma_wait3A_82 = tpu.memref_slice %arg7[%dma_wait3A_80, %dma_wait3A_81] : memref<16x128xi32, #tpu.memory_space<vmem>> -> memref<1x128xi32, #tpu.memory_space<vmem>>
      %dma_wait3A_83 = tpu.memref_squeeze %dma_wait3A_82 : memref<1x128xi32, #tpu.memory_space<vmem>> -> memref<128xi32, #tpu.memory_space<vmem>>
      %dma_wait3A_84 = arith.constant 0 : i32
      %dma_wait3A_85 = arith.constant 0 : i32
      %dma_wait3A_86 = tpu.memref_slice %arg2[%dma_wait3A_84, %dma_wait3A_85] : memref<20480x128xf32, #tpu.memory_space<hbm>> -> memref<20480x128xf32, #tpu.memory_space<hbm>>
      tpu.wait_indirect_dma semaphore(%arg12 : memref<!tpu.dma_semaphore, #tpu.memory_space<semaphore_mem>>) src(%dma_wait3A_86 : memref<20480x128xf32, #tpu.memory_space<hbm>>) dst(%arg9 : memref<128x128xf32, #tpu.memory_space<vmem>>)
      %add3A_87 = arith.constant 2 : i32
      %add3A_88 = arith.addi %mul3A_33, %add3A_87 : i32
      "tpu.region"() ({
        %run_scoped3A = tpu.sem_alloc : memref<!tpu.dma_semaphore, #tpu.memory_space<semaphore_mem>>
        %dma_start3A_196 = arith.constant 0 : i32
        %dma_start3A_197 = tpu.memref_slice %arg8[%add3A_88, %dma_start3A_196] : memref<16x128xi32, #tpu.memory_space<vmem>> -> memref<1x128xi32, #tpu.memory_space<vmem>>
        %dma_start3A_198 = tpu.memref_squeeze %dma_start3A_197 : memref<1x128xi32, #tpu.memory_space<vmem>> -> memref<128xi32, #tpu.memory_space<vmem>>
        %dma_start3A_199 = arith.constant 0 : i32
        %dma_start3A_200 = arith.constant 0 : i32
        %dma_start3A_201 = tpu.memref_slice %arg11[%dma_start3A_199, %dma_start3A_200] : memref<10240x128xf32, #tpu.memory_space<vmem_shared>> -> memref<10240x128xf32, #tpu.memory_space<vmem_shared>>
        tpu.enqueue_indirect_dma source(%arg9 : memref<128x128xf32, #tpu.memory_space<vmem>>) target(%dma_start3A_201 : memref<10240x128xf32, #tpu.memory_space<vmem_shared>>) offsets(%dma_start3A_198 : memref<128xi32, #tpu.memory_space<vmem>>) semaphore(%run_scoped3A : memref<!tpu.dma_semaphore, #tpu.memory_space<semaphore_mem>>) {add = true}
        %dma_wait3A_202 = arith.constant 0 : i32
        %dma_wait3A_203 = tpu.memref_slice %arg8[%add3A_88, %dma_wait3A_202] : memref<16x128xi32, #tpu.memory_space<vmem>> -> memref<1x128xi32, #tpu.memory_space<vmem>>
        %dma_wait3A_204 = tpu.memref_squeeze %dma_wait3A_203 : memref<1x128xi32, #tpu.memory_space<vmem>> -> memref<128xi32, #tpu.memory_space<vmem>>
        %dma_wait3A_205 = arith.constant 0 : i32
        %dma_wait3A_206 = arith.constant 0 : i32
        %dma_wait3A_207 = tpu.memref_slice %arg11[%dma_wait3A_205, %dma_wait3A_206] : memref<10240x128xf32, #tpu.memory_space<vmem_shared>> -> memref<10240x128xf32, #tpu.memory_space<vmem_shared>>
        tpu.wait_indirect_dma semaphore(%run_scoped3A : memref<!tpu.dma_semaphore, #tpu.memory_space<semaphore_mem>>) src(%arg9 : memref<128x128xf32, #tpu.memory_space<vmem>>) dst(%dma_wait3A_207 : memref<10240x128xf32, #tpu.memory_space<vmem_shared>>)
        tpu.yield
      }) : () -> ()
      %add3A_89 = arith.constant 2 : i32
      %add3A_90 = arith.addi %add3A_79, %add3A_89 : i32
      %lt3A_91 = arith.constant 80 : i32
      %lt3A_92 = arith.cmpi slt, %add3A_90, %lt3A_91 : i32
      %convert_element_type3A_93 = arith.extui %lt3A_92 : i1 to i32
      %cond3A_94 = arith.constant 0 : i32
      %cond3A_95 = arith.cmpi ne, %convert_element_type3A_93, %cond3A_94 : i32
      scf.if %cond3A_95 {
        %add3A_196 = arith.constant 2 : i32
        %add3A_197 = arith.addi %add3A_79, %add3A_196 : i32
        %rem3A_198 = arith.constant 16 : i32
        %rem3A_199 = arith.remsi %add3A_197, %rem3A_198 : i32
        %dma_start3A_200 = arith.constant 0 : i32
        %dma_start3A_201 = tpu.memref_slice %arg7[%rem3A_199, %dma_start3A_200] : memref<16x128xi32, #tpu.memory_space<vmem>> -> memref<1x128xi32, #tpu.memory_space<vmem>>
        %dma_start3A_202 = tpu.memref_squeeze %dma_start3A_201 : memref<1x128xi32, #tpu.memory_space<vmem>> -> memref<128xi32, #tpu.memory_space<vmem>>
        %dma_start3A_203 = arith.constant 0 : i32
        %dma_start3A_204 = arith.constant 0 : i32
        %dma_start3A_205 = tpu.memref_slice %arg2[%dma_start3A_203, %dma_start3A_204] : memref<20480x128xf32, #tpu.memory_space<hbm>> -> memref<20480x128xf32, #tpu.memory_space<hbm>>
        tpu.enqueue_indirect_dma source(%dma_start3A_205 : memref<20480x128xf32, #tpu.memory_space<hbm>>) target(%arg9 : memref<128x128xf32, #tpu.memory_space<vmem>>) offsets(%dma_start3A_202 : memref<128xi32, #tpu.memory_space<vmem>>) semaphore(%arg12 : memref<!tpu.dma_semaphore, #tpu.memory_space<semaphore_mem>>)
      } else {
      }
      %mul3A_96 = arith.constant 8 : i32
      %mul3A_97 = arith.muli %add3A_30, %mul3A_96 : i32
      %add3A_98 = arith.constant 3 : i32
      %add3A_99 = arith.addi %mul3A_97, %add3A_98 : i32
      %dma_wait3A_100 = arith.constant 0 : i32
      %dma_wait3A_101 = arith.constant 0 : i32
      %dma_wait3A_102 = tpu.memref_slice %arg7[%dma_wait3A_100, %dma_wait3A_101] : memref<16x128xi32, #tpu.memory_space<vmem>> -> memref<1x128xi32, #tpu.memory_space<vmem>>
      %dma_wait3A_103 = tpu.memref_squeeze %dma_wait3A_102 : memref<1x128xi32, #tpu.memory_space<vmem>> -> memref<128xi32, #tpu.memory_space<vmem>>
      %dma_wait3A_104 = arith.constant 0 : i32
      %dma_wait3A_105 = arith.constant 0 : i32
      %dma_wait3A_106 = tpu.memref_slice %arg2[%dma_wait3A_104, %dma_wait3A_105] : memref<20480x128xf32, #tpu.memory_space<hbm>> -> memref<20480x128xf32, #tpu.memory_space<hbm>>
      tpu.wait_indirect_dma semaphore(%arg13 : memref<!tpu.dma_semaphore, #tpu.memory_space<semaphore_mem>>) src(%dma_wait3A_106 : memref<20480x128xf32, #tpu.memory_space<hbm>>) dst(%arg10 : memref<128x128xf32, #tpu.memory_space<vmem>>)
      %add3A_107 = arith.constant 3 : i32
      %add3A_108 = arith.addi %mul3A_33, %add3A_107 : i32
      "tpu.region"() ({
        %run_scoped3A = tpu.sem_alloc : memref<!tpu.dma_semaphore, #tpu.memory_space<semaphore_mem>>
        %dma_start3A_196 = arith.constant 0 : i32
        %dma_start3A_197 = tpu.memref_slice %arg8[%add3A_108, %dma_start3A_196] : memref<16x128xi32, #tpu.memory_space<vmem>> -> memref<1x128xi32, #tpu.memory_space<vmem>>
        %dma_start3A_198 = tpu.memref_squeeze %dma_start3A_197 : memref<1x128xi32, #tpu.memory_space<vmem>> -> memref<128xi32, #tpu.memory_space<vmem>>
        %dma_start3A_199 = arith.constant 0 : i32
        %dma_start3A_200 = arith.constant 0 : i32
        %dma_start3A_201 = tpu.memref_slice %arg11[%dma_start3A_199, %dma_start3A_200] : memref<10240x128xf32, #tpu.memory_space<vmem_shared>> -> memref<10240x128xf32, #tpu.memory_space<vmem_shared>>
        tpu.enqueue_indirect_dma source(%arg10 : memref<128x128xf32, #tpu.memory_space<vmem>>) target(%dma_start3A_201 : memref<10240x128xf32, #tpu.memory_space<vmem_shared>>) offsets(%dma_start3A_198 : memref<128xi32, #tpu.memory_space<vmem>>) semaphore(%run_scoped3A : memref<!tpu.dma_semaphore, #tpu.memory_space<semaphore_mem>>) {add = true}
        %dma_wait3A_202 = arith.constant 0 : i32
        %dma_wait3A_203 = tpu.memref_slice %arg8[%add3A_108, %dma_wait3A_202] : memref<16x128xi32, #tpu.memory_space<vmem>> -> memref<1x128xi32, #tpu.memory_space<vmem>>
        %dma_wait3A_204 = tpu.memref_squeeze %dma_wait3A_203 : memref<1x128xi32, #tpu.memory_space<vmem>> -> memref<128xi32, #tpu.memory_space<vmem>>
        %dma_wait3A_205 = arith.constant 0 : i32
        %dma_wait3A_206 = arith.constant 0 : i32
        %dma_wait3A_207 = tpu.memref_slice %arg11[%dma_wait3A_205, %dma_wait3A_206] : memref<10240x128xf32, #tpu.memory_space<vmem_shared>> -> memref<10240x128xf32, #tpu.memory_space<vmem_shared>>
        tpu.wait_indirect_dma semaphore(%run_scoped3A : memref<!tpu.dma_semaphore, #tpu.memory_space<semaphore_mem>>) src(%arg10 : memref<128x128xf32, #tpu.memory_space<vmem>>) dst(%dma_wait3A_207 : memref<10240x128xf32, #tpu.memory_space<vmem_shared>>)
        tpu.yield
      }) : () -> ()
      %add3A_109 = arith.constant 2 : i32
      %add3A_110 = arith.addi %add3A_99, %add3A_109 : i32
      %lt3A_111 = arith.constant 80 : i32
      %lt3A_112 = arith.cmpi slt, %add3A_110, %lt3A_111 : i32
      %convert_element_type3A_113 = arith.extui %lt3A_112 : i1 to i32
      %cond3A_114 = arith.constant 0 : i32
      %cond3A_115 = arith.cmpi ne, %convert_element_type3A_113, %cond3A_114 : i32
      scf.if %cond3A_115 {
        %add3A_196 = arith.constant 2 : i32
        %add3A_197 = arith.addi %add3A_99, %add3A_196 : i32
        %rem3A_198 = arith.constant 16 : i32
        %rem3A_199 = arith.remsi %add3A_197, %rem3A_198 : i32
        %dma_start3A_200 = arith.constant 0 : i32
        %dma_start3A_201 = tpu.memref_slice %arg7[%rem3A_199, %dma_start3A_200] : memref<16x128xi32, #tpu.memory_space<vmem>> -> memref<1x128xi32, #tpu.memory_space<vmem>>
        %dma_start3A_202 = tpu.memref_squeeze %dma_start3A_201 : memref<1x128xi32, #tpu.memory_space<vmem>> -> memref<128xi32, #tpu.memory_space<vmem>>
        %dma_start3A_203 = arith.constant 0 : i32
        %dma_start3A_204 = arith.constant 0 : i32
        %dma_start3A_205 = tpu.memref_slice %arg2[%dma_start3A_203, %dma_start3A_204] : memref<20480x128xf32, #tpu.memory_space<hbm>> -> memref<20480x128xf32, #tpu.memory_space<hbm>>
        tpu.enqueue_indirect_dma source(%dma_start3A_205 : memref<20480x128xf32, #tpu.memory_space<hbm>>) target(%arg10 : memref<128x128xf32, #tpu.memory_space<vmem>>) offsets(%dma_start3A_202 : memref<128xi32, #tpu.memory_space<vmem>>) semaphore(%arg13 : memref<!tpu.dma_semaphore, #tpu.memory_space<semaphore_mem>>)
      } else {
      }
      %mul3A_116 = arith.constant 8 : i32
      %mul3A_117 = arith.muli %add3A_30, %mul3A_116 : i32
      %add3A_118 = arith.constant 4 : i32
      %add3A_119 = arith.addi %mul3A_117, %add3A_118 : i32
      %dma_wait3A_120 = arith.constant 0 : i32
      %dma_wait3A_121 = arith.constant 0 : i32
      %dma_wait3A_122 = tpu.memref_slice %arg7[%dma_wait3A_120, %dma_wait3A_121] : memref<16x128xi32, #tpu.memory_space<vmem>> -> memref<1x128xi32, #tpu.memory_space<vmem>>
      %dma_wait3A_123 = tpu.memref_squeeze %dma_wait3A_122 : memref<1x128xi32, #tpu.memory_space<vmem>> -> memref<128xi32, #tpu.memory_space<vmem>>
      %dma_wait3A_124 = arith.constant 0 : i32
      %dma_wait3A_125 = arith.constant 0 : i32
      %dma_wait3A_126 = tpu.memref_slice %arg2[%dma_wait3A_124, %dma_wait3A_125] : memref<20480x128xf32, #tpu.memory_space<hbm>> -> memref<20480x128xf32, #tpu.memory_space<hbm>>
      tpu.wait_indirect_dma semaphore(%arg12 : memref<!tpu.dma_semaphore, #tpu.memory_space<semaphore_mem>>) src(%dma_wait3A_126 : memref<20480x128xf32, #tpu.memory_space<hbm>>) dst(%arg9 : memref<128x128xf32, #tpu.memory_space<vmem>>)
      %add3A_127 = arith.constant 4 : i32
      %add3A_128 = arith.addi %mul3A_33, %add3A_127 : i32
      "tpu.region"() ({
        %run_scoped3A = tpu.sem_alloc : memref<!tpu.dma_semaphore, #tpu.memory_space<semaphore_mem>>
        %dma_start3A_196 = arith.constant 0 : i32
        %dma_start3A_197 = tpu.memref_slice %arg8[%add3A_128, %dma_start3A_196] : memref<16x128xi32, #tpu.memory_space<vmem>> -> memref<1x128xi32, #tpu.memory_space<vmem>>
        %dma_start3A_198 = tpu.memref_squeeze %dma_start3A_197 : memref<1x128xi32, #tpu.memory_space<vmem>> -> memref<128xi32, #tpu.memory_space<vmem>>
        %dma_start3A_199 = arith.constant 0 : i32
        %dma_start3A_200 = arith.constant 0 : i32
        %dma_start3A_201 = tpu.memref_slice %arg11[%dma_start3A_199, %dma_start3A_200] : memref<10240x128xf32, #tpu.memory_space<vmem_shared>> -> memref<10240x128xf32, #tpu.memory_space<vmem_shared>>
        tpu.enqueue_indirect_dma source(%arg9 : memref<128x128xf32, #tpu.memory_space<vmem>>) target(%dma_start3A_201 : memref<10240x128xf32, #tpu.memory_space<vmem_shared>>) offsets(%dma_start3A_198 : memref<128xi32, #tpu.memory_space<vmem>>) semaphore(%run_scoped3A : memref<!tpu.dma_semaphore, #tpu.memory_space<semaphore_mem>>) {add = true}
        %dma_wait3A_202 = arith.constant 0 : i32
        %dma_wait3A_203 = tpu.memref_slice %arg8[%add3A_128, %dma_wait3A_202] : memref<16x128xi32, #tpu.memory_space<vmem>> -> memref<1x128xi32, #tpu.memory_space<vmem>>
        %dma_wait3A_204 = tpu.memref_squeeze %dma_wait3A_203 : memref<1x128xi32, #tpu.memory_space<vmem>> -> memref<128xi32, #tpu.memory_space<vmem>>
        %dma_wait3A_205 = arith.constant 0 : i32
        %dma_wait3A_206 = arith.constant 0 : i32
        %dma_wait3A_207 = tpu.memref_slice %arg11[%dma_wait3A_205, %dma_wait3A_206] : memref<10240x128xf32, #tpu.memory_space<vmem_shared>> -> memref<10240x128xf32, #tpu.memory_space<vmem_shared>>
        tpu.wait_indirect_dma semaphore(%run_scoped3A : memref<!tpu.dma_semaphore, #tpu.memory_space<semaphore_mem>>) src(%arg9 : memref<128x128xf32, #tpu.memory_space<vmem>>) dst(%dma_wait3A_207 : memref<10240x128xf32, #tpu.memory_space<vmem_shared>>)
        tpu.yield
      }) : () -> ()
      %add3A_129 = arith.constant 2 : i32
      %add3A_130 = arith.addi %add3A_119, %add3A_129 : i32
      %lt3A_131 = arith.constant 80 : i32
      %lt3A_132 = arith.cmpi slt, %add3A_130, %lt3A_131 : i32
      %convert_element_type3A_133 = arith.extui %lt3A_132 : i1 to i32
      %cond3A_134 = arith.constant 0 : i32
      %cond3A_135 = arith.cmpi ne, %convert_element_type3A_133, %cond3A_134 : i32
      scf.if %cond3A_135 {
        %add3A_196 = arith.constant 2 : i32
        %add3A_197 = arith.addi %add3A_119, %add3A_196 : i32
        %rem3A_198 = arith.constant 16 : i32
        %rem3A_199 = arith.remsi %add3A_197, %rem3A_198 : i32
        %dma_start3A_200 = arith.constant 0 : i32
        %dma_start3A_201 = tpu.memref_slice %arg7[%rem3A_199, %dma_start3A_200] : memref<16x128xi32, #tpu.memory_space<vmem>> -> memref<1x128xi32, #tpu.memory_space<vmem>>
        %dma_start3A_202 = tpu.memref_squeeze %dma_start3A_201 : memref<1x128xi32, #tpu.memory_space<vmem>> -> memref<128xi32, #tpu.memory_space<vmem>>
        %dma_start3A_203 = arith.constant 0 : i32
        %dma_start3A_204 = arith.constant 0 : i32
        %dma_start3A_205 = tpu.memref_slice %arg2[%dma_start3A_203, %dma_start3A_204] : memref<20480x128xf32, #tpu.memory_space<hbm>> -> memref<20480x128xf32, #tpu.memory_space<hbm>>
        tpu.enqueue_indirect_dma source(%dma_start3A_205 : memref<20480x128xf32, #tpu.memory_space<hbm>>) target(%arg9 : memref<128x128xf32, #tpu.memory_space<vmem>>) offsets(%dma_start3A_202 : memref<128xi32, #tpu.memory_space<vmem>>) semaphore(%arg12 : memref<!tpu.dma_semaphore, #tpu.memory_space<semaphore_mem>>)
      } else {
      }
      %mul3A_136 = arith.constant 8 : i32
      %mul3A_137 = arith.muli %add3A_30, %mul3A_136 : i32
      %add3A_138 = arith.constant 5 : i32
      %add3A_139 = arith.addi %mul3A_137, %add3A_138 : i32
      %dma_wait3A_140 = arith.constant 0 : i32
      %dma_wait3A_141 = arith.constant 0 : i32
      %dma_wait3A_142 = tpu.memref_slice %arg7[%dma_wait3A_140, %dma_wait3A_141] : memref<16x128xi32, #tpu.memory_space<vmem>> -> memref<1x128xi32, #tpu.memory_space<vmem>>
      %dma_wait3A_143 = tpu.memref_squeeze %dma_wait3A_142 : memref<1x128xi32, #tpu.memory_space<vmem>> -> memref<128xi32, #tpu.memory_space<vmem>>
      %dma_wait3A_144 = arith.constant 0 : i32
      %dma_wait3A_145 = arith.constant 0 : i32
      %dma_wait3A_146 = tpu.memref_slice %arg2[%dma_wait3A_144, %dma_wait3A_145] : memref<20480x128xf32, #tpu.memory_space<hbm>> -> memref<20480x128xf32, #tpu.memory_space<hbm>>
      tpu.wait_indirect_dma semaphore(%arg13 : memref<!tpu.dma_semaphore, #tpu.memory_space<semaphore_mem>>) src(%dma_wait3A_146 : memref<20480x128xf32, #tpu.memory_space<hbm>>) dst(%arg10 : memref<128x128xf32, #tpu.memory_space<vmem>>)
      %add3A_147 = arith.constant 5 : i32
      %add3A_148 = arith.addi %mul3A_33, %add3A_147 : i32
      "tpu.region"() ({
        %run_scoped3A = tpu.sem_alloc : memref<!tpu.dma_semaphore, #tpu.memory_space<semaphore_mem>>
        %dma_start3A_196 = arith.constant 0 : i32
        %dma_start3A_197 = tpu.memref_slice %arg8[%add3A_148, %dma_start3A_196] : memref<16x128xi32, #tpu.memory_space<vmem>> -> memref<1x128xi32, #tpu.memory_space<vmem>>
        %dma_start3A_198 = tpu.memref_squeeze %dma_start3A_197 : memref<1x128xi32, #tpu.memory_space<vmem>> -> memref<128xi32, #tpu.memory_space<vmem>>
        %dma_start3A_199 = arith.constant 0 : i32
        %dma_start3A_200 = arith.constant 0 : i32
        %dma_start3A_201 = tpu.memref_slice %arg11[%dma_start3A_199, %dma_start3A_200] : memref<10240x128xf32, #tpu.memory_space<vmem_shared>> -> memref<10240x128xf32, #tpu.memory_space<vmem_shared>>
        tpu.enqueue_indirect_dma source(%arg10 : memref<128x128xf32, #tpu.memory_space<vmem>>) target(%dma_start3A_201 : memref<10240x128xf32, #tpu.memory_space<vmem_shared>>) offsets(%dma_start3A_198 : memref<128xi32, #tpu.memory_space<vmem>>) semaphore(%run_scoped3A : memref<!tpu.dma_semaphore, #tpu.memory_space<semaphore_mem>>) {add = true}
        %dma_wait3A_202 = arith.constant 0 : i32
        %dma_wait3A_203 = tpu.memref_slice %arg8[%add3A_148, %dma_wait3A_202] : memref<16x128xi32, #tpu.memory_space<vmem>> -> memref<1x128xi32, #tpu.memory_space<vmem>>
        %dma_wait3A_204 = tpu.memref_squeeze %dma_wait3A_203 : memref<1x128xi32, #tpu.memory_space<vmem>> -> memref<128xi32, #tpu.memory_space<vmem>>
        %dma_wait3A_205 = arith.constant 0 : i32
        %dma_wait3A_206 = arith.constant 0 : i32
        %dma_wait3A_207 = tpu.memref_slice %arg11[%dma_wait3A_205, %dma_wait3A_206] : memref<10240x128xf32, #tpu.memory_space<vmem_shared>> -> memref<10240x128xf32, #tpu.memory_space<vmem_shared>>
        tpu.wait_indirect_dma semaphore(%run_scoped3A : memref<!tpu.dma_semaphore, #tpu.memory_space<semaphore_mem>>) src(%arg10 : memref<128x128xf32, #tpu.memory_space<vmem>>) dst(%dma_wait3A_207 : memref<10240x128xf32, #tpu.memory_space<vmem_shared>>)
        tpu.yield
      }) : () -> ()
      %add3A_149 = arith.constant 2 : i32
      %add3A_150 = arith.addi %add3A_139, %add3A_149 : i32
      %lt3A_151 = arith.constant 80 : i32
      %lt3A_152 = arith.cmpi slt, %add3A_150, %lt3A_151 : i32
      %convert_element_type3A_153 = arith.extui %lt3A_152 : i1 to i32
      %cond3A_154 = arith.constant 0 : i32
      %cond3A_155 = arith.cmpi ne, %convert_element_type3A_153, %cond3A_154 : i32
      scf.if %cond3A_155 {
        %add3A_196 = arith.constant 2 : i32
        %add3A_197 = arith.addi %add3A_139, %add3A_196 : i32
        %rem3A_198 = arith.constant 16 : i32
        %rem3A_199 = arith.remsi %add3A_197, %rem3A_198 : i32
        %dma_start3A_200 = arith.constant 0 : i32
        %dma_start3A_201 = tpu.memref_slice %arg7[%rem3A_199, %dma_start3A_200] : memref<16x128xi32, #tpu.memory_space<vmem>> -> memref<1x128xi32, #tpu.memory_space<vmem>>
        %dma_start3A_202 = tpu.memref_squeeze %dma_start3A_201 : memref<1x128xi32, #tpu.memory_space<vmem>> -> memref<128xi32, #tpu.memory_space<vmem>>
        %dma_start3A_203 = arith.constant 0 : i32
        %dma_start3A_204 = arith.constant 0 : i32
        %dma_start3A_205 = tpu.memref_slice %arg2[%dma_start3A_203, %dma_start3A_204] : memref<20480x128xf32, #tpu.memory_space<hbm>> -> memref<20480x128xf32, #tpu.memory_space<hbm>>
        tpu.enqueue_indirect_dma source(%dma_start3A_205 : memref<20480x128xf32, #tpu.memory_space<hbm>>) target(%arg10 : memref<128x128xf32, #tpu.memory_space<vmem>>) offsets(%dma_start3A_202 : memref<128xi32, #tpu.memory_space<vmem>>) semaphore(%arg13 : memref<!tpu.dma_semaphore, #tpu.memory_space<semaphore_mem>>)
      } else {
      }
      %mul3A_156 = arith.constant 8 : i32
      %mul3A_157 = arith.muli %add3A_30, %mul3A_156 : i32
      %add3A_158 = arith.constant 6 : i32
      %add3A_159 = arith.addi %mul3A_157, %add3A_158 : i32
      %dma_wait3A_160 = arith.constant 0 : i32
      %dma_wait3A_161 = arith.constant 0 : i32
      %dma_wait3A_162 = tpu.memref_slice %arg7[%dma_wait3A_160, %dma_wait3A_161] : memref<16x128xi32, #tpu.memory_space<vmem>> -> memref<1x128xi32, #tpu.memory_space<vmem>>
      %dma_wait3A_163 = tpu.memref_squeeze %dma_wait3A_162 : memref<1x128xi32, #tpu.memory_space<vmem>> -> memref<128xi32, #tpu.memory_space<vmem>>
      %dma_wait3A_164 = arith.constant 0 : i32
      %dma_wait3A_165 = arith.constant 0 : i32
      %dma_wait3A_166 = tpu.memref_slice %arg2[%dma_wait3A_164, %dma_wait3A_165] : memref<20480x128xf32, #tpu.memory_space<hbm>> -> memref<20480x128xf32, #tpu.memory_space<hbm>>
      tpu.wait_indirect_dma semaphore(%arg12 : memref<!tpu.dma_semaphore, #tpu.memory_space<semaphore_mem>>) src(%dma_wait3A_166 : memref<20480x128xf32, #tpu.memory_space<hbm>>) dst(%arg9 : memref<128x128xf32, #tpu.memory_space<vmem>>)
      %add3A_167 = arith.constant 6 : i32
      %add3A_168 = arith.addi %mul3A_33, %add3A_167 : i32
      "tpu.region"() ({
        %run_scoped3A = tpu.sem_alloc : memref<!tpu.dma_semaphore, #tpu.memory_space<semaphore_mem>>
        %dma_start3A_196 = arith.constant 0 : i32
        %dma_start3A_197 = tpu.memref_slice %arg8[%add3A_168, %dma_start3A_196] : memref<16x128xi32, #tpu.memory_space<vmem>> -> memref<1x128xi32, #tpu.memory_space<vmem>>
        %dma_start3A_198 = tpu.memref_squeeze %dma_start3A_197 : memref<1x128xi32, #tpu.memory_space<vmem>> -> memref<128xi32, #tpu.memory_space<vmem>>
        %dma_start3A_199 = arith.constant 0 : i32
        %dma_start3A_200 = arith.constant 0 : i32
        %dma_start3A_201 = tpu.memref_slice %arg11[%dma_start3A_199, %dma_start3A_200] : memref<10240x128xf32, #tpu.memory_space<vmem_shared>> -> memref<10240x128xf32, #tpu.memory_space<vmem_shared>>
        tpu.enqueue_indirect_dma source(%arg9 : memref<128x128xf32, #tpu.memory_space<vmem>>) target(%dma_start3A_201 : memref<10240x128xf32, #tpu.memory_space<vmem_shared>>) offsets(%dma_start3A_198 : memref<128xi32, #tpu.memory_space<vmem>>) semaphore(%run_scoped3A : memref<!tpu.dma_semaphore, #tpu.memory_space<semaphore_mem>>) {add = true}
        %dma_wait3A_202 = arith.constant 0 : i32
        %dma_wait3A_203 = tpu.memref_slice %arg8[%add3A_168, %dma_wait3A_202] : memref<16x128xi32, #tpu.memory_space<vmem>> -> memref<1x128xi32, #tpu.memory_space<vmem>>
        %dma_wait3A_204 = tpu.memref_squeeze %dma_wait3A_203 : memref<1x128xi32, #tpu.memory_space<vmem>> -> memref<128xi32, #tpu.memory_space<vmem>>
        %dma_wait3A_205 = arith.constant 0 : i32
        %dma_wait3A_206 = arith.constant 0 : i32
        %dma_wait3A_207 = tpu.memref_slice %arg11[%dma_wait3A_205, %dma_wait3A_206] : memref<10240x128xf32, #tpu.memory_space<vmem_shared>> -> memref<10240x128xf32, #tpu.memory_space<vmem_shared>>
        tpu.wait_indirect_dma semaphore(%run_scoped3A : memref<!tpu.dma_semaphore, #tpu.memory_space<semaphore_mem>>) src(%arg9 : memref<128x128xf32, #tpu.memory_space<vmem>>) dst(%dma_wait3A_207 : memref<10240x128xf32, #tpu.memory_space<vmem_shared>>)
        tpu.yield
      }) : () -> ()
      %add3A_169 = arith.constant 2 : i32
      %add3A_170 = arith.addi %add3A_159, %add3A_169 : i32
      %lt3A_171 = arith.constant 80 : i32
      %lt3A_172 = arith.cmpi slt, %add3A_170, %lt3A_171 : i32
      %convert_element_type3A_173 = arith.extui %lt3A_172 : i1 to i32
      %cond3A_174 = arith.constant 0 : i32
      %cond3A_175 = arith.cmpi ne, %convert_element_type3A_173, %cond3A_174 : i32
      scf.if %cond3A_175 {
        %add3A_196 = arith.constant 2 : i32
        %add3A_197 = arith.addi %add3A_159, %add3A_196 : i32
        %rem3A_198 = arith.constant 16 : i32
        %rem3A_199 = arith.remsi %add3A_197, %rem3A_198 : i32
        %dma_start3A_200 = arith.constant 0 : i32
        %dma_start3A_201 = tpu.memref_slice %arg7[%rem3A_199, %dma_start3A_200] : memref<16x128xi32, #tpu.memory_space<vmem>> -> memref<1x128xi32, #tpu.memory_space<vmem>>
        %dma_start3A_202 = tpu.memref_squeeze %dma_start3A_201 : memref<1x128xi32, #tpu.memory_space<vmem>> -> memref<128xi32, #tpu.memory_space<vmem>>
        %dma_start3A_203 = arith.constant 0 : i32
        %dma_start3A_204 = arith.constant 0 : i32
        %dma_start3A_205 = tpu.memref_slice %arg2[%dma_start3A_203, %dma_start3A_204] : memref<20480x128xf32, #tpu.memory_space<hbm>> -> memref<20480x128xf32, #tpu.memory_space<hbm>>
        tpu.enqueue_indirect_dma source(%dma_start3A_205 : memref<20480x128xf32, #tpu.memory_space<hbm>>) target(%arg9 : memref<128x128xf32, #tpu.memory_space<vmem>>) offsets(%dma_start3A_202 : memref<128xi32, #tpu.memory_space<vmem>>) semaphore(%arg12 : memref<!tpu.dma_semaphore, #tpu.memory_space<semaphore_mem>>)
      } else {
      }
      %mul3A_176 = arith.constant 8 : i32
      %mul3A_177 = arith.muli %add3A_30, %mul3A_176 : i32
      %add3A_178 = arith.constant 7 : i32
      %add3A_179 = arith.addi %mul3A_177, %add3A_178 : i32
      %dma_wait3A_180 = arith.constant 0 : i32
      %dma_wait3A_181 = arith.constant 0 : i32
      %dma_wait3A_182 = tpu.memref_slice %arg7[%dma_wait3A_180, %dma_wait3A_181] : memref<16x128xi32, #tpu.memory_space<vmem>> -> memref<1x128xi32, #tpu.memory_space<vmem>>
      %dma_wait3A_183 = tpu.memref_squeeze %dma_wait3A_182 : memref<1x128xi32, #tpu.memory_space<vmem>> -> memref<128xi32, #tpu.memory_space<vmem>>
      %dma_wait3A_184 = arith.constant 0 : i32
      %dma_wait3A_185 = arith.constant 0 : i32
      %dma_wait3A_186 = tpu.memref_slice %arg2[%dma_wait3A_184, %dma_wait3A_185] : memref<20480x128xf32, #tpu.memory_space<hbm>> -> memref<20480x128xf32, #tpu.memory_space<hbm>>
      tpu.wait_indirect_dma semaphore(%arg13 : memref<!tpu.dma_semaphore, #tpu.memory_space<semaphore_mem>>) src(%dma_wait3A_186 : memref<20480x128xf32, #tpu.memory_space<hbm>>) dst(%arg10 : memref<128x128xf32, #tpu.memory_space<vmem>>)
      %add3A_187 = arith.constant 7 : i32
      %add3A_188 = arith.addi %mul3A_33, %add3A_187 : i32
      "tpu.region"() ({
        %run_scoped3A = tpu.sem_alloc : memref<!tpu.dma_semaphore, #tpu.memory_space<semaphore_mem>>
        %dma_start3A_196 = arith.constant 0 : i32
        %dma_start3A_197 = tpu.memref_slice %arg8[%add3A_188, %dma_start3A_196] : memref<16x128xi32, #tpu.memory_space<vmem>> -> memref<1x128xi32, #tpu.memory_space<vmem>>
        %dma_start3A_198 = tpu.memref_squeeze %dma_start3A_197 : memref<1x128xi32, #tpu.memory_space<vmem>> -> memref<128xi32, #tpu.memory_space<vmem>>
        %dma_start3A_199 = arith.constant 0 : i32
        %dma_start3A_200 = arith.constant 0 : i32
        %dma_start3A_201 = tpu.memref_slice %arg11[%dma_start3A_199, %dma_start3A_200] : memref<10240x128xf32, #tpu.memory_space<vmem_shared>> -> memref<10240x128xf32, #tpu.memory_space<vmem_shared>>
        tpu.enqueue_indirect_dma source(%arg10 : memref<128x128xf32, #tpu.memory_space<vmem>>) target(%dma_start3A_201 : memref<10240x128xf32, #tpu.memory_space<vmem_shared>>) offsets(%dma_start3A_198 : memref<128xi32, #tpu.memory_space<vmem>>) semaphore(%run_scoped3A : memref<!tpu.dma_semaphore, #tpu.memory_space<semaphore_mem>>) {add = true}
        %dma_wait3A_202 = arith.constant 0 : i32
        %dma_wait3A_203 = tpu.memref_slice %arg8[%add3A_188, %dma_wait3A_202] : memref<16x128xi32, #tpu.memory_space<vmem>> -> memref<1x128xi32, #tpu.memory_space<vmem>>
        %dma_wait3A_204 = tpu.memref_squeeze %dma_wait3A_203 : memref<1x128xi32, #tpu.memory_space<vmem>> -> memref<128xi32, #tpu.memory_space<vmem>>
        %dma_wait3A_205 = arith.constant 0 : i32
        %dma_wait3A_206 = arith.constant 0 : i32
        %dma_wait3A_207 = tpu.memref_slice %arg11[%dma_wait3A_205, %dma_wait3A_206] : memref<10240x128xf32, #tpu.memory_space<vmem_shared>> -> memref<10240x128xf32, #tpu.memory_space<vmem_shared>>
        tpu.wait_indirect_dma semaphore(%run_scoped3A : memref<!tpu.dma_semaphore, #tpu.memory_space<semaphore_mem>>) src(%arg10 : memref<128x128xf32, #tpu.memory_space<vmem>>) dst(%dma_wait3A_207 : memref<10240x128xf32, #tpu.memory_space<vmem_shared>>)
        tpu.yield
      }) : () -> ()
      %add3A_189 = arith.constant 2 : i32
      %add3A_190 = arith.addi %add3A_179, %add3A_189 : i32
      %lt3A_191 = arith.constant 80 : i32
      %lt3A_192 = arith.cmpi slt, %add3A_190, %lt3A_191 : i32
      %convert_element_type3A_193 = arith.extui %lt3A_192 : i1 to i32
      %cond3A_194 = arith.constant 0 : i32
      %cond3A_195 = arith.cmpi ne, %convert_element_type3A_193, %cond3A_194 : i32
      scf.if %cond3A_195 {
        %add3A_196 = arith.constant 2 : i32
        %add3A_197 = arith.addi %add3A_179, %add3A_196 : i32
        %rem3A_198 = arith.constant 16 : i32
        %rem3A_199 = arith.remsi %add3A_197, %rem3A_198 : i32
        %dma_start3A_200 = arith.constant 0 : i32
        %dma_start3A_201 = tpu.memref_slice %arg7[%rem3A_199, %dma_start3A_200] : memref<16x128xi32, #tpu.memory_space<vmem>> -> memref<1x128xi32, #tpu.memory_space<vmem>>
        %dma_start3A_202 = tpu.memref_squeeze %dma_start3A_201 : memref<1x128xi32, #tpu.memory_space<vmem>> -> memref<128xi32, #tpu.memory_space<vmem>>
        %dma_start3A_203 = arith.constant 0 : i32
        %dma_start3A_204 = arith.constant 0 : i32
        %dma_start3A_205 = tpu.memref_slice %arg2[%dma_start3A_203, %dma_start3A_204] : memref<20480x128xf32, #tpu.memory_space<hbm>> -> memref<20480x128xf32, #tpu.memory_space<hbm>>
        tpu.enqueue_indirect_dma source(%dma_start3A_205 : memref<20480x128xf32, #tpu.memory_space<hbm>>) target(%arg10 : memref<128x128xf32, #tpu.memory_space<vmem>>) offsets(%dma_start3A_202 : memref<128xi32, #tpu.memory_space<vmem>>) semaphore(%arg13 : memref<!tpu.dma_semaphore, #tpu.memory_space<semaphore_mem>>)
      } else {
      }
    }
    %scan3A_21 = arith.constant 10 : i32
    %barrier3A_22 = arith.constant 0 : index
    tpu.barrier barrier_id(%barrier3A_22)
    %mul3A_23 = arith.constant 10240 : i32
    %mul3A_24 = arith.muli %arg0, %mul3A_23 : i32
    %add3A_25 = arith.addi %mul3A_24, %mul3A_0 : i32
    "tpu.region"() ({
      %run_scoped3A = tpu.sem_alloc : memref<!tpu.dma_semaphore, #tpu.memory_space<semaphore_mem>>
      %dma_start3A_26 = arith.constant 0 : i32
      %dma_start3A_27 = tpu.memref_slice %arg6[%add3A_25, %dma_start3A_26] : memref<20480x128xf32, #tpu.memory_space<hbm>> -> memref<640x128xf32, #tpu.memory_space<hbm>>
      %dma_start3A_28 = arith.constant 0 : i32
      %dma_start3A_29 = tpu.memref_slice %arg11[%mul3A_0, %dma_start3A_28] : memref<10240x128xf32, #tpu.memory_space<vmem_shared>> -> memref<640x128xf32, #tpu.memory_space<vmem_shared>>
      tpu.enqueue_dma source(%dma_start3A_29 : memref<640x128xf32, #tpu.memory_space<vmem_shared>>) target(%dma_start3A_27 : memref<640x128xf32, #tpu.memory_space<hbm>>) target_semaphore(%run_scoped3A : memref<!tpu.dma_semaphore, #tpu.memory_space<semaphore_mem>>)
      %dma_wait3A = arith.constant 0 : i32
      %dma_wait3A_30 = tpu.memref_slice %arg6[%add3A_25, %dma_wait3A] : memref<20480x128xf32, #tpu.memory_space<hbm>> -> memref<640x128xf32, #tpu.memory_space<hbm>>
      %dma_wait3A_31 = arith.constant 0 : i32
      %dma_wait3A_32 = tpu.memref_slice %arg11[%mul3A_0, %dma_wait3A_31] : memref<10240x128xf32, #tpu.memory_space<vmem_shared>> -> memref<640x128xf32, #tpu.memory_space<vmem_shared>>
      tpu.wait_dma2 semaphore(%run_scoped3A : memref<!tpu.dma_semaphore, #tpu.memory_space<semaphore_mem>>) src(%dma_wait3A_32 : memref<640x128xf32, #tpu.memory_space<vmem_shared>>) dst(%dma_wait3A_30 : memref<640x128xf32, #tpu.memory_space<hbm>>)
      tpu.yield
    }) : () -> ()
    return
  }
}

#map = affine_map<(d0, d1) -> (0, 0)>
module attributes {stable_mosaic.version = 14 : i64} {
  func.func @_sc_propagate(%arg0: i32, %arg1: i32, %arg2: memref<20480x128xf32, #tpu.memory_space<hbm>>, %arg3: memref<2560x128xi32, #tpu.memory_space<hbm>>, %arg4: memref<1280x128xi32, #tpu.memory_space<hbm>>, %arg5: memref<10240x128xf32, #tpu.memory_space<hbm>>, %arg6: memref<20480x128xf32, #tpu.memory_space<hbm>>, %arg7: memref<16x128xi32, #tpu.memory_space<vmem>>, %arg8: memref<16x128xi32, #tpu.memory_space<vmem>>, %arg9: memref<128x128xf32, #tpu.memory_space<vmem>>, %arg10: memref<128x128xf32, #tpu.memory_space<vmem>>, %arg11: memref<10240x128xf32, #tpu.memory_space<vmem_shared>>, %arg12: memref<!tpu.dma_semaphore, #tpu.memory_space<semaphore_mem>>, %arg13: memref<!tpu.dma_semaphore, #tpu.memory_space<semaphore_mem>>) attributes {dimension_semantics = [#tpu.dimension_semantics<core_parallel>, #tpu.dimension_semantics<subcore_parallel>], iteration_bounds = array<i64: 2, 16>, scalar_prefetch = 0 : i64, scratch_operands = 7 : i64, tpu.core_type = #tpu.core_type<sc_vector_subcore>, window_params = [{transform_indices = #map}, {transform_indices = #map}, {transform_indices = #map}, {transform_indices = #map}, {transform_indices = #map}]} {
    %mul3A = arith.constant 640 : i32
    %mul3A_0 = arith.muli %arg1, %mul3A : i32
    %mul3A_1 = arith.constant 80 : i32
    %mul3A_2 = arith.muli %arg1, %mul3A_1 : i32
    %mul3A_3 = arith.constant 1280 : i32
    %mul3A_4 = arith.muli %arg0, %mul3A_3 : i32
    %add3A = arith.addi %mul3A_4, %mul3A_2 : i32
    "tpu.region"() ({
      %run_scoped3A = tpu.sem_alloc : memref<!tpu.dma_semaphore, #tpu.memory_space<semaphore_mem>>
      %dma_start3A_26 = arith.constant 0 : i32
      %dma_start3A_27 = tpu.memref_slice %arg3[%add3A, %dma_start3A_26] : memref<2560x128xi32, #tpu.memory_space<hbm>> -> memref<16x128xi32, #tpu.memory_space<hbm>>
      %dma_start3A_28 = arith.constant 0 : i32
      %dma_start3A_29 = tpu.memref_slice %arg3[%add3A, %dma_start3A_28] : memref<2560x128xi32, #tpu.memory_space<hbm>> -> memref<16x128xi32, #tpu.memory_space<hbm>>
      tpu.enqueue_dma source(%dma_start3A_29 : memref<16x128xi32, #tpu.memory_space<hbm>>) target(%arg7 : memref<16x128xi32, #tpu.memory_space<vmem>>) target_semaphore(%run_scoped3A : memref<!tpu.dma_semaphore, #tpu.memory_space<semaphore_mem>>)
      %dma_wait3A = arith.constant 0 : i32
      %dma_wait3A_30 = tpu.memref_slice %arg3[%add3A, %dma_wait3A] : memref<2560x128xi32, #tpu.memory_space<hbm>> -> memref<16x128xi32, #tpu.memory_space<hbm>>
      %dma_wait3A_31 = arith.constant 0 : i32
      %dma_wait3A_32 = tpu.memref_slice %arg3[%add3A, %dma_wait3A_31] : memref<2560x128xi32, #tpu.memory_space<hbm>> -> memref<16x128xi32, #tpu.memory_space<hbm>>
      tpu.wait_dma2 semaphore(%run_scoped3A : memref<!tpu.dma_semaphore, #tpu.memory_space<semaphore_mem>>) src(%dma_wait3A_32 : memref<16x128xi32, #tpu.memory_space<hbm>>) dst(%arg7 : memref<16x128xi32, #tpu.memory_space<vmem>>)
      tpu.yield
    }) : () -> ()
    "tpu.region"() ({
      %run_scoped3A = tpu.sem_alloc : memref<!tpu.dma_semaphore, #tpu.memory_space<semaphore_mem>>
      %dma_start3A_26 = arith.constant 0 : i32
      %dma_start3A_27 = tpu.memref_slice %arg4[%mul3A_2, %dma_start3A_26] : memref<1280x128xi32, #tpu.memory_space<hbm>> -> memref<16x128xi32, #tpu.memory_space<hbm>>
      %dma_start3A_28 = arith.constant 0 : i32
      %dma_start3A_29 = tpu.memref_slice %arg4[%mul3A_2, %dma_start3A_28] : memref<1280x128xi32, #tpu.memory_space<hbm>> -> memref<16x128xi32, #tpu.memory_space<hbm>>
      tpu.enqueue_dma source(%dma_start3A_29 : memref<16x128xi32, #tpu.memory_space<hbm>>) target(%arg8 : memref<16x128xi32, #tpu.memory_space<vmem>>) target_semaphore(%run_scoped3A : memref<!tpu.dma_semaphore, #tpu.memory_space<semaphore_mem>>)
      %dma_wait3A = arith.constant 0 : i32
      %dma_wait3A_30 = tpu.memref_slice %arg4[%mul3A_2, %dma_wait3A] : memref<1280x128xi32, #tpu.memory_space<hbm>> -> memref<16x128xi32, #tpu.memory_space<hbm>>
      %dma_wait3A_31 = arith.constant 0 : i32
      %dma_wait3A_32 = tpu.memref_slice %arg4[%mul3A_2, %dma_wait3A_31] : memref<1280x128xi32, #tpu.memory_space<hbm>> -> memref<16x128xi32, #tpu.memory_space<hbm>>
      tpu.wait_dma2 semaphore(%run_scoped3A : memref<!tpu.dma_semaphore, #tpu.memory_space<semaphore_mem>>) src(%dma_wait3A_32 : memref<16x128xi32, #tpu.memory_space<hbm>>) dst(%arg8 : memref<16x128xi32, #tpu.memory_space<vmem>>)
      tpu.yield
    }) : () -> ()
    "tpu.region"() ({
      %run_scoped3A = tpu.sem_alloc : memref<!tpu.dma_semaphore, #tpu.memory_space<semaphore_mem>>
      %dma_start3A_26 = arith.constant 0 : i32
      %dma_start3A_27 = tpu.memref_slice %arg11[%mul3A_0, %dma_start3A_26] : memref<10240x128xf32, #tpu.memory_space<vmem_shared>> -> memref<640x128xf32, #tpu.memory_space<vmem_shared>>
      %dma_start3A_28 = arith.constant 0 : i32
      %dma_start3A_29 = tpu.memref_slice %arg5[%mul3A_0, %dma_start3A_28] : memref<10240x128xf32, #tpu.memory_space<hbm>> -> memref<640x128xf32, #tpu.memory_space<hbm>>
      tpu.enqueue_dma source(%dma_start3A_29 : memref<640x128xf32, #tpu.memory_space<hbm>>) target(%dma_start3A_27 : memref<640x128xf32, #tpu.memory_space<vmem_shared>>) target_semaphore(%run_scoped3A : memref<!tpu.dma_semaphore, #tpu.memory_space<semaphore_mem>>)
      %dma_wait3A = arith.constant 0 : i32
      %dma_wait3A_30 = tpu.memref_slice %arg11[%mul3A_0, %dma_wait3A] : memref<10240x128xf32, #tpu.memory_space<vmem_shared>> -> memref<640x128xf32, #tpu.memory_space<vmem_shared>>
      %dma_wait3A_31 = arith.constant 0 : i32
      %dma_wait3A_32 = tpu.memref_slice %arg5[%mul3A_0, %dma_wait3A_31] : memref<10240x128xf32, #tpu.memory_space<hbm>> -> memref<640x128xf32, #tpu.memory_space<hbm>>
      tpu.wait_dma2 semaphore(%run_scoped3A : memref<!tpu.dma_semaphore, #tpu.memory_space<semaphore_mem>>) src(%dma_wait3A_32 : memref<640x128xf32, #tpu.memory_space<hbm>>) dst(%dma_wait3A_30 : memref<640x128xf32, #tpu.memory_space<vmem_shared>>)
      tpu.yield
    }) : () -> ()
    %barrier3A = arith.constant 0 : index
    tpu.barrier barrier_id(%barrier3A)
    %dma_start3A = arith.constant 0 : i32
    %dma_start3A_5 = arith.constant 0 : i32
    %dma_start3A_6 = tpu.memref_slice %arg7[%dma_start3A, %dma_start3A_5] : memref<16x128xi32, #tpu.memory_space<vmem>> -> memref<1x128xi32, #tpu.memory_space<vmem>>
    %dma_start3A_7 = tpu.memref_squeeze %dma_start3A_6 : memref<1x128xi32, #tpu.memory_space<vmem>> -> memref<128xi32, #tpu.memory_space<vmem>>
    %dma_start3A_8 = arith.constant 0 : i32
    %dma_start3A_9 = arith.constant 0 : i32
    %dma_start3A_10 = tpu.memref_slice %arg2[%dma_start3A_8, %dma_start3A_9] : memref<20480x128xf32, #tpu.memory_space<hbm>> -> memref<20480x128xf32, #tpu.memory_space<hbm>>
    tpu.enqueue_indirect_dma source(%dma_start3A_10 : memref<20480x128xf32, #tpu.memory_space<hbm>>) target(%arg9 : memref<128x128xf32, #tpu.memory_space<vmem>>) offsets(%dma_start3A_7 : memref<128xi32, #tpu.memory_space<vmem>>) semaphore(%arg12 : memref<!tpu.dma_semaphore, #tpu.memory_space<semaphore_mem>>)
    %dma_start3A_11 = arith.constant 1 : i32
    %dma_start3A_12 = arith.constant 0 : i32
    %dma_start3A_13 = tpu.memref_slice %arg7[%dma_start3A_11, %dma_start3A_12] : memref<16x128xi32, #tpu.memory_space<vmem>> -> memref<1x128xi32, #tpu.memory_space<vmem>>
    %dma_start3A_14 = tpu.memref_squeeze %dma_start3A_13 : memref<1x128xi32, #tpu.memory_space<vmem>> -> memref<128xi32, #tpu.memory_space<vmem>>
    %dma_start3A_15 = arith.constant 0 : i32
    %dma_start3A_16 = arith.constant 0 : i32
    %dma_start3A_17 = tpu.memref_slice %arg2[%dma_start3A_15, %dma_start3A_16] : memref<20480x128xf32, #tpu.memory_space<hbm>> -> memref<20480x128xf32, #tpu.memory_space<hbm>>
    tpu.enqueue_indirect_dma source(%dma_start3A_17 : memref<20480x128xf32, #tpu.memory_space<hbm>>) target(%arg10 : memref<128x128xf32, #tpu.memory_space<vmem>>) offsets(%dma_start3A_14 : memref<128xi32, #tpu.memory_space<vmem>>) semaphore(%arg13 : memref<!tpu.dma_semaphore, #tpu.memory_space<semaphore_mem>>)
    %scan3A = arith.constant 0 : i32
    %scan3A_18 = arith.constant 10 : i32
    %scan3A_19 = arith.addi %scan3A, %scan3A_18 : i32
    %scan3A_20 = arith.constant 1 : i32
    scf.for %scan3A_26 = %scan3A to %scan3A_19 step %scan3A_20  : i32 {
      %mul3A_27 = arith.constant 1 : i32
      %mul3A_28 = arith.muli %scan3A_26, %mul3A_27 : i32
      %add3A_29 = arith.constant 0 : i32
      %add3A_30 = arith.addi %add3A_29, %mul3A_28 : i32
      %rem3A = arith.constant 2 : i32
      %rem3A_31 = arith.remsi %add3A_30, %rem3A : i32
      %mul3A_32 = arith.constant 8 : i32
      %mul3A_33 = arith.muli %rem3A_31, %mul3A_32 : i32
      %ge3A = arith.constant 1 : i32
      %ge3A_34 = arith.cmpi sge, %add3A_30, %ge3A : i32
      %lt3A = arith.constant 9 : i32
      %lt3A_35 = arith.cmpi slt, %add3A_30, %lt3A : i32
      %and3A = arith.andi %ge3A_34, %lt3A_35 : i1
      %convert_element_type3A = arith.extui %and3A : i1 to i32
      %cond3A = arith.constant 0 : i32
      %cond3A_36 = arith.cmpi ne, %convert_element_type3A, %cond3A : i32
      scf.if %cond3A_36 {
        %sub3A = arith.constant 8 : i32
        %sub3A_196 = arith.subi %sub3A, %mul3A_33 : i32
        %mul3A_197 = arith.constant 1280 : i32
        %mul3A_198 = arith.muli %arg0, %mul3A_197 : i32
        %add3A_199 = arith.addi %mul3A_198, %mul3A_2 : i32
        %add3A_200 = arith.constant 1 : i32
        %add3A_201 = arith.addi %add3A_30, %add3A_200 : i32
        %mul3A_202 = arith.constant 8 : i32
        %mul3A_203 = arith.muli %add3A_201, %mul3A_202 : i32
        %add3A_204 = arith.addi %add3A_199, %mul3A_203 : i32
        "tpu.region"() ({
          %run_scoped3A = tpu.sem_alloc : memref<!tpu.dma_semaphore, #tpu.memory_space<semaphore_mem>>
          %dma_start3A_210 = arith.constant 0 : i32
          %dma_start3A_211 = tpu.memref_slice %arg7[%sub3A_196, %dma_start3A_210] : memref<16x128xi32, #tpu.memory_space<vmem>> -> memref<8x128xi32, #tpu.memory_space<vmem>>
          %dma_start3A_212 = arith.constant 0 : i32
          %dma_start3A_213 = tpu.memref_slice %arg3[%add3A_204, %dma_start3A_212] : memref<2560x128xi32, #tpu.memory_space<hbm>> -> memref<8x128xi32, #tpu.memory_space<hbm>>
          %dma_start3A_214 = arith.constant 0 : i32
          %dma_start3A_215 = tpu.memref_slice %arg7[%sub3A_196, %dma_start3A_214] : memref<16x128xi32, #tpu.memory_space<vmem>> -> memref<8x128xi32, #tpu.memory_space<vmem>>
          %dma_start3A_216 = arith.constant 0 : i32
          %dma_start3A_217 = tpu.memref_slice %arg3[%add3A_204, %dma_start3A_216] : memref<2560x128xi32, #tpu.memory_space<hbm>> -> memref<8x128xi32, #tpu.memory_space<hbm>>
          tpu.enqueue_dma source(%dma_start3A_217 : memref<8x128xi32, #tpu.memory_space<hbm>>) target(%dma_start3A_215 : memref<8x128xi32, #tpu.memory_space<vmem>>) target_semaphore(%run_scoped3A : memref<!tpu.dma_semaphore, #tpu.memory_space<semaphore_mem>>)
          %dma_wait3A_218 = arith.constant 0 : i32
          %dma_wait3A_219 = tpu.memref_slice %arg7[%sub3A_196, %dma_wait3A_218] : memref<16x128xi32, #tpu.memory_space<vmem>> -> memref<8x128xi32, #tpu.memory_space<vmem>>
          %dma_wait3A_220 = arith.constant 0 : i32
          %dma_wait3A_221 = tpu.memref_slice %arg3[%add3A_204, %dma_wait3A_220] : memref<2560x128xi32, #tpu.memory_space<hbm>> -> memref<8x128xi32, #tpu.memory_space<hbm>>
          %dma_wait3A_222 = arith.constant 0 : i32
          %dma_wait3A_223 = tpu.memref_slice %arg7[%sub3A_196, %dma_wait3A_222] : memref<16x128xi32, #tpu.memory_space<vmem>> -> memref<8x128xi32, #tpu.memory_space<vmem>>
          %dma_wait3A_224 = arith.constant 0 : i32
          %dma_wait3A_225 = tpu.memref_slice %arg3[%add3A_204, %dma_wait3A_224] : memref<2560x128xi32, #tpu.memory_space<hbm>> -> memref<8x128xi32, #tpu.memory_space<hbm>>
          tpu.wait_dma2 semaphore(%run_scoped3A : memref<!tpu.dma_semaphore, #tpu.memory_space<semaphore_mem>>) src(%dma_wait3A_225 : memref<8x128xi32, #tpu.memory_space<hbm>>) dst(%dma_wait3A_223 : memref<8x128xi32, #tpu.memory_space<vmem>>)
          tpu.yield
        }) : () -> ()
        %add3A_205 = arith.constant 1 : i32
        %add3A_206 = arith.addi %add3A_30, %add3A_205 : i32
        %mul3A_207 = arith.constant 8 : i32
        %mul3A_208 = arith.muli %add3A_206, %mul3A_207 : i32
        %add3A_209 = arith.addi %mul3A_2, %mul3A_208 : i32
        "tpu.region"() ({
          %run_scoped3A = tpu.sem_alloc : memref<!tpu.dma_semaphore, #tpu.memory_space<semaphore_mem>>
          %dma_start3A_210 = arith.constant 0 : i32
          %dma_start3A_211 = tpu.memref_slice %arg8[%sub3A_196, %dma_start3A_210] : memref<16x128xi32, #tpu.memory_space<vmem>> -> memref<8x128xi32, #tpu.memory_space<vmem>>
          %dma_start3A_212 = arith.constant 0 : i32
          %dma_start3A_213 = tpu.memref_slice %arg4[%add3A_209, %dma_start3A_212] : memref<1280x128xi32, #tpu.memory_space<hbm>> -> memref<8x128xi32, #tpu.memory_space<hbm>>
          %dma_start3A_214 = arith.constant 0 : i32
          %dma_start3A_215 = tpu.memref_slice %arg8[%sub3A_196, %dma_start3A_214] : memref<16x128xi32, #tpu.memory_space<vmem>> -> memref<8x128xi32, #tpu.memory_space<vmem>>
          %dma_start3A_216 = arith.constant 0 : i32
          %dma_start3A_217 = tpu.memref_slice %arg4[%add3A_209, %dma_start3A_216] : memref<1280x128xi32, #tpu.memory_space<hbm>> -> memref<8x128xi32, #tpu.memory_space<hbm>>
          tpu.enqueue_dma source(%dma_start3A_217 : memref<8x128xi32, #tpu.memory_space<hbm>>) target(%dma_start3A_215 : memref<8x128xi32, #tpu.memory_space<vmem>>) target_semaphore(%run_scoped3A : memref<!tpu.dma_semaphore, #tpu.memory_space<semaphore_mem>>)
          %dma_wait3A_218 = arith.constant 0 : i32
          %dma_wait3A_219 = tpu.memref_slice %arg8[%sub3A_196, %dma_wait3A_218] : memref<16x128xi32, #tpu.memory_space<vmem>> -> memref<8x128xi32, #tpu.memory_space<vmem>>
          %dma_wait3A_220 = arith.constant 0 : i32
          %dma_wait3A_221 = tpu.memref_slice %arg4[%add3A_209, %dma_wait3A_220] : memref<1280x128xi32, #tpu.memory_space<hbm>> -> memref<8x128xi32, #tpu.memory_space<hbm>>
          %dma_wait3A_222 = arith.constant 0 : i32
          %dma_wait3A_223 = tpu.memref_slice %arg8[%sub3A_196, %dma_wait3A_222] : memref<16x128xi32, #tpu.memory_space<vmem>> -> memref<8x128xi32, #tpu.memory_space<vmem>>
          %dma_wait3A_224 = arith.constant 0 : i32
          %dma_wait3A_225 = tpu.memref_slice %arg4[%add3A_209, %dma_wait3A_224] : memref<1280x128xi32, #tpu.memory_space<hbm>> -> memref<8x128xi32, #tpu.memory_space<hbm>>
          tpu.wait_dma2 semaphore(%run_scoped3A : memref<!tpu.dma_semaphore, #tpu.memory_space<semaphore_mem>>) src(%dma_wait3A_225 : memref<8x128xi32, #tpu.memory_space<hbm>>) dst(%dma_wait3A_223 : memref<8x128xi32, #tpu.memory_space<vmem>>)
          tpu.yield
        }) : () -> ()
      } else {
      }
      %mul3A_37 = arith.constant 8 : i32
      %mul3A_38 = arith.muli %add3A_30, %mul3A_37 : i32
      %add3A_39 = arith.constant 0 : i32
      %add3A_40 = arith.addi %mul3A_38, %add3A_39 : i32
      %dma_wait3A = arith.constant 0 : i32
      %dma_wait3A_41 = arith.constant 0 : i32
      %dma_wait3A_42 = tpu.memref_slice %arg7[%dma_wait3A, %dma_wait3A_41] : memref<16x128xi32, #tpu.memory_space<vmem>> -> memref<1x128xi32, #tpu.memory_space<vmem>>
      %dma_wait3A_43 = tpu.memref_squeeze %dma_wait3A_42 : memref<1x128xi32, #tpu.memory_space<vmem>> -> memref<128xi32, #tpu.memory_space<vmem>>
      %dma_wait3A_44 = arith.constant 0 : i32
      %dma_wait3A_45 = arith.constant 0 : i32
      %dma_wait3A_46 = tpu.memref_slice %arg2[%dma_wait3A_44, %dma_wait3A_45] : memref<20480x128xf32, #tpu.memory_space<hbm>> -> memref<20480x128xf32, #tpu.memory_space<hbm>>
      tpu.wait_indirect_dma semaphore(%arg12 : memref<!tpu.dma_semaphore, #tpu.memory_space<semaphore_mem>>) src(%dma_wait3A_46 : memref<20480x128xf32, #tpu.memory_space<hbm>>) dst(%arg9 : memref<128x128xf32, #tpu.memory_space<vmem>>)
      %add3A_47 = arith.constant 0 : i32
      %add3A_48 = arith.addi %mul3A_33, %add3A_47 : i32
      "tpu.region"() ({
        %run_scoped3A = tpu.sem_alloc : memref<!tpu.dma_semaphore, #tpu.memory_space<semaphore_mem>>
        %dma_start3A_196 = arith.constant 0 : i32
        %dma_start3A_197 = tpu.memref_slice %arg8[%add3A_48, %dma_start3A_196] : memref<16x128xi32, #tpu.memory_space<vmem>> -> memref<1x128xi32, #tpu.memory_space<vmem>>
        %dma_start3A_198 = tpu.memref_squeeze %dma_start3A_197 : memref<1x128xi32, #tpu.memory_space<vmem>> -> memref<128xi32, #tpu.memory_space<vmem>>
        %dma_start3A_199 = arith.constant 0 : i32
        %dma_start3A_200 = arith.constant 0 : i32
        %dma_start3A_201 = tpu.memref_slice %arg11[%dma_start3A_199, %dma_start3A_200] : memref<10240x128xf32, #tpu.memory_space<vmem_shared>> -> memref<10240x128xf32, #tpu.memory_space<vmem_shared>>
        tpu.enqueue_indirect_dma source(%arg9 : memref<128x128xf32, #tpu.memory_space<vmem>>) target(%dma_start3A_201 : memref<10240x128xf32, #tpu.memory_space<vmem_shared>>) offsets(%dma_start3A_198 : memref<128xi32, #tpu.memory_space<vmem>>) semaphore(%run_scoped3A : memref<!tpu.dma_semaphore, #tpu.memory_space<semaphore_mem>>) {add = true}
        %dma_wait3A_202 = arith.constant 0 : i32
        %dma_wait3A_203 = tpu.memref_slice %arg8[%add3A_48, %dma_wait3A_202] : memref<16x128xi32, #tpu.memory_space<vmem>> -> memref<1x128xi32, #tpu.memory_space<vmem>>
        %dma_wait3A_204 = tpu.memref_squeeze %dma_wait3A_203 : memref<1x128xi32, #tpu.memory_space<vmem>> -> memref<128xi32, #tpu.memory_space<vmem>>
        %dma_wait3A_205 = arith.constant 0 : i32
        %dma_wait3A_206 = arith.constant 0 : i32
        %dma_wait3A_207 = tpu.memref_slice %arg11[%dma_wait3A_205, %dma_wait3A_206] : memref<10240x128xf32, #tpu.memory_space<vmem_shared>> -> memref<10240x128xf32, #tpu.memory_space<vmem_shared>>
        tpu.wait_indirect_dma semaphore(%run_scoped3A : memref<!tpu.dma_semaphore, #tpu.memory_space<semaphore_mem>>) src(%arg9 : memref<128x128xf32, #tpu.memory_space<vmem>>) dst(%dma_wait3A_207 : memref<10240x128xf32, #tpu.memory_space<vmem_shared>>)
        tpu.yield
      }) : () -> ()
      %add3A_49 = arith.constant 2 : i32
      %add3A_50 = arith.addi %add3A_40, %add3A_49 : i32
      %lt3A_51 = arith.constant 80 : i32
      %lt3A_52 = arith.cmpi slt, %add3A_50, %lt3A_51 : i32
      %convert_element_type3A_53 = arith.extui %lt3A_52 : i1 to i32
      %cond3A_54 = arith.constant 0 : i32
      %cond3A_55 = arith.cmpi ne, %convert_element_type3A_53, %cond3A_54 : i32
      scf.if %cond3A_55 {
        %add3A_196 = arith.constant 2 : i32
        %add3A_197 = arith.addi %add3A_40, %add3A_196 : i32
        %rem3A_198 = arith.constant 16 : i32
        %rem3A_199 = arith.remsi %add3A_197, %rem3A_198 : i32
        %dma_start3A_200 = arith.constant 0 : i32
        %dma_start3A_201 = tpu.memref_slice %arg7[%rem3A_199, %dma_start3A_200] : memref<16x128xi32, #tpu.memory_space<vmem>> -> memref<1x128xi32, #tpu.memory_space<vmem>>
        %dma_start3A_202 = tpu.memref_squeeze %dma_start3A_201 : memref<1x128xi32, #tpu.memory_space<vmem>> -> memref<128xi32, #tpu.memory_space<vmem>>
        %dma_start3A_203 = arith.constant 0 : i32
        %dma_start3A_204 = arith.constant 0 : i32
        %dma_start3A_205 = tpu.memref_slice %arg2[%dma_start3A_203, %dma_start3A_204] : memref<20480x128xf32, #tpu.memory_space<hbm>> -> memref<20480x128xf32, #tpu.memory_space<hbm>>
        tpu.enqueue_indirect_dma source(%dma_start3A_205 : memref<20480x128xf32, #tpu.memory_space<hbm>>) target(%arg9 : memref<128x128xf32, #tpu.memory_space<vmem>>) offsets(%dma_start3A_202 : memref<128xi32, #tpu.memory_space<vmem>>) semaphore(%arg12 : memref<!tpu.dma_semaphore, #tpu.memory_space<semaphore_mem>>)
      } else {
      }
      %mul3A_56 = arith.constant 8 : i32
      %mul3A_57 = arith.muli %add3A_30, %mul3A_56 : i32
      %add3A_58 = arith.constant 1 : i32
      %add3A_59 = arith.addi %mul3A_57, %add3A_58 : i32
      %dma_wait3A_60 = arith.constant 0 : i32
      %dma_wait3A_61 = arith.constant 0 : i32
      %dma_wait3A_62 = tpu.memref_slice %arg7[%dma_wait3A_60, %dma_wait3A_61] : memref<16x128xi32, #tpu.memory_space<vmem>> -> memref<1x128xi32, #tpu.memory_space<vmem>>
      %dma_wait3A_63 = tpu.memref_squeeze %dma_wait3A_62 : memref<1x128xi32, #tpu.memory_space<vmem>> -> memref<128xi32, #tpu.memory_space<vmem>>
      %dma_wait3A_64 = arith.constant 0 : i32
      %dma_wait3A_65 = arith.constant 0 : i32
      %dma_wait3A_66 = tpu.memref_slice %arg2[%dma_wait3A_64, %dma_wait3A_65] : memref<20480x128xf32, #tpu.memory_space<hbm>> -> memref<20480x128xf32, #tpu.memory_space<hbm>>
      tpu.wait_indirect_dma semaphore(%arg13 : memref<!tpu.dma_semaphore, #tpu.memory_space<semaphore_mem>>) src(%dma_wait3A_66 : memref<20480x128xf32, #tpu.memory_space<hbm>>) dst(%arg10 : memref<128x128xf32, #tpu.memory_space<vmem>>)
      %add3A_67 = arith.constant 1 : i32
      %add3A_68 = arith.addi %mul3A_33, %add3A_67 : i32
      "tpu.region"() ({
        %run_scoped3A = tpu.sem_alloc : memref<!tpu.dma_semaphore, #tpu.memory_space<semaphore_mem>>
        %dma_start3A_196 = arith.constant 0 : i32
        %dma_start3A_197 = tpu.memref_slice %arg8[%add3A_68, %dma_start3A_196] : memref<16x128xi32, #tpu.memory_space<vmem>> -> memref<1x128xi32, #tpu.memory_space<vmem>>
        %dma_start3A_198 = tpu.memref_squeeze %dma_start3A_197 : memref<1x128xi32, #tpu.memory_space<vmem>> -> memref<128xi32, #tpu.memory_space<vmem>>
        %dma_start3A_199 = arith.constant 0 : i32
        %dma_start3A_200 = arith.constant 0 : i32
        %dma_start3A_201 = tpu.memref_slice %arg11[%dma_start3A_199, %dma_start3A_200] : memref<10240x128xf32, #tpu.memory_space<vmem_shared>> -> memref<10240x128xf32, #tpu.memory_space<vmem_shared>>
        tpu.enqueue_indirect_dma source(%arg10 : memref<128x128xf32, #tpu.memory_space<vmem>>) target(%dma_start3A_201 : memref<10240x128xf32, #tpu.memory_space<vmem_shared>>) offsets(%dma_start3A_198 : memref<128xi32, #tpu.memory_space<vmem>>) semaphore(%run_scoped3A : memref<!tpu.dma_semaphore, #tpu.memory_space<semaphore_mem>>) {add = true}
        %dma_wait3A_202 = arith.constant 0 : i32
        %dma_wait3A_203 = tpu.memref_slice %arg8[%add3A_68, %dma_wait3A_202] : memref<16x128xi32, #tpu.memory_space<vmem>> -> memref<1x128xi32, #tpu.memory_space<vmem>>
        %dma_wait3A_204 = tpu.memref_squeeze %dma_wait3A_203 : memref<1x128xi32, #tpu.memory_space<vmem>> -> memref<128xi32, #tpu.memory_space<vmem>>
        %dma_wait3A_205 = arith.constant 0 : i32
        %dma_wait3A_206 = arith.constant 0 : i32
        %dma_wait3A_207 = tpu.memref_slice %arg11[%dma_wait3A_205, %dma_wait3A_206] : memref<10240x128xf32, #tpu.memory_space<vmem_shared>> -> memref<10240x128xf32, #tpu.memory_space<vmem_shared>>
        tpu.wait_indirect_dma semaphore(%run_scoped3A : memref<!tpu.dma_semaphore, #tpu.memory_space<semaphore_mem>>) src(%arg10 : memref<128x128xf32, #tpu.memory_space<vmem>>) dst(%dma_wait3A_207 : memref<10240x128xf32, #tpu.memory_space<vmem_shared>>)
        tpu.yield
      }) : () -> ()
      %add3A_69 = arith.constant 2 : i32
      %add3A_70 = arith.addi %add3A_59, %add3A_69 : i32
      %lt3A_71 = arith.constant 80 : i32
      %lt3A_72 = arith.cmpi slt, %add3A_70, %lt3A_71 : i32
      %convert_element_type3A_73 = arith.extui %lt3A_72 : i1 to i32
      %cond3A_74 = arith.constant 0 : i32
      %cond3A_75 = arith.cmpi ne, %convert_element_type3A_73, %cond3A_74 : i32
      scf.if %cond3A_75 {
        %add3A_196 = arith.constant 2 : i32
        %add3A_197 = arith.addi %add3A_59, %add3A_196 : i32
        %rem3A_198 = arith.constant 16 : i32
        %rem3A_199 = arith.remsi %add3A_197, %rem3A_198 : i32
        %dma_start3A_200 = arith.constant 0 : i32
        %dma_start3A_201 = tpu.memref_slice %arg7[%rem3A_199, %dma_start3A_200] : memref<16x128xi32, #tpu.memory_space<vmem>> -> memref<1x128xi32, #tpu.memory_space<vmem>>
        %dma_start3A_202 = tpu.memref_squeeze %dma_start3A_201 : memref<1x128xi32, #tpu.memory_space<vmem>> -> memref<128xi32, #tpu.memory_space<vmem>>
        %dma_start3A_203 = arith.constant 0 : i32
        %dma_start3A_204 = arith.constant 0 : i32
        %dma_start3A_205 = tpu.memref_slice %arg2[%dma_start3A_203, %dma_start3A_204] : memref<20480x128xf32, #tpu.memory_space<hbm>> -> memref<20480x128xf32, #tpu.memory_space<hbm>>
        tpu.enqueue_indirect_dma source(%dma_start3A_205 : memref<20480x128xf32, #tpu.memory_space<hbm>>) target(%arg10 : memref<128x128xf32, #tpu.memory_space<vmem>>) offsets(%dma_start3A_202 : memref<128xi32, #tpu.memory_space<vmem>>) semaphore(%arg13 : memref<!tpu.dma_semaphore, #tpu.memory_space<semaphore_mem>>)
      } else {
      }
      %mul3A_76 = arith.constant 8 : i32
      %mul3A_77 = arith.muli %add3A_30, %mul3A_76 : i32
      %add3A_78 = arith.constant 2 : i32
      %add3A_79 = arith.addi %mul3A_77, %add3A_78 : i32
      %dma_wait3A_80 = arith.constant 0 : i32
      %dma_wait3A_81 = arith.constant 0 : i32
      %dma_wait3A_82 = tpu.memref_slice %arg7[%dma_wait3A_80, %dma_wait3A_81] : memref<16x128xi32, #tpu.memory_space<vmem>> -> memref<1x128xi32, #tpu.memory_space<vmem>>
      %dma_wait3A_83 = tpu.memref_squeeze %dma_wait3A_82 : memref<1x128xi32, #tpu.memory_space<vmem>> -> memref<128xi32, #tpu.memory_space<vmem>>
      %dma_wait3A_84 = arith.constant 0 : i32
      %dma_wait3A_85 = arith.constant 0 : i32
      %dma_wait3A_86 = tpu.memref_slice %arg2[%dma_wait3A_84, %dma_wait3A_85] : memref<20480x128xf32, #tpu.memory_space<hbm>> -> memref<20480x128xf32, #tpu.memory_space<hbm>>
      tpu.wait_indirect_dma semaphore(%arg12 : memref<!tpu.dma_semaphore, #tpu.memory_space<semaphore_mem>>) src(%dma_wait3A_86 : memref<20480x128xf32, #tpu.memory_space<hbm>>) dst(%arg9 : memref<128x128xf32, #tpu.memory_space<vmem>>)
      %add3A_87 = arith.constant 2 : i32
      %add3A_88 = arith.addi %mul3A_33, %add3A_87 : i32
      "tpu.region"() ({
        %run_scoped3A = tpu.sem_alloc : memref<!tpu.dma_semaphore, #tpu.memory_space<semaphore_mem>>
        %dma_start3A_196 = arith.constant 0 : i32
        %dma_start3A_197 = tpu.memref_slice %arg8[%add3A_88, %dma_start3A_196] : memref<16x128xi32, #tpu.memory_space<vmem>> -> memref<1x128xi32, #tpu.memory_space<vmem>>
        %dma_start3A_198 = tpu.memref_squeeze %dma_start3A_197 : memref<1x128xi32, #tpu.memory_space<vmem>> -> memref<128xi32, #tpu.memory_space<vmem>>
        %dma_start3A_199 = arith.constant 0 : i32
        %dma_start3A_200 = arith.constant 0 : i32
        %dma_start3A_201 = tpu.memref_slice %arg11[%dma_start3A_199, %dma_start3A_200] : memref<10240x128xf32, #tpu.memory_space<vmem_shared>> -> memref<10240x128xf32, #tpu.memory_space<vmem_shared>>
        tpu.enqueue_indirect_dma source(%arg9 : memref<128x128xf32, #tpu.memory_space<vmem>>) target(%dma_start3A_201 : memref<10240x128xf32, #tpu.memory_space<vmem_shared>>) offsets(%dma_start3A_198 : memref<128xi32, #tpu.memory_space<vmem>>) semaphore(%run_scoped3A : memref<!tpu.dma_semaphore, #tpu.memory_space<semaphore_mem>>) {add = true}
        %dma_wait3A_202 = arith.constant 0 : i32
        %dma_wait3A_203 = tpu.memref_slice %arg8[%add3A_88, %dma_wait3A_202] : memref<16x128xi32, #tpu.memory_space<vmem>> -> memref<1x128xi32, #tpu.memory_space<vmem>>
        %dma_wait3A_204 = tpu.memref_squeeze %dma_wait3A_203 : memref<1x128xi32, #tpu.memory_space<vmem>> -> memref<128xi32, #tpu.memory_space<vmem>>
        %dma_wait3A_205 = arith.constant 0 : i32
        %dma_wait3A_206 = arith.constant 0 : i32
        %dma_wait3A_207 = tpu.memref_slice %arg11[%dma_wait3A_205, %dma_wait3A_206] : memref<10240x128xf32, #tpu.memory_space<vmem_shared>> -> memref<10240x128xf32, #tpu.memory_space<vmem_shared>>
        tpu.wait_indirect_dma semaphore(%run_scoped3A : memref<!tpu.dma_semaphore, #tpu.memory_space<semaphore_mem>>) src(%arg9 : memref<128x128xf32, #tpu.memory_space<vmem>>) dst(%dma_wait3A_207 : memref<10240x128xf32, #tpu.memory_space<vmem_shared>>)
        tpu.yield
      }) : () -> ()
      %add3A_89 = arith.constant 2 : i32
      %add3A_90 = arith.addi %add3A_79, %add3A_89 : i32
      %lt3A_91 = arith.constant 80 : i32
      %lt3A_92 = arith.cmpi slt, %add3A_90, %lt3A_91 : i32
      %convert_element_type3A_93 = arith.extui %lt3A_92 : i1 to i32
      %cond3A_94 = arith.constant 0 : i32
      %cond3A_95 = arith.cmpi ne, %convert_element_type3A_93, %cond3A_94 : i32
      scf.if %cond3A_95 {
        %add3A_196 = arith.constant 2 : i32
        %add3A_197 = arith.addi %add3A_79, %add3A_196 : i32
        %rem3A_198 = arith.constant 16 : i32
        %rem3A_199 = arith.remsi %add3A_197, %rem3A_198 : i32
        %dma_start3A_200 = arith.constant 0 : i32
        %dma_start3A_201 = tpu.memref_slice %arg7[%rem3A_199, %dma_start3A_200] : memref<16x128xi32, #tpu.memory_space<vmem>> -> memref<1x128xi32, #tpu.memory_space<vmem>>
        %dma_start3A_202 = tpu.memref_squeeze %dma_start3A_201 : memref<1x128xi32, #tpu.memory_space<vmem>> -> memref<128xi32, #tpu.memory_space<vmem>>
        %dma_start3A_203 = arith.constant 0 : i32
        %dma_start3A_204 = arith.constant 0 : i32
        %dma_start3A_205 = tpu.memref_slice %arg2[%dma_start3A_203, %dma_start3A_204] : memref<20480x128xf32, #tpu.memory_space<hbm>> -> memref<20480x128xf32, #tpu.memory_space<hbm>>
        tpu.enqueue_indirect_dma source(%dma_start3A_205 : memref<20480x128xf32, #tpu.memory_space<hbm>>) target(%arg9 : memref<128x128xf32, #tpu.memory_space<vmem>>) offsets(%dma_start3A_202 : memref<128xi32, #tpu.memory_space<vmem>>) semaphore(%arg12 : memref<!tpu.dma_semaphore, #tpu.memory_space<semaphore_mem>>)
      } else {
      }
      %mul3A_96 = arith.constant 8 : i32
      %mul3A_97 = arith.muli %add3A_30, %mul3A_96 : i32
      %add3A_98 = arith.constant 3 : i32
      %add3A_99 = arith.addi %mul3A_97, %add3A_98 : i32
      %dma_wait3A_100 = arith.constant 0 : i32
      %dma_wait3A_101 = arith.constant 0 : i32
      %dma_wait3A_102 = tpu.memref_slice %arg7[%dma_wait3A_100, %dma_wait3A_101] : memref<16x128xi32, #tpu.memory_space<vmem>> -> memref<1x128xi32, #tpu.memory_space<vmem>>
      %dma_wait3A_103 = tpu.memref_squeeze %dma_wait3A_102 : memref<1x128xi32, #tpu.memory_space<vmem>> -> memref<128xi32, #tpu.memory_space<vmem>>
      %dma_wait3A_104 = arith.constant 0 : i32
      %dma_wait3A_105 = arith.constant 0 : i32
      %dma_wait3A_106 = tpu.memref_slice %arg2[%dma_wait3A_104, %dma_wait3A_105] : memref<20480x128xf32, #tpu.memory_space<hbm>> -> memref<20480x128xf32, #tpu.memory_space<hbm>>
      tpu.wait_indirect_dma semaphore(%arg13 : memref<!tpu.dma_semaphore, #tpu.memory_space<semaphore_mem>>) src(%dma_wait3A_106 : memref<20480x128xf32, #tpu.memory_space<hbm>>) dst(%arg10 : memref<128x128xf32, #tpu.memory_space<vmem>>)
      %add3A_107 = arith.constant 3 : i32
      %add3A_108 = arith.addi %mul3A_33, %add3A_107 : i32
      "tpu.region"() ({
        %run_scoped3A = tpu.sem_alloc : memref<!tpu.dma_semaphore, #tpu.memory_space<semaphore_mem>>
        %dma_start3A_196 = arith.constant 0 : i32
        %dma_start3A_197 = tpu.memref_slice %arg8[%add3A_108, %dma_start3A_196] : memref<16x128xi32, #tpu.memory_space<vmem>> -> memref<1x128xi32, #tpu.memory_space<vmem>>
        %dma_start3A_198 = tpu.memref_squeeze %dma_start3A_197 : memref<1x128xi32, #tpu.memory_space<vmem>> -> memref<128xi32, #tpu.memory_space<vmem>>
        %dma_start3A_199 = arith.constant 0 : i32
        %dma_start3A_200 = arith.constant 0 : i32
        %dma_start3A_201 = tpu.memref_slice %arg11[%dma_start3A_199, %dma_start3A_200] : memref<10240x128xf32, #tpu.memory_space<vmem_shared>> -> memref<10240x128xf32, #tpu.memory_space<vmem_shared>>
        tpu.enqueue_indirect_dma source(%arg10 : memref<128x128xf32, #tpu.memory_space<vmem>>) target(%dma_start3A_201 : memref<10240x128xf32, #tpu.memory_space<vmem_shared>>) offsets(%dma_start3A_198 : memref<128xi32, #tpu.memory_space<vmem>>) semaphore(%run_scoped3A : memref<!tpu.dma_semaphore, #tpu.memory_space<semaphore_mem>>) {add = true}
        %dma_wait3A_202 = arith.constant 0 : i32
        %dma_wait3A_203 = tpu.memref_slice %arg8[%add3A_108, %dma_wait3A_202] : memref<16x128xi32, #tpu.memory_space<vmem>> -> memref<1x128xi32, #tpu.memory_space<vmem>>
        %dma_wait3A_204 = tpu.memref_squeeze %dma_wait3A_203 : memref<1x128xi32, #tpu.memory_space<vmem>> -> memref<128xi32, #tpu.memory_space<vmem>>
        %dma_wait3A_205 = arith.constant 0 : i32
        %dma_wait3A_206 = arith.constant 0 : i32
        %dma_wait3A_207 = tpu.memref_slice %arg11[%dma_wait3A_205, %dma_wait3A_206] : memref<10240x128xf32, #tpu.memory_space<vmem_shared>> -> memref<10240x128xf32, #tpu.memory_space<vmem_shared>>
        tpu.wait_indirect_dma semaphore(%run_scoped3A : memref<!tpu.dma_semaphore, #tpu.memory_space<semaphore_mem>>) src(%arg10 : memref<128x128xf32, #tpu.memory_space<vmem>>) dst(%dma_wait3A_207 : memref<10240x128xf32, #tpu.memory_space<vmem_shared>>)
        tpu.yield
      }) : () -> ()
      %add3A_109 = arith.constant 2 : i32
      %add3A_110 = arith.addi %add3A_99, %add3A_109 : i32
      %lt3A_111 = arith.constant 80 : i32
      %lt3A_112 = arith.cmpi slt, %add3A_110, %lt3A_111 : i32
      %convert_element_type3A_113 = arith.extui %lt3A_112 : i1 to i32
      %cond3A_114 = arith.constant 0 : i32
      %cond3A_115 = arith.cmpi ne, %convert_element_type3A_113, %cond3A_114 : i32
      scf.if %cond3A_115 {
        %add3A_196 = arith.constant 2 : i32
        %add3A_197 = arith.addi %add3A_99, %add3A_196 : i32
        %rem3A_198 = arith.constant 16 : i32
        %rem3A_199 = arith.remsi %add3A_197, %rem3A_198 : i32
        %dma_start3A_200 = arith.constant 0 : i32
        %dma_start3A_201 = tpu.memref_slice %arg7[%rem3A_199, %dma_start3A_200] : memref<16x128xi32, #tpu.memory_space<vmem>> -> memref<1x128xi32, #tpu.memory_space<vmem>>
        %dma_start3A_202 = tpu.memref_squeeze %dma_start3A_201 : memref<1x128xi32, #tpu.memory_space<vmem>> -> memref<128xi32, #tpu.memory_space<vmem>>
        %dma_start3A_203 = arith.constant 0 : i32
        %dma_start3A_204 = arith.constant 0 : i32
        %dma_start3A_205 = tpu.memref_slice %arg2[%dma_start3A_203, %dma_start3A_204] : memref<20480x128xf32, #tpu.memory_space<hbm>> -> memref<20480x128xf32, #tpu.memory_space<hbm>>
        tpu.enqueue_indirect_dma source(%dma_start3A_205 : memref<20480x128xf32, #tpu.memory_space<hbm>>) target(%arg10 : memref<128x128xf32, #tpu.memory_space<vmem>>) offsets(%dma_start3A_202 : memref<128xi32, #tpu.memory_space<vmem>>) semaphore(%arg13 : memref<!tpu.dma_semaphore, #tpu.memory_space<semaphore_mem>>)
      } else {
      }
      %mul3A_116 = arith.constant 8 : i32
      %mul3A_117 = arith.muli %add3A_30, %mul3A_116 : i32
      %add3A_118 = arith.constant 4 : i32
      %add3A_119 = arith.addi %mul3A_117, %add3A_118 : i32
      %dma_wait3A_120 = arith.constant 0 : i32
      %dma_wait3A_121 = arith.constant 0 : i32
      %dma_wait3A_122 = tpu.memref_slice %arg7[%dma_wait3A_120, %dma_wait3A_121] : memref<16x128xi32, #tpu.memory_space<vmem>> -> memref<1x128xi32, #tpu.memory_space<vmem>>
      %dma_wait3A_123 = tpu.memref_squeeze %dma_wait3A_122 : memref<1x128xi32, #tpu.memory_space<vmem>> -> memref<128xi32, #tpu.memory_space<vmem>>
      %dma_wait3A_124 = arith.constant 0 : i32
      %dma_wait3A_125 = arith.constant 0 : i32
      %dma_wait3A_126 = tpu.memref_slice %arg2[%dma_wait3A_124, %dma_wait3A_125] : memref<20480x128xf32, #tpu.memory_space<hbm>> -> memref<20480x128xf32, #tpu.memory_space<hbm>>
      tpu.wait_indirect_dma semaphore(%arg12 : memref<!tpu.dma_semaphore, #tpu.memory_space<semaphore_mem>>) src(%dma_wait3A_126 : memref<20480x128xf32, #tpu.memory_space<hbm>>) dst(%arg9 : memref<128x128xf32, #tpu.memory_space<vmem>>)
      %add3A_127 = arith.constant 4 : i32
      %add3A_128 = arith.addi %mul3A_33, %add3A_127 : i32
      "tpu.region"() ({
        %run_scoped3A = tpu.sem_alloc : memref<!tpu.dma_semaphore, #tpu.memory_space<semaphore_mem>>
        %dma_start3A_196 = arith.constant 0 : i32
        %dma_start3A_197 = tpu.memref_slice %arg8[%add3A_128, %dma_start3A_196] : memref<16x128xi32, #tpu.memory_space<vmem>> -> memref<1x128xi32, #tpu.memory_space<vmem>>
        %dma_start3A_198 = tpu.memref_squeeze %dma_start3A_197 : memref<1x128xi32, #tpu.memory_space<vmem>> -> memref<128xi32, #tpu.memory_space<vmem>>
        %dma_start3A_199 = arith.constant 0 : i32
        %dma_start3A_200 = arith.constant 0 : i32
        %dma_start3A_201 = tpu.memref_slice %arg11[%dma_start3A_199, %dma_start3A_200] : memref<10240x128xf32, #tpu.memory_space<vmem_shared>> -> memref<10240x128xf32, #tpu.memory_space<vmem_shared>>
        tpu.enqueue_indirect_dma source(%arg9 : memref<128x128xf32, #tpu.memory_space<vmem>>) target(%dma_start3A_201 : memref<10240x128xf32, #tpu.memory_space<vmem_shared>>) offsets(%dma_start3A_198 : memref<128xi32, #tpu.memory_space<vmem>>) semaphore(%run_scoped3A : memref<!tpu.dma_semaphore, #tpu.memory_space<semaphore_mem>>) {add = true}
        %dma_wait3A_202 = arith.constant 0 : i32
        %dma_wait3A_203 = tpu.memref_slice %arg8[%add3A_128, %dma_wait3A_202] : memref<16x128xi32, #tpu.memory_space<vmem>> -> memref<1x128xi32, #tpu.memory_space<vmem>>
        %dma_wait3A_204 = tpu.memref_squeeze %dma_wait3A_203 : memref<1x128xi32, #tpu.memory_space<vmem>> -> memref<128xi32, #tpu.memory_space<vmem>>
        %dma_wait3A_205 = arith.constant 0 : i32
        %dma_wait3A_206 = arith.constant 0 : i32
        %dma_wait3A_207 = tpu.memref_slice %arg11[%dma_wait3A_205, %dma_wait3A_206] : memref<10240x128xf32, #tpu.memory_space<vmem_shared>> -> memref<10240x128xf32, #tpu.memory_space<vmem_shared>>
        tpu.wait_indirect_dma semaphore(%run_scoped3A : memref<!tpu.dma_semaphore, #tpu.memory_space<semaphore_mem>>) src(%arg9 : memref<128x128xf32, #tpu.memory_space<vmem>>) dst(%dma_wait3A_207 : memref<10240x128xf32, #tpu.memory_space<vmem_shared>>)
        tpu.yield
      }) : () -> ()
      %add3A_129 = arith.constant 2 : i32
      %add3A_130 = arith.addi %add3A_119, %add3A_129 : i32
      %lt3A_131 = arith.constant 80 : i32
      %lt3A_132 = arith.cmpi slt, %add3A_130, %lt3A_131 : i32
      %convert_element_type3A_133 = arith.extui %lt3A_132 : i1 to i32
      %cond3A_134 = arith.constant 0 : i32
      %cond3A_135 = arith.cmpi ne, %convert_element_type3A_133, %cond3A_134 : i32
      scf.if %cond3A_135 {
        %add3A_196 = arith.constant 2 : i32
        %add3A_197 = arith.addi %add3A_119, %add3A_196 : i32
        %rem3A_198 = arith.constant 16 : i32
        %rem3A_199 = arith.remsi %add3A_197, %rem3A_198 : i32
        %dma_start3A_200 = arith.constant 0 : i32
        %dma_start3A_201 = tpu.memref_slice %arg7[%rem3A_199, %dma_start3A_200] : memref<16x128xi32, #tpu.memory_space<vmem>> -> memref<1x128xi32, #tpu.memory_space<vmem>>
        %dma_start3A_202 = tpu.memref_squeeze %dma_start3A_201 : memref<1x128xi32, #tpu.memory_space<vmem>> -> memref<128xi32, #tpu.memory_space<vmem>>
        %dma_start3A_203 = arith.constant 0 : i32
        %dma_start3A_204 = arith.constant 0 : i32
        %dma_start3A_205 = tpu.memref_slice %arg2[%dma_start3A_203, %dma_start3A_204] : memref<20480x128xf32, #tpu.memory_space<hbm>> -> memref<20480x128xf32, #tpu.memory_space<hbm>>
        tpu.enqueue_indirect_dma source(%dma_start3A_205 : memref<20480x128xf32, #tpu.memory_space<hbm>>) target(%arg9 : memref<128x128xf32, #tpu.memory_space<vmem>>) offsets(%dma_start3A_202 : memref<128xi32, #tpu.memory_space<vmem>>) semaphore(%arg12 : memref<!tpu.dma_semaphore, #tpu.memory_space<semaphore_mem>>)
      } else {
      }
      %mul3A_136 = arith.constant 8 : i32
      %mul3A_137 = arith.muli %add3A_30, %mul3A_136 : i32
      %add3A_138 = arith.constant 5 : i32
      %add3A_139 = arith.addi %mul3A_137, %add3A_138 : i32
      %dma_wait3A_140 = arith.constant 0 : i32
      %dma_wait3A_141 = arith.constant 0 : i32
      %dma_wait3A_142 = tpu.memref_slice %arg7[%dma_wait3A_140, %dma_wait3A_141] : memref<16x128xi32, #tpu.memory_space<vmem>> -> memref<1x128xi32, #tpu.memory_space<vmem>>
      %dma_wait3A_143 = tpu.memref_squeeze %dma_wait3A_142 : memref<1x128xi32, #tpu.memory_space<vmem>> -> memref<128xi32, #tpu.memory_space<vmem>>
      %dma_wait3A_144 = arith.constant 0 : i32
      %dma_wait3A_145 = arith.constant 0 : i32
      %dma_wait3A_146 = tpu.memref_slice %arg2[%dma_wait3A_144, %dma_wait3A_145] : memref<20480x128xf32, #tpu.memory_space<hbm>> -> memref<20480x128xf32, #tpu.memory_space<hbm>>
      tpu.wait_indirect_dma semaphore(%arg13 : memref<!tpu.dma_semaphore, #tpu.memory_space<semaphore_mem>>) src(%dma_wait3A_146 : memref<20480x128xf32, #tpu.memory_space<hbm>>) dst(%arg10 : memref<128x128xf32, #tpu.memory_space<vmem>>)
      %add3A_147 = arith.constant 5 : i32
      %add3A_148 = arith.addi %mul3A_33, %add3A_147 : i32
      "tpu.region"() ({
        %run_scoped3A = tpu.sem_alloc : memref<!tpu.dma_semaphore, #tpu.memory_space<semaphore_mem>>
        %dma_start3A_196 = arith.constant 0 : i32
        %dma_start3A_197 = tpu.memref_slice %arg8[%add3A_148, %dma_start3A_196] : memref<16x128xi32, #tpu.memory_space<vmem>> -> memref<1x128xi32, #tpu.memory_space<vmem>>
        %dma_start3A_198 = tpu.memref_squeeze %dma_start3A_197 : memref<1x128xi32, #tpu.memory_space<vmem>> -> memref<128xi32, #tpu.memory_space<vmem>>
        %dma_start3A_199 = arith.constant 0 : i32
        %dma_start3A_200 = arith.constant 0 : i32
        %dma_start3A_201 = tpu.memref_slice %arg11[%dma_start3A_199, %dma_start3A_200] : memref<10240x128xf32, #tpu.memory_space<vmem_shared>> -> memref<10240x128xf32, #tpu.memory_space<vmem_shared>>
        tpu.enqueue_indirect_dma source(%arg10 : memref<128x128xf32, #tpu.memory_space<vmem>>) target(%dma_start3A_201 : memref<10240x128xf32, #tpu.memory_space<vmem_shared>>) offsets(%dma_start3A_198 : memref<128xi32, #tpu.memory_space<vmem>>) semaphore(%run_scoped3A : memref<!tpu.dma_semaphore, #tpu.memory_space<semaphore_mem>>) {add = true}
        %dma_wait3A_202 = arith.constant 0 : i32
        %dma_wait3A_203 = tpu.memref_slice %arg8[%add3A_148, %dma_wait3A_202] : memref<16x128xi32, #tpu.memory_space<vmem>> -> memref<1x128xi32, #tpu.memory_space<vmem>>
        %dma_wait3A_204 = tpu.memref_squeeze %dma_wait3A_203 : memref<1x128xi32, #tpu.memory_space<vmem>> -> memref<128xi32, #tpu.memory_space<vmem>>
        %dma_wait3A_205 = arith.constant 0 : i32
        %dma_wait3A_206 = arith.constant 0 : i32
        %dma_wait3A_207 = tpu.memref_slice %arg11[%dma_wait3A_205, %dma_wait3A_206] : memref<10240x128xf32, #tpu.memory_space<vmem_shared>> -> memref<10240x128xf32, #tpu.memory_space<vmem_shared>>
        tpu.wait_indirect_dma semaphore(%run_scoped3A : memref<!tpu.dma_semaphore, #tpu.memory_space<semaphore_mem>>) src(%arg10 : memref<128x128xf32, #tpu.memory_space<vmem>>) dst(%dma_wait3A_207 : memref<10240x128xf32, #tpu.memory_space<vmem_shared>>)
        tpu.yield
      }) : () -> ()
      %add3A_149 = arith.constant 2 : i32
      %add3A_150 = arith.addi %add3A_139, %add3A_149 : i32
      %lt3A_151 = arith.constant 80 : i32
      %lt3A_152 = arith.cmpi slt, %add3A_150, %lt3A_151 : i32
      %convert_element_type3A_153 = arith.extui %lt3A_152 : i1 to i32
      %cond3A_154 = arith.constant 0 : i32
      %cond3A_155 = arith.cmpi ne, %convert_element_type3A_153, %cond3A_154 : i32
      scf.if %cond3A_155 {
        %add3A_196 = arith.constant 2 : i32
        %add3A_197 = arith.addi %add3A_139, %add3A_196 : i32
        %rem3A_198 = arith.constant 16 : i32
        %rem3A_199 = arith.remsi %add3A_197, %rem3A_198 : i32
        %dma_start3A_200 = arith.constant 0 : i32
        %dma_start3A_201 = tpu.memref_slice %arg7[%rem3A_199, %dma_start3A_200] : memref<16x128xi32, #tpu.memory_space<vmem>> -> memref<1x128xi32, #tpu.memory_space<vmem>>
        %dma_start3A_202 = tpu.memref_squeeze %dma_start3A_201 : memref<1x128xi32, #tpu.memory_space<vmem>> -> memref<128xi32, #tpu.memory_space<vmem>>
        %dma_start3A_203 = arith.constant 0 : i32
        %dma_start3A_204 = arith.constant 0 : i32
        %dma_start3A_205 = tpu.memref_slice %arg2[%dma_start3A_203, %dma_start3A_204] : memref<20480x128xf32, #tpu.memory_space<hbm>> -> memref<20480x128xf32, #tpu.memory_space<hbm>>
        tpu.enqueue_indirect_dma source(%dma_start3A_205 : memref<20480x128xf32, #tpu.memory_space<hbm>>) target(%arg10 : memref<128x128xf32, #tpu.memory_space<vmem>>) offsets(%dma_start3A_202 : memref<128xi32, #tpu.memory_space<vmem>>) semaphore(%arg13 : memref<!tpu.dma_semaphore, #tpu.memory_space<semaphore_mem>>)
      } else {
      }
      %mul3A_156 = arith.constant 8 : i32
      %mul3A_157 = arith.muli %add3A_30, %mul3A_156 : i32
      %add3A_158 = arith.constant 6 : i32
      %add3A_159 = arith.addi %mul3A_157, %add3A_158 : i32
      %dma_wait3A_160 = arith.constant 0 : i32
      %dma_wait3A_161 = arith.constant 0 : i32
      %dma_wait3A_162 = tpu.memref_slice %arg7[%dma_wait3A_160, %dma_wait3A_161] : memref<16x128xi32, #tpu.memory_space<vmem>> -> memref<1x128xi32, #tpu.memory_space<vmem>>
      %dma_wait3A_163 = tpu.memref_squeeze %dma_wait3A_162 : memref<1x128xi32, #tpu.memory_space<vmem>> -> memref<128xi32, #tpu.memory_space<vmem>>
      %dma_wait3A_164 = arith.constant 0 : i32
      %dma_wait3A_165 = arith.constant 0 : i32
      %dma_wait3A_166 = tpu.memref_slice %arg2[%dma_wait3A_164, %dma_wait3A_165] : memref<20480x128xf32, #tpu.memory_space<hbm>> -> memref<20480x128xf32, #tpu.memory_space<hbm>>
      tpu.wait_indirect_dma semaphore(%arg12 : memref<!tpu.dma_semaphore, #tpu.memory_space<semaphore_mem>>) src(%dma_wait3A_166 : memref<20480x128xf32, #tpu.memory_space<hbm>>) dst(%arg9 : memref<128x128xf32, #tpu.memory_space<vmem>>)
      %add3A_167 = arith.constant 6 : i32
      %add3A_168 = arith.addi %mul3A_33, %add3A_167 : i32
      "tpu.region"() ({
        %run_scoped3A = tpu.sem_alloc : memref<!tpu.dma_semaphore, #tpu.memory_space<semaphore_mem>>
        %dma_start3A_196 = arith.constant 0 : i32
        %dma_start3A_197 = tpu.memref_slice %arg8[%add3A_168, %dma_start3A_196] : memref<16x128xi32, #tpu.memory_space<vmem>> -> memref<1x128xi32, #tpu.memory_space<vmem>>
        %dma_start3A_198 = tpu.memref_squeeze %dma_start3A_197 : memref<1x128xi32, #tpu.memory_space<vmem>> -> memref<128xi32, #tpu.memory_space<vmem>>
        %dma_start3A_199 = arith.constant 0 : i32
        %dma_start3A_200 = arith.constant 0 : i32
        %dma_start3A_201 = tpu.memref_slice %arg11[%dma_start3A_199, %dma_start3A_200] : memref<10240x128xf32, #tpu.memory_space<vmem_shared>> -> memref<10240x128xf32, #tpu.memory_space<vmem_shared>>
        tpu.enqueue_indirect_dma source(%arg9 : memref<128x128xf32, #tpu.memory_space<vmem>>) target(%dma_start3A_201 : memref<10240x128xf32, #tpu.memory_space<vmem_shared>>) offsets(%dma_start3A_198 : memref<128xi32, #tpu.memory_space<vmem>>) semaphore(%run_scoped3A : memref<!tpu.dma_semaphore, #tpu.memory_space<semaphore_mem>>) {add = true}
        %dma_wait3A_202 = arith.constant 0 : i32
        %dma_wait3A_203 = tpu.memref_slice %arg8[%add3A_168, %dma_wait3A_202] : memref<16x128xi32, #tpu.memory_space<vmem>> -> memref<1x128xi32, #tpu.memory_space<vmem>>
        %dma_wait3A_204 = tpu.memref_squeeze %dma_wait3A_203 : memref<1x128xi32, #tpu.memory_space<vmem>> -> memref<128xi32, #tpu.memory_space<vmem>>
        %dma_wait3A_205 = arith.constant 0 : i32
        %dma_wait3A_206 = arith.constant 0 : i32
        %dma_wait3A_207 = tpu.memref_slice %arg11[%dma_wait3A_205, %dma_wait3A_206] : memref<10240x128xf32, #tpu.memory_space<vmem_shared>> -> memref<10240x128xf32, #tpu.memory_space<vmem_shared>>
        tpu.wait_indirect_dma semaphore(%run_scoped3A : memref<!tpu.dma_semaphore, #tpu.memory_space<semaphore_mem>>) src(%arg9 : memref<128x128xf32, #tpu.memory_space<vmem>>) dst(%dma_wait3A_207 : memref<10240x128xf32, #tpu.memory_space<vmem_shared>>)
        tpu.yield
      }) : () -> ()
      %add3A_169 = arith.constant 2 : i32
      %add3A_170 = arith.addi %add3A_159, %add3A_169 : i32
      %lt3A_171 = arith.constant 80 : i32
      %lt3A_172 = arith.cmpi slt, %add3A_170, %lt3A_171 : i32
      %convert_element_type3A_173 = arith.extui %lt3A_172 : i1 to i32
      %cond3A_174 = arith.constant 0 : i32
      %cond3A_175 = arith.cmpi ne, %convert_element_type3A_173, %cond3A_174 : i32
      scf.if %cond3A_175 {
        %add3A_196 = arith.constant 2 : i32
        %add3A_197 = arith.addi %add3A_159, %add3A_196 : i32
        %rem3A_198 = arith.constant 16 : i32
        %rem3A_199 = arith.remsi %add3A_197, %rem3A_198 : i32
        %dma_start3A_200 = arith.constant 0 : i32
        %dma_start3A_201 = tpu.memref_slice %arg7[%rem3A_199, %dma_start3A_200] : memref<16x128xi32, #tpu.memory_space<vmem>> -> memref<1x128xi32, #tpu.memory_space<vmem>>
        %dma_start3A_202 = tpu.memref_squeeze %dma_start3A_201 : memref<1x128xi32, #tpu.memory_space<vmem>> -> memref<128xi32, #tpu.memory_space<vmem>>
        %dma_start3A_203 = arith.constant 0 : i32
        %dma_start3A_204 = arith.constant 0 : i32
        %dma_start3A_205 = tpu.memref_slice %arg2[%dma_start3A_203, %dma_start3A_204] : memref<20480x128xf32, #tpu.memory_space<hbm>> -> memref<20480x128xf32, #tpu.memory_space<hbm>>
        tpu.enqueue_indirect_dma source(%dma_start3A_205 : memref<20480x128xf32, #tpu.memory_space<hbm>>) target(%arg9 : memref<128x128xf32, #tpu.memory_space<vmem>>) offsets(%dma_start3A_202 : memref<128xi32, #tpu.memory_space<vmem>>) semaphore(%arg12 : memref<!tpu.dma_semaphore, #tpu.memory_space<semaphore_mem>>)
      } else {
      }
      %mul3A_176 = arith.constant 8 : i32
      %mul3A_177 = arith.muli %add3A_30, %mul3A_176 : i32
      %add3A_178 = arith.constant 7 : i32
      %add3A_179 = arith.addi %mul3A_177, %add3A_178 : i32
      %dma_wait3A_180 = arith.constant 0 : i32
      %dma_wait3A_181 = arith.constant 0 : i32
      %dma_wait3A_182 = tpu.memref_slice %arg7[%dma_wait3A_180, %dma_wait3A_181] : memref<16x128xi32, #tpu.memory_space<vmem>> -> memref<1x128xi32, #tpu.memory_space<vmem>>
      %dma_wait3A_183 = tpu.memref_squeeze %dma_wait3A_182 : memref<1x128xi32, #tpu.memory_space<vmem>> -> memref<128xi32, #tpu.memory_space<vmem>>
      %dma_wait3A_184 = arith.constant 0 : i32
      %dma_wait3A_185 = arith.constant 0 : i32
      %dma_wait3A_186 = tpu.memref_slice %arg2[%dma_wait3A_184, %dma_wait3A_185] : memref<20480x128xf32, #tpu.memory_space<hbm>> -> memref<20480x128xf32, #tpu.memory_space<hbm>>
      tpu.wait_indirect_dma semaphore(%arg13 : memref<!tpu.dma_semaphore, #tpu.memory_space<semaphore_mem>>) src(%dma_wait3A_186 : memref<20480x128xf32, #tpu.memory_space<hbm>>) dst(%arg10 : memref<128x128xf32, #tpu.memory_space<vmem>>)
      %add3A_187 = arith.constant 7 : i32
      %add3A_188 = arith.addi %mul3A_33, %add3A_187 : i32
      "tpu.region"() ({
        %run_scoped3A = tpu.sem_alloc : memref<!tpu.dma_semaphore, #tpu.memory_space<semaphore_mem>>
        %dma_start3A_196 = arith.constant 0 : i32
        %dma_start3A_197 = tpu.memref_slice %arg8[%add3A_188, %dma_start3A_196] : memref<16x128xi32, #tpu.memory_space<vmem>> -> memref<1x128xi32, #tpu.memory_space<vmem>>
        %dma_start3A_198 = tpu.memref_squeeze %dma_start3A_197 : memref<1x128xi32, #tpu.memory_space<vmem>> -> memref<128xi32, #tpu.memory_space<vmem>>
        %dma_start3A_199 = arith.constant 0 : i32
        %dma_start3A_200 = arith.constant 0 : i32
        %dma_start3A_201 = tpu.memref_slice %arg11[%dma_start3A_199, %dma_start3A_200] : memref<10240x128xf32, #tpu.memory_space<vmem_shared>> -> memref<10240x128xf32, #tpu.memory_space<vmem_shared>>
        tpu.enqueue_indirect_dma source(%arg10 : memref<128x128xf32, #tpu.memory_space<vmem>>) target(%dma_start3A_201 : memref<10240x128xf32, #tpu.memory_space<vmem_shared>>) offsets(%dma_start3A_198 : memref<128xi32, #tpu.memory_space<vmem>>) semaphore(%run_scoped3A : memref<!tpu.dma_semaphore, #tpu.memory_space<semaphore_mem>>) {add = true}
        %dma_wait3A_202 = arith.constant 0 : i32
        %dma_wait3A_203 = tpu.memref_slice %arg8[%add3A_188, %dma_wait3A_202] : memref<16x128xi32, #tpu.memory_space<vmem>> -> memref<1x128xi32, #tpu.memory_space<vmem>>
        %dma_wait3A_204 = tpu.memref_squeeze %dma_wait3A_203 : memref<1x128xi32, #tpu.memory_space<vmem>> -> memref<128xi32, #tpu.memory_space<vmem>>
        %dma_wait3A_205 = arith.constant 0 : i32
        %dma_wait3A_206 = arith.constant 0 : i32
        %dma_wait3A_207 = tpu.memref_slice %arg11[%dma_wait3A_205, %dma_wait3A_206] : memref<10240x128xf32, #tpu.memory_space<vmem_shared>> -> memref<10240x128xf32, #tpu.memory_space<vmem_shared>>
        tpu.wait_indirect_dma semaphore(%run_scoped3A : memref<!tpu.dma_semaphore, #tpu.memory_space<semaphore_mem>>) src(%arg10 : memref<128x128xf32, #tpu.memory_space<vmem>>) dst(%dma_wait3A_207 : memref<10240x128xf32, #tpu.memory_space<vmem_shared>>)
        tpu.yield
      }) : () -> ()
      %add3A_189 = arith.constant 2 : i32
      %add3A_190 = arith.addi %add3A_179, %add3A_189 : i32
      %lt3A_191 = arith.constant 80 : i32
      %lt3A_192 = arith.cmpi slt, %add3A_190, %lt3A_191 : i32
      %convert_element_type3A_193 = arith.extui %lt3A_192 : i1 to i32
      %cond3A_194 = arith.constant 0 : i32
      %cond3A_195 = arith.cmpi ne, %convert_element_type3A_193, %cond3A_194 : i32
      scf.if %cond3A_195 {
        %add3A_196 = arith.constant 2 : i32
        %add3A_197 = arith.addi %add3A_179, %add3A_196 : i32
        %rem3A_198 = arith.constant 16 : i32
        %rem3A_199 = arith.remsi %add3A_197, %rem3A_198 : i32
        %dma_start3A_200 = arith.constant 0 : i32
        %dma_start3A_201 = tpu.memref_slice %arg7[%rem3A_199, %dma_start3A_200] : memref<16x128xi32, #tpu.memory_space<vmem>> -> memref<1x128xi32, #tpu.memory_space<vmem>>
        %dma_start3A_202 = tpu.memref_squeeze %dma_start3A_201 : memref<1x128xi32, #tpu.memory_space<vmem>> -> memref<128xi32, #tpu.memory_space<vmem>>
        %dma_start3A_203 = arith.constant 0 : i32
        %dma_start3A_204 = arith.constant 0 : i32
        %dma_start3A_205 = tpu.memref_slice %arg2[%dma_start3A_203, %dma_start3A_204] : memref<20480x128xf32, #tpu.memory_space<hbm>> -> memref<20480x128xf32, #tpu.memory_space<hbm>>
        tpu.enqueue_indirect_dma source(%dma_start3A_205 : memref<20480x128xf32, #tpu.memory_space<hbm>>) target(%arg10 : memref<128x128xf32, #tpu.memory_space<vmem>>) offsets(%dma_start3A_202 : memref<128xi32, #tpu.memory_space<vmem>>) semaphore(%arg13 : memref<!tpu.dma_semaphore, #tpu.memory_space<semaphore_mem>>)
      } else {
      }
    }
    %scan3A_21 = arith.constant 10 : i32
    %barrier3A_22 = arith.constant 0 : index
    tpu.barrier barrier_id(%barrier3A_22)
    %mul3A_23 = arith.constant 10240 : i32
    %mul3A_24 = arith.muli %arg0, %mul3A_23 : i32
    %add3A_25 = arith.addi %mul3A_24, %mul3A_0 : i32
    "tpu.region"() ({
      %run_scoped3A = tpu.sem_alloc : memref<!tpu.dma_semaphore, #tpu.memory_space<semaphore_mem>>
      %dma_start3A_26 = arith.constant 0 : i32
      %dma_start3A_27 = tpu.memref_slice %arg6[%add3A_25, %dma_start3A_26] : memref<20480x128xf32, #tpu.memory_space<hbm>> -> memref<640x128xf32, #tpu.memory_space<hbm>>
      %dma_start3A_28 = arith.constant 0 : i32
      %dma_start3A_29 = tpu.memref_slice %arg11[%mul3A_0, %dma_start3A_28] : memref<10240x128xf32, #tpu.memory_space<vmem_shared>> -> memref<640x128xf32, #tpu.memory_space<vmem_shared>>
      tpu.enqueue_dma source(%dma_start3A_29 : memref<640x128xf32, #tpu.memory_space<vmem_shared>>) target(%dma_start3A_27 : memref<640x128xf32, #tpu.memory_space<hbm>>) target_semaphore(%run_scoped3A : memref<!tpu.dma_semaphore, #tpu.memory_space<semaphore_mem>>)
      %dma_wait3A = arith.constant 0 : i32
      %dma_wait3A_30 = tpu.memref_slice %arg6[%add3A_25, %dma_wait3A] : memref<20480x128xf32, #tpu.memory_space<hbm>> -> memref<640x128xf32, #tpu.memory_space<hbm>>
      %dma_wait3A_31 = arith.constant 0 : i32
      %dma_wait3A_32 = tpu.memref_slice %arg11[%mul3A_0, %dma_wait3A_31] : memref<10240x128xf32, #tpu.memory_space<vmem_shared>> -> memref<640x128xf32, #tpu.memory_space<vmem_shared>>
      tpu.wait_dma2 semaphore(%run_scoped3A : memref<!tpu.dma_semaphore, #tpu.memory_space<semaphore_mem>>) src(%dma_wait3A_32 : memref<640x128xf32, #tpu.memory_space<vmem_shared>>) dst(%dma_wait3A_30 : memref<640x128xf32, #tpu.memory_space<hbm>>)
      tpu.yield
    }) : () -> ()
    return
  }
}

module attributes {stable_mosaic.version = 14 : i64} {
  func.func @_mm_body(%arg0: i32, %arg1: memref<256x256xf32, #tpu.memory_space<vmem>>, %arg2: memref<256x256xf32, #tpu.memory_space<vmem>>, %arg3: memref<2x256x128xf32, #tpu.memory_space<vmem>>) attributes {dimension_semantics = [#tpu.dimension_semantics<arbitrary>], iteration_bounds = array<i64: 40>, scalar_prefetch = 0 : i64, scratch_operands = 0 : i64, tpu.core_type = #tpu.core_type<tc>, window_params = [{transform_indices = @transform_0, window_bounds = array<i64: 256, 256>}, {pipeline_mode = #tpu.pipeline_mode<synchronous>, transform_indices = @transform_1, window_bounds = array<i64: 256, 256>}, {transform_indices = @transform_2, window_bounds = array<i64: 2, 256, 128>}]} {
    %get3A = arith.constant 0 : index
    %get3A_0 = arith.constant 0 : index
    %get3A_1 = vector.load %arg1[%get3A, %get3A_0] : memref<256x256xf32, #tpu.memory_space<vmem>>, vector<256x256xf32>
    %get3A_2 = arith.constant 0 : index
    %get3A_3 = arith.constant 0 : index
    %get3A_4 = vector.load %arg2[%get3A_2, %get3A_3] : memref<256x256xf32, #tpu.memory_space<vmem>>, vector<256x256xf32>
    %dot_general3A = arith.constant dense<0.000000e+00> : vector<256x256xf32>
    %dot_general3A_5 = tpu.matmul %get3A_1, %get3A_4, %dot_general3A {dimension_numbers = #tpu.dot_dimension_numbers<[1], [0], [0], [1], [0, 0, 1, 1], [], []>, transpose_lhs_hint = false} : vector<256x256xf32>, vector<256x256xf32>, vector<256x256xf32> -> vector<256x256xf32>
    %slice3A = vector.extract_strided_slice %dot_general3A_5 {offsets = [0, 0], sizes = [256, 128], strides = [1, 1]} : vector<256x256xf32> to vector<256x128xf32>
    %swap3A = arith.constant 0 : index
    %swap3A_6 = arith.constant 0 : index
    %swap3A_7 = arith.constant 0 : index
    %swap3A_8 = vector.load %arg3[%swap3A, %swap3A_6, %swap3A_7] : memref<2x256x128xf32, #tpu.memory_space<vmem>>, vector<1x256x128xf32>
    %swap3A_9 = vector.shape_cast %swap3A_8 : vector<1x256x128xf32> to vector<256x128xf32>
    %swap3A_10 = vector.shape_cast %slice3A : vector<256x128xf32> to vector<1x256x128xf32>
    tpu.vector_store %arg3[%swap3A, %swap3A_6, %swap3A_7], %swap3A_10 {strides = array<i32>} : memref<2x256x128xf32, #tpu.memory_space<vmem>>, vector<1x256x128xf32>,
    %slice3A_11 = vector.extract_strided_slice %dot_general3A_5 {offsets = [0, 128], sizes = [256, 128], strides = [1, 1]} : vector<256x256xf32> to vector<256x128xf32>
    %swap3A_12 = arith.constant 1 : index
    %swap3A_13 = arith.constant 0 : index
    %swap3A_14 = arith.constant 0 : index
    %swap3A_15 = vector.load %arg3[%swap3A_12, %swap3A_13, %swap3A_14] : memref<2x256x128xf32, #tpu.memory_space<vmem>>, vector<1x256x128xf32>
    %swap3A_16 = vector.shape_cast %swap3A_15 : vector<1x256x128xf32> to vector<256x128xf32>
    %swap3A_17 = vector.shape_cast %slice3A_11 : vector<256x128xf32> to vector<1x256x128xf32>
    tpu.vector_store %arg3[%swap3A_12, %swap3A_13, %swap3A_14], %swap3A_17 {strides = array<i32>} : memref<2x256x128xf32, #tpu.memory_space<vmem>>, vector<1x256x128xf32>,
    return
  }
  func.func @transform_0(%arg0: i32) -> (i32, i32) {
    %c0_i32 = arith.constant 0 : i32
    %c0_i32_0 = arith.constant 0 : i32
    return %arg0, %c0_i32 : i32, i32
  }
  func.func @transform_1(%arg0: i32) -> (i32, i32) {
    %c0_i32 = arith.constant 0 : i32
    %c0_i32_0 = arith.constant 0 : i32
    %c0_i32_1 = arith.constant 0 : i32
    return %c0_i32, %c0_i32_0 : i32, i32
  }
  func.func @transform_2(%arg0: i32) -> (i32, i32, i32) {
    %c0_i32 = arith.constant 0 : i32
    %c0_i32_0 = arith.constant 0 : i32
    %c0_i32_1 = arith.constant 0 : i32
    return %c0_i32, %arg0, %c0_i32_0 : i32, i32, i32
  }
}

module attributes {stable_mosaic.version = 14 : i64} {
  func.func @_scale_body(%arg0: i32, %arg1: memref<2x256x1xf32, #tpu.memory_space<vmem>>, %arg2: memref<2x256x128xf32, #tpu.memory_space<vmem>>, %arg3: memref<2x256x128xf32, #tpu.memory_space<vmem>>, %arg4: memref<256x128xf32, #tpu.memory_space<vmem>>) attributes {dimension_semantics = [#tpu.dimension_semantics<arbitrary>], iteration_bounds = array<i64: 40>, scalar_prefetch = 0 : i64, scratch_operands = 0 : i64, tpu.core_type = #tpu.core_type<tc>, window_params = [{transform_indices = @transform_0, window_bounds = array<i64: 2, 256, 1>}, {transform_indices = @transform_1, window_bounds = array<i64: 2, 256, 128>}, {transform_indices = @transform_2, window_bounds = array<i64: 2, 256, 128>}, {transform_indices = @transform_3, window_bounds = array<i64: 256, 128>}]} {
    %get3A = arith.constant 0 : index
    %get3A_0 = arith.constant 0 : index
    %get3A_1 = arith.constant 0 : index
    %get3A_2 = vector.load %arg1[%get3A, %get3A_0, %get3A_1] : memref<2x256x1xf32, #tpu.memory_space<vmem>>, vector<1x256x1xf32>
    %get3A_3 = vector.shape_cast %get3A_2 : vector<1x256x1xf32> to vector<256x1xf32>
    %add3A = arith.constant 1.000000e+00 : f32
    %add3A_4 = vector.broadcast %add3A : f32 to vector<256x1xf32>
    %add3A_5 = arith.addf %add3A_4, %get3A_3 : vector<256x1xf32>
    %get3A_6 = arith.constant 1 : index
    %get3A_7 = arith.constant 0 : index
    %get3A_8 = arith.constant 0 : index
    %get3A_9 = vector.load %arg1[%get3A_6, %get3A_7, %get3A_8] : memref<2x256x1xf32, #tpu.memory_space<vmem>>, vector<1x256x1xf32>
    %get3A_10 = vector.shape_cast %get3A_9 : vector<1x256x1xf32> to vector<256x1xf32>
    %add3A_11 = arith.addf %add3A_5, %get3A_10 : vector<256x1xf32>
    %rsqrt3A = math.rsqrt %add3A_11 : vector<256x1xf32>
    %broadcast_in_dim3A = vector.shape_cast %rsqrt3A : vector<256x1xf32> to vector<256x1xf32>
    %broadcast_in_dim3A_12 = vector.broadcast %broadcast_in_dim3A : vector<256x1xf32> to vector<256x128xf32>
    %swap3A = arith.constant 0 : index
    %swap3A_13 = arith.constant 0 : index
    %swap3A_14 = vector.load %arg4[%swap3A, %swap3A_13] : memref<256x128xf32, #tpu.memory_space<vmem>>, vector<256x128xf32>
    tpu.vector_store %arg4[%swap3A, %swap3A_13], %broadcast_in_dim3A_12 {strides = array<i32>} : memref<256x128xf32, #tpu.memory_space<vmem>>, vector<256x128xf32>,
    %get3A_15 = arith.constant 0 : index
    %get3A_16 = arith.constant 0 : index
    %get3A_17 = arith.constant 0 : index
    %get3A_18 = vector.load %arg2[%get3A_15, %get3A_16, %get3A_17] : memref<2x256x128xf32, #tpu.memory_space<vmem>>, vector<1x256x128xf32>
    %get3A_19 = vector.shape_cast %get3A_18 : vector<1x256x128xf32> to vector<256x128xf32>
    %mul3A = arith.mulf %broadcast_in_dim3A_12, %get3A_19 : vector<256x128xf32>
    %swap3A_20 = arith.constant 0 : index
    %swap3A_21 = arith.constant 0 : index
    %swap3A_22 = arith.constant 0 : index
    %swap3A_23 = vector.load %arg3[%swap3A_20, %swap3A_21, %swap3A_22] : memref<2x256x128xf32, #tpu.memory_space<vmem>>, vector<1x256x128xf32>
    %swap3A_24 = vector.shape_cast %swap3A_23 : vector<1x256x128xf32> to vector<256x128xf32>
    %swap3A_25 = vector.shape_cast %mul3A : vector<256x128xf32> to vector<1x256x128xf32>
    tpu.vector_store %arg3[%swap3A_20, %swap3A_21, %swap3A_22], %swap3A_25 {strides = array<i32>} : memref<2x256x128xf32, #tpu.memory_space<vmem>>, vector<1x256x128xf32>,
    %get3A_26 = arith.constant 1 : index
    %get3A_27 = arith.constant 0 : index
    %get3A_28 = arith.constant 0 : index
    %get3A_29 = vector.load %arg2[%get3A_26, %get3A_27, %get3A_28] : memref<2x256x128xf32, #tpu.memory_space<vmem>>, vector<1x256x128xf32>
    %get3A_30 = vector.shape_cast %get3A_29 : vector<1x256x128xf32> to vector<256x128xf32>
    %mul3A_31 = arith.mulf %broadcast_in_dim3A_12, %get3A_30 : vector<256x128xf32>
    %swap3A_32 = arith.constant 1 : index
    %swap3A_33 = arith.constant 0 : index
    %swap3A_34 = arith.constant 0 : index
    %swap3A_35 = vector.load %arg3[%swap3A_32, %swap3A_33, %swap3A_34] : memref<2x256x128xf32, #tpu.memory_space<vmem>>, vector<1x256x128xf32>
    %swap3A_36 = vector.shape_cast %swap3A_35 : vector<1x256x128xf32> to vector<256x128xf32>
    %swap3A_37 = vector.shape_cast %mul3A_31 : vector<256x128xf32> to vector<1x256x128xf32>
    tpu.vector_store %arg3[%swap3A_32, %swap3A_33, %swap3A_34], %swap3A_37 {strides = array<i32>} : memref<2x256x128xf32, #tpu.memory_space<vmem>>, vector<1x256x128xf32>,
    return
  }
  func.func @transform_0(%arg0: i32) -> (i32, i32, i32) {
    %c0_i32 = arith.constant 0 : i32
    %c0_i32_0 = arith.constant 0 : i32
    %c0_i32_1 = arith.constant 0 : i32
    return %c0_i32, %arg0, %c0_i32_0 : i32, i32, i32
  }
  func.func @transform_1(%arg0: i32) -> (i32, i32, i32) {
    %c0_i32 = arith.constant 0 : i32
    %c0_i32_0 = arith.constant 0 : i32
    %c0_i32_1 = arith.constant 0 : i32
    return %c0_i32, %arg0, %c0_i32_0 : i32, i32, i32
  }
  func.func @transform_2(%arg0: i32) -> (i32, i32, i32) {
    %c0_i32 = arith.constant 0 : i32
    %c0_i32_0 = arith.constant 0 : i32
    %c0_i32_1 = arith.constant 0 : i32
    return %c0_i32, %arg0, %c0_i32_0 : i32, i32, i32
  }
  func.func @transform_3(%arg0: i32) -> (i32, i32) {
    %c0_i32 = arith.constant 0 : i32
    %c0_i32_0 = arith.constant 0 : i32
    return %arg0, %c0_i32 : i32, i32
  }
}

module attributes {stable_mosaic.version = 14 : i64} {
  func.func @_fused_body(%arg0: i32, %arg1: memref<2x256x128xf32, #tpu.memory_space<vmem>>, %arg2: memref<2x256x128xf32, #tpu.memory_space<vmem>>, %arg3: memref<256x128xf32, #tpu.memory_space<vmem>>, %arg4: memref<1x256xf32, #tpu.memory_space<vmem>>, %arg5: memref<256x256xf32, #tpu.memory_space<vmem>>, %arg6: memref<2x256x128xf32, #tpu.memory_space<vmem>>) attributes {dimension_semantics = [#tpu.dimension_semantics<arbitrary>], iteration_bounds = array<i64: 40>, scalar_prefetch = 0 : i64, scratch_operands = 0 : i64, tpu.core_type = #tpu.core_type<tc>, window_params = [{transform_indices = @transform_0, window_bounds = array<i64: 2, 256, 128>}, {transform_indices = @transform_1, window_bounds = array<i64: 2, 256, 128>}, {transform_indices = @transform_2, window_bounds = array<i64: 256, 128>}, {pipeline_mode = #tpu.pipeline_mode<synchronous>, transform_indices = @transform_3, window_bounds = array<i64: 1, 256>}, {pipeline_mode = #tpu.pipeline_mode<synchronous>, transform_indices = @transform_4, window_bounds = array<i64: 256, 256>}, {transform_indices = @transform_5, window_bounds = array<i64: 2, 256, 128>}]} {
    %get3A = arith.constant 0 : index
    %get3A_0 = arith.constant 0 : index
    %get3A_1 = vector.load %arg3[%get3A, %get3A_0] : memref<256x128xf32, #tpu.memory_space<vmem>>, vector<256x128xf32>
    %get3A_2 = arith.constant 0 : index
    %get3A_3 = arith.constant 0 : index
    %get3A_4 = vector.load %arg4[%get3A_2, %get3A_3] : memref<1x256xf32, #tpu.memory_space<vmem>>, vector<1x256xf32>
    %get3A_5 = arith.constant 0 : index
    %get3A_6 = arith.constant 0 : index
    %get3A_7 = arith.constant 0 : index
    %get3A_8 = vector.load %arg1[%get3A_5, %get3A_6, %get3A_7] : memref<2x256x128xf32, #tpu.memory_space<vmem>>, vector<1x256x128xf32>
    %get3A_9 = vector.shape_cast %get3A_8 : vector<1x256x128xf32> to vector<256x128xf32>
    %get3A_10 = arith.constant 0 : index
    %get3A_11 = arith.constant 0 : index
    %get3A_12 = arith.constant 0 : index
    %get3A_13 = vector.load %arg2[%get3A_10, %get3A_11, %get3A_12] : memref<2x256x128xf32, #tpu.memory_space<vmem>>, vector<1x256x128xf32>
    %get3A_14 = vector.shape_cast %get3A_13 : vector<1x256x128xf32> to vector<256x128xf32>
    %add3A = arith.addf %get3A_9, %get3A_14 : vector<256x128xf32>
    %mul3A = arith.mulf %get3A_1, %add3A : vector<256x128xf32>
    %slice3A = vector.extract_strided_slice %get3A_4 {offsets = [0, 0], sizes = [1, 128], strides = [1, 1]} : vector<1x256xf32> to vector<1x128xf32>
    %add3A_15 = vector.broadcast %slice3A : vector<1x128xf32> to vector<256x128xf32>
    %add3A_16 = arith.addf %mul3A, %add3A_15 : vector<256x128xf32>
    %max3A = arith.constant 0.000000e+00 : f32
    %max3A_17 = vector.broadcast %max3A : f32 to vector<256x128xf32>
    %max3A_18 = arith.maximumf %add3A_16, %max3A_17 : vector<256x128xf32>
    %get3A_19 = arith.constant 1 : index
    %get3A_20 = arith.constant 0 : index
    %get3A_21 = arith.constant 0 : index
    %get3A_22 = vector.load %arg1[%get3A_19, %get3A_20, %get3A_21] : memref<2x256x128xf32, #tpu.memory_space<vmem>>, vector<1x256x128xf32>
    %get3A_23 = vector.shape_cast %get3A_22 : vector<1x256x128xf32> to vector<256x128xf32>
    %get3A_24 = arith.constant 1 : index
    %get3A_25 = arith.constant 0 : index
    %get3A_26 = arith.constant 0 : index
    %get3A_27 = vector.load %arg2[%get3A_24, %get3A_25, %get3A_26] : memref<2x256x128xf32, #tpu.memory_space<vmem>>, vector<1x256x128xf32>
    %get3A_28 = vector.shape_cast %get3A_27 : vector<1x256x128xf32> to vector<256x128xf32>
    %add3A_29 = arith.addf %get3A_23, %get3A_28 : vector<256x128xf32>
    %mul3A_30 = arith.mulf %get3A_1, %add3A_29 : vector<256x128xf32>
    %slice3A_31 = vector.extract_strided_slice %get3A_4 {offsets = [0, 128], sizes = [1, 128], strides = [1, 1]} : vector<1x256xf32> to vector<1x128xf32>
    %add3A_32 = vector.broadcast %slice3A_31 : vector<1x128xf32> to vector<256x128xf32>
    %add3A_33 = arith.addf %mul3A_30, %add3A_32 : vector<256x128xf32>
    %max3A_34 = arith.constant 0.000000e+00 : f32
    %max3A_35 = vector.broadcast %max3A_34 : f32 to vector<256x128xf32>
    %max3A_36 = arith.maximumf %add3A_33, %max3A_35 : vector<256x128xf32>
    %concatenate3A = tpu.concatenate %max3A_18, %max3A_36 in 1 : vector<256x128xf32>, vector<256x128xf32> -> vector<256x256xf32>
    %get3A_37 = arith.constant 0 : index
    %get3A_38 = arith.constant 0 : index
    %get3A_39 = vector.load %arg5[%get3A_37, %get3A_38] : memref<256x256xf32, #tpu.memory_space<vmem>>, vector<256x256xf32>
    %dot_general3A = arith.constant dense<0.000000e+00> : vector<256x256xf32>
    %dot_general3A_40 = tpu.matmul %concatenate3A, %get3A_39, %dot_general3A {dimension_numbers = #tpu.dot_dimension_numbers<[1], [0], [0], [1], [0, 0, 1, 1], [], []>, transpose_lhs_hint = false} : vector<256x256xf32>, vector<256x256xf32>, vector<256x256xf32> -> vector<256x256xf32>
    %slice3A_41 = vector.extract_strided_slice %dot_general3A_40 {offsets = [0, 0], sizes = [256, 128], strides = [1, 1]} : vector<256x256xf32> to vector<256x128xf32>
    %mul3A_42 = arith.mulf %get3A_1, %slice3A_41 : vector<256x128xf32>
    %swap3A = arith.constant 0 : index
    %swap3A_43 = arith.constant 0 : index
    %swap3A_44 = arith.constant 0 : index
    %swap3A_45 = vector.load %arg6[%swap3A, %swap3A_43, %swap3A_44] : memref<2x256x128xf32, #tpu.memory_space<vmem>>, vector<1x256x128xf32>
    %swap3A_46 = vector.shape_cast %swap3A_45 : vector<1x256x128xf32> to vector<256x128xf32>
    %swap3A_47 = vector.shape_cast %mul3A_42 : vector<256x128xf32> to vector<1x256x128xf32>
    tpu.vector_store %arg6[%swap3A, %swap3A_43, %swap3A_44], %swap3A_47 {strides = array<i32>} : memref<2x256x128xf32, #tpu.memory_space<vmem>>, vector<1x256x128xf32>,
    %slice3A_48 = vector.extract_strided_slice %dot_general3A_40 {offsets = [0, 128], sizes = [256, 128], strides = [1, 1]} : vector<256x256xf32> to vector<256x128xf32>
    %mul3A_49 = arith.mulf %get3A_1, %slice3A_48 : vector<256x128xf32>
    %swap3A_50 = arith.constant 1 : index
    %swap3A_51 = arith.constant 0 : index
    %swap3A_52 = arith.constant 0 : index
    %swap3A_53 = vector.load %arg6[%swap3A_50, %swap3A_51, %swap3A_52] : memref<2x256x128xf32, #tpu.memory_space<vmem>>, vector<1x256x128xf32>
    %swap3A_54 = vector.shape_cast %swap3A_53 : vector<1x256x128xf32> to vector<256x128xf32>
    %swap3A_55 = vector.shape_cast %mul3A_49 : vector<256x128xf32> to vector<1x256x128xf32>
    tpu.vector_store %arg6[%swap3A_50, %swap3A_51, %swap3A_52], %swap3A_55 {strides = array<i32>} : memref<2x256x128xf32, #tpu.memory_space<vmem>>, vector<1x256x128xf32>,
    return
  }
  func.func @transform_0(%arg0: i32) -> (i32, i32, i32) {
    %c0_i32 = arith.constant 0 : i32
    %c0_i32_0 = arith.constant 0 : i32
    %c0_i32_1 = arith.constant 0 : i32
    return %c0_i32, %arg0, %c0_i32_0 : i32, i32, i32
  }
  func.func @transform_1(%arg0: i32) -> (i32, i32, i32) {
    %c0_i32 = arith.constant 0 : i32
    %c0_i32_0 = arith.constant 0 : i32
    %c0_i32_1 = arith.constant 0 : i32
    return %c0_i32, %arg0, %c0_i32_0 : i32, i32, i32
  }
  func.func @transform_2(%arg0: i32) -> (i32, i32) {
    %c0_i32 = arith.constant 0 : i32
    %c0_i32_0 = arith.constant 0 : i32
    return %arg0, %c0_i32 : i32, i32
  }
  func.func @transform_3(%arg0: i32) -> (i32, i32) {
    %c0_i32 = arith.constant 0 : i32
    %c0_i32_0 = arith.constant 0 : i32
    %c0_i32_1 = arith.constant 0 : i32
    return %c0_i32, %c0_i32_0 : i32, i32
  }
  func.func @transform_4(%arg0: i32) -> (i32, i32) {
    %c0_i32 = arith.constant 0 : i32
    %c0_i32_0 = arith.constant 0 : i32
    %c0_i32_1 = arith.constant 0 : i32
    return %c0_i32, %c0_i32_0 : i32, i32
  }
  func.func @transform_5(%arg0: i32) -> (i32, i32, i32) {
    %c0_i32 = arith.constant 0 : i32
    %c0_i32_0 = arith.constant 0 : i32
    %c0_i32_1 = arith.constant 0 : i32
    return %c0_i32, %arg0, %c0_i32_0 : i32, i32, i32
  }
}

module attributes {stable_mosaic.version = 14 : i64} {
  func.func @_epilogue_body(%arg0: i32, %arg1: memref<2x256x128xf32, #tpu.memory_space<vmem>>, %arg2: memref<2x256x128xf32, #tpu.memory_space<vmem>>, %arg3: memref<256x128xf32, #tpu.memory_space<vmem>>, %arg4: memref<1x256xf32, #tpu.memory_space<vmem>>, %arg5: memref<256x256xf32, #tpu.memory_space<vmem>>) attributes {dimension_semantics = [#tpu.dimension_semantics<arbitrary>], iteration_bounds = array<i64: 40>, scalar_prefetch = 0 : i64, scratch_operands = 0 : i64, tpu.core_type = #tpu.core_type<tc>, window_params = [{transform_indices = @transform_0, window_bounds = array<i64: 2, 256, 128>}, {transform_indices = @transform_1, window_bounds = array<i64: 2, 256, 128>}, {transform_indices = @transform_2, window_bounds = array<i64: 256, 128>}, {pipeline_mode = #tpu.pipeline_mode<synchronous>, transform_indices = @transform_3, window_bounds = array<i64: 1, 256>}, {transform_indices = @transform_4, window_bounds = array<i64: 256, 256>}]} {
    %get3A = arith.constant 0 : index
    %get3A_0 = arith.constant 0 : index
    %get3A_1 = vector.load %arg3[%get3A, %get3A_0] : memref<256x128xf32, #tpu.memory_space<vmem>>, vector<256x128xf32>
    %get3A_2 = arith.constant 0 : index
    %get3A_3 = arith.constant 0 : index
    %get3A_4 = vector.load %arg4[%get3A_2, %get3A_3] : memref<1x256xf32, #tpu.memory_space<vmem>>, vector<1x256xf32>
    %get3A_5 = arith.constant 0 : index
    %get3A_6 = arith.constant 0 : index
    %get3A_7 = arith.constant 0 : index
    %get3A_8 = vector.load %arg1[%get3A_5, %get3A_6, %get3A_7] : memref<2x256x128xf32, #tpu.memory_space<vmem>>, vector<1x256x128xf32>
    %get3A_9 = vector.shape_cast %get3A_8 : vector<1x256x128xf32> to vector<256x128xf32>
    %get3A_10 = arith.constant 0 : index
    %get3A_11 = arith.constant 0 : index
    %get3A_12 = arith.constant 0 : index
    %get3A_13 = vector.load %arg2[%get3A_10, %get3A_11, %get3A_12] : memref<2x256x128xf32, #tpu.memory_space<vmem>>, vector<1x256x128xf32>
    %get3A_14 = vector.shape_cast %get3A_13 : vector<1x256x128xf32> to vector<256x128xf32>
    %add3A = arith.addf %get3A_9, %get3A_14 : vector<256x128xf32>
    %mul3A = arith.mulf %get3A_1, %add3A : vector<256x128xf32>
    %slice3A = vector.extract_strided_slice %get3A_4 {offsets = [0, 0], sizes = [1, 128], strides = [1, 1]} : vector<1x256xf32> to vector<1x128xf32>
    %add3A_15 = vector.broadcast %slice3A : vector<1x128xf32> to vector<256x128xf32>
    %add3A_16 = arith.addf %mul3A, %add3A_15 : vector<256x128xf32>
    %get3A_17 = arith.constant 1 : index
    %get3A_18 = arith.constant 0 : index
    %get3A_19 = arith.constant 0 : index
    %get3A_20 = vector.load %arg1[%get3A_17, %get3A_18, %get3A_19] : memref<2x256x128xf32, #tpu.memory_space<vmem>>, vector<1x256x128xf32>
    %get3A_21 = vector.shape_cast %get3A_20 : vector<1x256x128xf32> to vector<256x128xf32>
    %get3A_22 = arith.constant 1 : index
    %get3A_23 = arith.constant 0 : index
    %get3A_24 = arith.constant 0 : index
    %get3A_25 = vector.load %arg2[%get3A_22, %get3A_23, %get3A_24] : memref<2x256x128xf32, #tpu.memory_space<vmem>>, vector<1x256x128xf32>
    %get3A_26 = vector.shape_cast %get3A_25 : vector<1x256x128xf32> to vector<256x128xf32>
    %add3A_27 = arith.addf %get3A_21, %get3A_26 : vector<256x128xf32>
    %mul3A_28 = arith.mulf %get3A_1, %add3A_27 : vector<256x128xf32>
    %slice3A_29 = vector.extract_strided_slice %get3A_4 {offsets = [0, 128], sizes = [1, 128], strides = [1, 1]} : vector<1x256xf32> to vector<1x128xf32>
    %add3A_30 = vector.broadcast %slice3A_29 : vector<1x128xf32> to vector<256x128xf32>
    %add3A_31 = arith.addf %mul3A_28, %add3A_30 : vector<256x128xf32>
    %concatenate3A = tpu.concatenate %add3A_16, %add3A_31 in 1 : vector<256x128xf32>, vector<256x128xf32> -> vector<256x256xf32>
    %swap3A = arith.constant 0 : index
    %swap3A_32 = arith.constant 0 : index
    %swap3A_33 = vector.load %arg5[%swap3A, %swap3A_32] : memref<256x256xf32, #tpu.memory_space<vmem>>, vector<256x256xf32>
    tpu.vector_store %arg5[%swap3A, %swap3A_32], %concatenate3A {strides = array<i32>} : memref<256x256xf32, #tpu.memory_space<vmem>>, vector<256x256xf32>,
    return
  }
  func.func @transform_0(%arg0: i32) -> (i32, i32, i32) {
    %c0_i32 = arith.constant 0 : i32
    %c0_i32_0 = arith.constant 0 : i32
    %c0_i32_1 = arith.constant 0 : i32
    return %c0_i32, %arg0, %c0_i32_0 : i32, i32, i32
  }
  func.func @transform_1(%arg0: i32) -> (i32, i32, i32) {
    %c0_i32 = arith.constant 0 : i32
    %c0_i32_0 = arith.constant 0 : i32
    %c0_i32_1 = arith.constant 0 : i32
    return %c0_i32, %arg0, %c0_i32_0 : i32, i32, i32
  }
  func.func @transform_2(%arg0: i32) -> (i32, i32) {
    %c0_i32 = arith.constant 0 : i32
    %c0_i32_0 = arith.constant 0 : i32
    return %arg0, %c0_i32 : i32, i32
  }
  func.func @transform_3(%arg0: i32) -> (i32, i32) {
    %c0_i32 = arith.constant 0 : i32
    %c0_i32_0 = arith.constant 0 : i32
    %c0_i32_1 = arith.constant 0 : i32
    return %c0_i32, %c0_i32_0 : i32, i32
  }
  func.func @transform_4(%arg0: i32) -> (i32, i32) {
    %c0_i32 = arith.constant 0 : i32
    %c0_i32_0 = arith.constant 0 : i32
    return %arg0, %c0_i32 : i32, i32
  }
}

</mosaic_0001>

<sc_bundles>
// kernel: kernel.11.cloned.1.call-start
scs
__scs_entry_jumppad:
0x0: {  	(pc) =	sbr.rel $0x88, $3  }
0x1: {  	(tag) =	ssettag $0x0;
	lr =	simm.s32 $0x1  }
0x2: {  	[smem:$0x3F99] =	sst lr;
	_ =	strace $0xD0000000  }
0x3: {  	_ = 	snop  }
0x4: {  	_ = 	snop  }
0x5: {  	_ = 	snop  }
0x6: {  	_ = 	snop  }
0x7: {  	_ = 	snop  }
__scs_overlays_trampoline_lowered:
0x8: {  	[smem:$0x3FA8] =	sst s0  }
0x9: {  	[smem:$0x3FA9] =	sst s1  }
0xa: {  	[smem:$0x3FAA] =	sst s2  }
0xb: {  	[smem:$0x3FAB] =	sst s3  }
0xc: {  	[smem:$0x3FAC] =	sst s4  }
0xd: {  	[smem:$0x3FAD] =	sst s5  }
0xe: {  	[smem:$0x3FAE] =	sst s6  }
0xf: {  	[smem:$0x3FAF] =	sst s7  }
0x10: {  	[smem:$0x3FB0] =	sst s8  }
0x11: {  	[smem:$0x3FB1] =	sst s9;
	s0 =	simm.s32 @!p0 $0x0  }
0x12: {  	s1 =	sld [smem:$0x3F97];
	s0 =	simm.s32 @p0 $0x1  }
0x13: {  	[smem:$0x3FB2] =	sst s0;
	s0 =	simm.s32 @!p1 $0x0  }
0x14: {  	s2 =	sld [smem:$0x3F96];
	s0 =	simm.s32 @p1 $0x1  }
0x15: {  	[smem:$0x3FB3] =	sst s0;
	s0 =	simm.s32 @!p2 $0x0  }
0x16: {  	s3 =	sld [smem:$0x3FDB];
	s0 =	simm.s32 @p2 $0x1  }
0x17: {  	s4 =	simm.s32 $0x1BF5;
	[smem:$0x3FB5] =	sst s0  }
0x18: {  	s0 =	sld [smem:$0x3F98];
	_ =	swait.ge [sflag:s4], $0x0  }
0x19: {  	s7 =	sld [smem:$0x3F99]  }
0x1a: {  	s8 =	sadd.s32 $0xFFFFE003, lr  }
0x1b: {  	s9 =	sadd.s32 $0xFFFFFEF7, lr;
	s5 =	simm.s32 $0xFFFFFFFF;
	p2 =	slt.u32 s8, $0xFFFFF086  }
0x1c: {  	p1 =	slt.u32 s9, $0xF7A;
	s5 =	simm.s32 @!p2 $0x0  }
0x1d: {  	s5 =	simm.s32 @p1 $0x1;
	p0 =	seq.s32 s7, s2  }
0x1e: {  	s7 =	smul.u32 @!p0 $0xF7A, s2;
	p2 =	seq.s32 @!p0 s5, $0x0  }
0x1f: {  	s9 =	smul.u32 $0xF7A, s1;
	s8 =	simm.s32 @!p0 $0x1BF5;
	p2 =	por !p2, p0  }
0x20: {  	[sflag:s8] =	ssyncset.s32 @!p0 $0xFFFFF086;
	s6 =	sadd.s32 @!p0 s3, s7;
	s7 =	simm.s32 @!p0 $0x108  }
0x21: {  	s3 =	sadd.s32 s3, s9;
	s6 =	sadd.s32 @!p0 $0x88, s6;
	s7 =	simm.s32 @p2 $0x1082  }
0x22: {  	[simem:s7], [sflag:s8] =	dma.local @!p0 [hbm:s6], $0xF7A  }
0x23: {  	s9 =	sor.u32 $0xD0000000, s2;
	s6 =	simm.s32 $0x108;
	_ =	swait.ge @!p0 [sflag:s8], $0x0  }
0x24: {  	s3 =	sadd.s32 $0x88, s3;
	s6 =	simm.s32 @!p1 $0x1082;
	[sflag:s4] =	ssyncset.s32 $0xFFFFF086  }
0x25: {  	[simem:s6], [sflag:s4] =	dma.local [hbm:s3], $0xF7A  }
0x26: {  	[smem:$0x3F99] =	sst s1;
	(tag) =	ssettag s2;
	_ =	strace s9  }
0x27: {  	s1 =	sld [smem:$0x3FA9]  }
0x28: {  	s2 =	sld [smem:$0x3FAA]  }
0x29: {  	s4 =	sld [smem:$0x3FAC]  }
0x2a: {  	p0 =	seq.s32 s5, $0x0;
	s5 =	sld [smem:$0x3FAD]  }
0x2b: {  	s6 =	sld [smem:$0x3FAE]  }
0x2c: {  	s7 =	sld [smem:$0x3FAF]  }
0x2d: {  	s3 =	simm.s32 $0x108;
	s8 =	sld [smem:$0x3FB0]  }
0x2e: {  	s3 =	simm.s32 @!p0 $0x1082;
	s9 =	sld [smem:$0x3FB1]  }
0x2f: {  	lr =	sadd.s32 s0, s3;
	s0 =	sld [smem:$0x3FA8]  }
0x30: {  	s3 =	sld [smem:$0x3FAB]  }
0x31: {  	[smem:$0x3FB4] =	sst s10  }
0x32: {  	s10 =	sld [smem:$0x3FB2];
	_ =	sdelay $0x3  }
0x33: {  	p0 =	seq.s32 s10, $0x1;
	s10 =	sld [smem:$0x3FB4];
	_ =	sdelay $0x3  }
0x34: {  	[smem:$0x3FB4] =	sst s10  }
0x35: {  	s10 =	sld [smem:$0x3FB3];
	_ =	sdelay $0x3  }
0x36: {  	p1 =	seq.s32 s10, $0x1;
	s10 =	sld [smem:$0x3FB4];
	_ =	sdelay $0x3  }
0x37: {  	[smem:$0x3FB4] =	sst s10  }
0x38: {  	s10 =	sld [smem:$0x3FB5]  }
0x39: {  	_ = 	snop;
	(pc) =	sbr.ind lr, $3  }
0x3a: {  	_ = 	snop  }
0x3b: {  	_ = 	snop  }
0x3c: {  	p2 =	seq.s32 s10, $0x1;
	s10 =	sld [smem:$0x3FB4]  }
0x3d: {  	_ =	shalt  }
0x3e: {  	_ =	shalt  }
0x3f: {  	_ =	shalt  }
0x40: {  	_ =	shalt  }
0x41: {  	_ =	shalt  }
0x42: {  	_ =	shalt  }
0x43: {  	_ =	shalt  }
0x44: {  	_ =	shalt  }
0x45: {  	_ =	shalt  }
0x46: {  	_ =	shalt  }
0x47: {  	_ =	shalt  }
0x48: {  	_ =	shalt  }
0x49: {  	_ =	shalt  }
0x4a: {  	_ =	shalt  }
0x4b: {  	_ =	shalt  }
0x4c: {  	_ =	shalt  }
0x4d: {  	_ =	shalt  }
0x4e: {  	_ =	shalt  }
0x4f: {  	_ =	shalt  }
0x50: {  	_ =	shalt  }
0x51: {  	_ =	shalt  }
0x52: {  	_ =	shalt  }
0x53: {  	_ =	shalt  }
0x54: {  	_ =	shalt  }
0x55: {  	_ =	shalt  }
0x56: {  	_ =	shalt  }
0x57: {  	_ =	shalt  }
0x58: {  	_ =	shalt  }
0x59: {  	_ =	shalt  }
0x5a: {  	_ =	shalt  }
0x5b: {  	_ =	shalt  }
0x5c: {  	_ =	shalt  }
0x5d: {  	_ =	shalt  }
0x5e: {  	_ =	shalt  }
0x5f: {  	_ =	shalt  }
0x60: {  	_ =	shalt  }
0x61: {  	_ =	shalt  }
0x62: {  	_ =	shalt  }
0x63: {  	_ =	shalt  }
0x64: {  	_ =	shalt  }
0x65: {  	_ =	shalt  }
0x66: {  	_ =	shalt  }
0x67: {  	_ =	shalt  }
0x68: {  	_ =	shalt  }
0x69: {  	_ =	shalt  }
0x6a: {  	_ =	shalt  }
0x6b: {  	_ =	shalt  }
0x6c: {  	_ =	shalt  }
0x6d: {  	_ =	shalt  }
0x6e: {  	_ =	shalt  }
0x6f: {  	_ =	shalt  }
0x70: {  	_ =	shalt  }
0x71: {  	_ =	shalt  }
0x72: {  	_ =	shalt  }
0x73: {  	_ =	shalt  }
0x74: {  	_ =	shalt  }
0x75: {  	_ =	shalt  }
0x76: {  	_ =	shalt  }
0x77: {  	_ =	shalt  }
0x78: {  	_ =	shalt  }
0x79: {  	_ =	shalt  }
0x7a: {  	_ =	shalt  }
0x7b: {  	_ =	shalt  }
0x7c: {  	_ =	shalt  }
0x7d: {  	_ =	shalt  }
0x7e: {  	_ =	shalt  }
0x7f: {  	_ =	shalt  }
0x80: {  	_ =	shalt  }
0x81: {  	_ =	shalt  }
0x82: {  	_ =	shalt  }
0x83: {  	_ =	shalt  }
0x84: {  	_ =	shalt  }
0x85: {  	_ =	shalt  }
0x86: {  	_ =	shalt  }
0x87: {  	_ =	shalt  }
.Lfunc_end0:
.L_simem_size_0:
called_computation_lowered:
.L_overlay_start_0:
0x88: {  	s2 =	sld [smem:$0x3FD9]  }
0x89: {  	s3 =	sld [smem:$0x3FFE];
	_ =	sdelay $0x1  }
0x8a: {  	s1 =	srdreg.scid  }
0x8b: {  	s0 =	sand.u32 $0x1, s1  }
0x8c: {  	s17 =	sshll.u32 s0, $0xA;
	s2 =	sadd.s32 s3, s2  }
0x8d: {  	s2 =	sadd.s32 s2, s17  }
0x8e: {  	[smem:$0x3FC0] =	sst s2  }
0x8f: {  	_ = 	snop  }
0x90: {  	s2 =	sld [smem:$0x3FD0];
	(tm) =	ssettm $0x1  }
0x91: {  	s18 =	sld [smem:$0x3FFB];
	_ =	sdelay $0x3  }
0x92: {  	_ =	strace s18  }
0x93: {  	s3 =	sld [smem:$0x3FFC];
	_ =	sdelay $0x3  }
0x94: {  	_ =	strace s3  }
0x95: {  	s3 =	sld [smem:$0x3FFD];
	_ =	sdelay $0x3  }
0x96: {  	_ =	strace s3  }
0x97: {  	_ =	strace $0x8FFFFFFF  }
0x98: {  	s19 =	sld [smem:$0x3FDB];
	_ =	sdelay $0x1  }
0x99: {  	s4 =	simm.s32 $_scs_section_size  }
0x9a: {  	s5 =	simm.s32 $_size__tile_overlayer_lowered;
	s6 =	simm.s32 $_tile_overlayer_lowered  }
0x9b: {  	s22 =	simm.s32 $0x1BFF;
	s21 =	sshll.u32 s6, $0x1;
	s3 =	sadd.s32 s4, s19  }
0x9c: {  	s7 =	simm.s32 $0x0;
	s20 =	sshll.u32 s5, $0x1;
	s5 =	sadd.s32 s21, s3  }
0x9d: {  	[timem:s7], [sflag:s22] =	dma.local [hbm:s5], s20  }
0x9e: {  	_ =	swait.ge [sflag:s22], s20  }
0x9f: {  	s4 =	ssub.s32 $0x0, s20;
	[sflag:s22] =	ssyncset.done $0x0  }
0xa0: {  	[sflag:s22] =	ssyncadd.s32 s4;
	_ =	sdelay $0x1  }
0xa1: {  	s23 =	simm.s32 $0x1B8B  }
0xa2: {  	_ =	swait.ge [sflag:s23], $0x1  }
0xa3: {  	[sflag:s23] =	ssyncset.done $0x0  }
0xa4: {  	s25 =	simm.s32 $0x1B8E;
	s24 =	sld [smem:$0x3FFE];
	[sflag:s23] =	ssyncadd.s32 $0xFFFFFFFF  }
0xa5: {  	s26 =	simm.s32 $execute0_lowered;
	[smem:$0x3FD2] =	sst s25  }
0xa6: {  	s5 =	sshll.u32 s26, $0x1;
	_ =	strace $0x80000046;
	[dreg:$0x1] =	wrdreg $0xFFFFFFFF  }
0xa7: {  	s28 =	simm.s32 $_size_execute0_lowered;
	s3 =	sadd.s32 s3, s5;
	[dreg:$0x0] =	wrdreg $0x0  }
0xa8: {  	s5 =	sshll.u32 s28, $0x1;
	[dreg:$0x2] =	wrdreg s3  }
0xa9: {  	[dreg:$0x3] =	wrdreg s5  }
0xaa: {  	[dreg:$0x4] =	wrdreg $0xC0  }
0xab: {  	_ =	task [dreg:s7], $0x5FFFF  }
0xac: {  	[dreg:$0x1] =	wrdreg $0xFFFFFFFF  }
0xad: {  	[dreg:$0x0] =	wrdreg $0x60  }
0xae: {  	[dreg:$0x2] =	wrdreg s24  }
0xaf: {  	[dreg:$0x3] =	wrdreg s2  }
0xb0: {  	[dreg:$0x4] =	wrdreg $0x1000  }
0xb1: {  	[dreg:$0x5] =	wrdreg $0x9  }
0xb2: {  	_ =	task.clear_ibuf [dreg:s7], $0x6FFFF;
	_ =	strace $0x90000046  }
0xb3: {  	s29 =	simm.s32 $0x9;
	_ =	strace $0x80000048  }
0xb4: {  	_ =	swait.ge [sflag:s29], $0x1  }
0xb5: {  	[sflag:s29] =	ssyncadd.s32 $0xFFFFFFFF  }
0xb6: {  	_ =	strace $0x90000048  }
0xb7: {  	_ =	sfence  }
0xb8: {  	s30 =	sld [smem:$0x0];
	_ =	sdelay $0x2  }
0xb9: {  	s31 =	sshll.u32 s1, $0xD;
	s1 =	sshrl.u32 s1, $0x2  }
0xba: {  	s3 =	sand.u32 $0x4000, s31;
	s1 =	sadd.s32 s1, s30  }
0xbb: {  	s0 =	sor.u32 s3, s0;
	s1 =	sshll.u32 s1, $0x11  }
0xbc: {  	s0 =	sor.u32 s1, s0  }
0xbd: {  	s0 =	sadd.s32 $0x8F2B, s0  }
0xbe: {  	[sflag:s0] =	ssyncadd.remote.s32 $0x1  }
0xbf: {  	_ =	sfence.sel $0xFFFF  }
0xc0: {  	[dreg:$0x0] =	wrdreg $0xFFFFFFFF;
	(pc) =	sbr.abs _section_cstart, $3  }
0xc1: {  	[dreg:$0x1] =	wrdreg $0xFFFFFFFF  }
0xc2: {  	_ =	task.clear_ibuf [dreg:s7], $0x2FFFF;
	_ =	strace $0x9FFFFFFF  }
0xc3: {  	(tm) =	ssettm $0x7FFFFFFF  }
tec
execute0_lowered:
.L_overlay_start_1:
0x0: {  	(tag) =	ssettag $0x1  }
0x1: {  	s5 =	rddreg [dreg:$0x0]  }
0x2: {  	s8 =	rddreg [dreg:$0x1]  }
0x3: {  	s2 =	rddreg [dreg:$0x2]  }
0x4: {  	s0 =	rddreg [dreg:$0x3];
	s3 =	simm.s32 $0x0;
	s1 =	stileid.u32  }
0x5: {  	s4 =	srdreg.scid;
	s13 =	simm.s32 $0x0;
	[smem:$0x7FF] =	sst s3  }
0x6: {  	s6 =	smul.u32 $0x280, s1;
	s4 =	sand.u32 $0x1, s4;
	s30 =	sshll.u32 s1, $0x6  }
0x7: {  	_ =	strace $0x80000047;
	s7 =	ssub.s32 $0x2, s4;
	s11 =	smul.u32 $0x2800, s4  }
0x8: {  	s4 =	sadd.s32 $0x1E00, s5;
	s9 =	sshrl.u32 s6, $0x3;
	s10 =	sshrl.u32 s7, $0x1  }
0x9: {  	s12 =	sadd.s32 s6, s2;
	s9 =	sadd.s32 s9, s5;
	s10 =	ssub.s32 s7, s10  }
0xa: {  	s5 =	sadd.s32 s6, s11;
	s7 =	sor.u32 $0x1C01, s30;
	s11 =	simm.s32 $0x1  }
0xb: {  	s6 =	sadd.s32 $0x6E00, s9;
	s31 =	sshrl.u32 s5, $0x3;
	s9 =	smax.u32 s10, $0x1  }
0xc: {  	v0 =	vimm.f32 $1.000000000e+00;
	s10 =	sshrl.u32 s12, $0x3;
	s12 =	simm.s32 $0x80;
	s8 =	sadd.s32 s8, s31  }
.LBB2_1:
0xd: {  	[spmem:s10], [sflag:s7] =	dma.local [hbm:s6], $0x50  }
0xe: {  	_ =	swait.ge [sflag:s11], $0x50  }
0xf: {  	[sflag:s11] =	ssyncset.done $0x0  }
0x10: {  	[sflag:s11] =	ssyncadd.s32 $0xFFFFFFB0  }
0x11: {  	[tilespmem:$0x80] =	vst v0  }
0x12: {  	[tilespmem:$0x90] =	vst v0  }
0x13: {  	[tilespmem:$0xA0] =	vst v0  }
0x14: {  	[tilespmem:$0xB0] =	vst v0  }
0x15: {  	[tilespmem:$0xC0] =	vst v0  }
0x16: {  	[tilespmem:$0xD0] =	vst v0  }
0x17: {  	s14 =	sadd.s32 $0x0, s5;
	s15 =	sand.u32 $0x70, s3;
	[tilespmem:$0xE0] =	vst v0  }
0x18: {  	s14 =	sand.u32 $0xFFFFF80, s14;
	s15 =	sadd.s32 s4, s15;
	[tilespmem:$0xF0] =	vst v0  }
0x19: {  	s14 =	sadd.s32 s14, s15;
	[bflag:$0x0] =	sbarrier.arrive $0xFFFF  }
0x1a: {  	[tilespmem:s3], [sflag:$0x1] =	stream.linear.gather [hbm4b:s14+s3], $0x80, $0x38;
	[tilespmem:$0x380] =	vst v63  }
0x1b: {  	_ =	swait.ge [sflag:s11], $0x80  }
0x1c: {  	[sflag:s11] =	ssyncset.done $0x0  }
0x1d: {  	s31 =	simm.s32 $0x10;
	s16 =	sadd.s32 $0x10, s5;
	[sflag:s11] =	ssyncadd.s32 $0xFFFFFF80  }
0x1e: {  	[spmem:s2] =	stream.indirect.scatter.add.f32 [tilespmem:s12], [sflag:$0x1], $0x1, s3, s12, $0xb8;
	[tilespmem:$0x380] =	vst v63  }
0x1f: {  	s17 =	sand.u32 $0x70, s31;
	s15 =	sand.u32 $0xFFFFF80, s16;
	_ =	swait.ge [sflag:s11], $0x80  }
0x20: {  	s16 =	sadd.s32 s4, s17;
	s14 =	simm.s32 $0x20;
	[sflag:s11] =	ssyncset.done $0x0  }
.LBB2_2:
0x21: {  	s15 =	sadd.s32 s15, s16  }
0x22: {  	[sflag:s11] =	ssyncadd.s32 $0xFFFFFF80;
	s16 =	smov.u32 s14;
	s17 =	sadd.s32 $0x10, s14  }
0x23: {  	[tilespmem:s3], [sflag:$0x1] =	stream.linear.gather [hbm4b:s15+s3], $0x80, $0x38;
	[tilespmem:$0x380] =	vst v63  }
0x24: {  	p0 =	sne.s32 s14, $0x270;
	_ =	swait.ge [sflag:s11], $0x80  }
.Ltmp0:
0x25: {  	[sflag:s11] =	ssyncset.done $0x0;
	(pc) =	sbr.rel @p0 .LBB2_2-.Ltmp0, $4  }
0x26: {  	s14 =	sadd.s32 s16, s5;
	[sflag:s11] =	ssyncadd.s32 $0xFFFFFF80  }
0x27: {  	[spmem:s2] =	stream.indirect.scatter.add.f32 [tilespmem:s12], [sflag:$0x1], $0x1, s3, s12, $0xb8;
	[tilespmem:$0x380] =	vst v63  }
0x28: {  	s16 =	sand.u32 $0x70, s16;
	s15 =	sand.u32 $0xFFFFF80, s14;
	_ =	swait.ge [sflag:s11], $0x80  }
0x29: {  	s16 =	sadd.s32 s4, s16;
	s14 =	smov.u32 s17;
	[sflag:s11] =	ssyncset.done $0x0  }
0x2a: {  	s14 =	sadd.s32 s15, s16;
	[sflag:s11] =	ssyncadd.s32 $0xFFFFFF80  }
0x2b: {  	[tilespmem:s3], [sflag:$0x1] =	stream.linear.gather [hbm4b:s14+s3], $0x80, $0x38;
	[tilespmem:$0x380] =	vst v63  }
0x2c: {  	_ =	swait.ge [sflag:s11], $0x80  }
0x2d: {  	[sflag:s11] =	ssyncset.done $0x0  }
0x2e: {  	[sflag:s11] =	ssyncadd.s32 $0xFFFFFF80  }
0x2f: {  	[spmem:s2] =	stream.indirect.scatter.add.f32 [tilespmem:s12], [sflag:$0x1], $0x1, s3, s12, $0xb8;
	[tilespmem:$0x380] =	vst v63  }
0x30: {  	_ =	swait.ge [sflag:s11], $0x80  }
0x31: {  	s13 =	sadd.s32 $0x1, s13;
	[sflag:s11] =	ssyncset.done $0x0  }
0x32: {  	p0 =	sne.s32 s13, s9;
	[sflag:s11] =	ssyncadd.s32 $0xFFFFFF80  }
.Ltmp1:
0x33: {  	[bflag:$0x0] =	sbarrier.arrive $0xFFFF;
	(pc) =	sbr.rel @p0 .LBB2_1-.Ltmp1, $4  }
0x34: {  	[hbm:s8], [sflag:s7] =	dma.local [spmem:s10], $0x50  }
0x35: {  	_ =	swait.ge [sflag:s11], $0x50  }
0x36: {  	[sflag:s11] =	ssyncset.done $0x0  }
0x37: {  	[sflag:s11] =	ssyncadd.s32 $0xFFFFFFB0  }
0x38: {  	_ =	sfence.sel $0x180000  }
0x39: {  	[bflag:$0x0] =	sbarrier.arrive $0xFFFF  }
0x3a: {  	p0 =	sne.s32 s1, $0x0;
	_ =	strace $0x90000047  }
0x3b: {  	s0 =	sadd.s32 @!p0 $0x100000, s0;
	[bflag:$0x2] =	sbarrier.arrive $0xFFFF  }
0x3c: {  	[sflag:s0] =	ssyncadd.tile.s32 @!p0 $0x1;
	_ =	shalt  }
.Lfunc_end2:
_tile_overlayer_lowered:
.L_overlay_start_2:
0x3d: {  	(tag) =	ssettag $0x2  }
0x3e: {  	s0 =	rddreg [dreg:$0x0];
	s2 =	stileid.u32  }
0x3f: {  	s1 =	rddreg [dreg:$0x1];
	p0 =	sne.s32 s2, $0x0  }
0x40: {  	s3 =	rddreg [dreg:$0x2];
	[bflag:$0x3] =	sbarrier.arrive $0xFFFF;
	s2 =	simm.s32 @!p0 $0x1C01  }
0x41: {  	[timem:s3], [sflag:s2] =	dma.local @!p0 [hbm:s0], s1  }
0x42: {  	s0 =	simm.s32 @!p0 $0x1  }
0x43: {  	_ =	swait.ge @!p0 [sflag:s0], s1  }
0x44: {  	s1 =	ssub.s32 @!p0 $0x0, s1;
	[sflag:s0] =	ssyncset.done @!p0 $0x0  }
0x45: {  	[sflag:s0] =	ssyncadd.s32 @!p0 s1  }
0x46: {  	[bflag:$0x3] =	sbarrier.arrive $0xFFFF  }
0x47: {  	_ =	shalt  }

// kernel: kernel.14.cloned.1.call-start
scs
__scs_entry_jumppad:
0x0: {  	(pc) =	sbr.rel $0x88, $3  }
0x1: {  	(tag) =	ssettag $0x0;
	lr =	simm.s32 $0x1  }
0x2: {  	[smem:$0x3F99] =	sst lr;
	_ =	strace $0xD0000000  }
0x3: {  	_ = 	snop  }
0x4: {  	_ = 	snop  }
0x5: {  	_ = 	snop  }
0x6: {  	_ = 	snop  }
0x7: {  	_ = 	snop  }
__scs_overlays_trampoline_lowered:
0x8: {  	[smem:$0x3FA8] =	sst s0  }
0x9: {  	[smem:$0x3FA9] =	sst s1  }
0xa: {  	[smem:$0x3FAA] =	sst s2  }
0xb: {  	[smem:$0x3FAB] =	sst s3  }
0xc: {  	[smem:$0x3FAC] =	sst s4  }
0xd: {  	[smem:$0x3FAD] =	sst s5  }
0xe: {  	[smem:$0x3FAE] =	sst s6  }
0xf: {  	[smem:$0x3FAF] =	sst s7  }
0x10: {  	[smem:$0x3FB0] =	sst s8  }
0x11: {  	[smem:$0x3FB1] =	sst s9;
	s0 =	simm.s32 @!p0 $0x0  }
0x12: {  	s1 =	sld [smem:$0x3F97];
	s0 =	simm.s32 @p0 $0x1  }
0x13: {  	[smem:$0x3FB2] =	sst s0;
	s0 =	simm.s32 @!p1 $0x0  }
0x14: {  	s2 =	sld [smem:$0x3F96];
	s0 =	simm.s32 @p1 $0x1  }
0x15: {  	[smem:$0x3FB3] =	sst s0;
	s0 =	simm.s32 @!p2 $0x0  }
0x16: {  	s3 =	sld [smem:$0x3FDB];
	s0 =	simm.s32 @p2 $0x1  }
0x17: {  	s4 =	simm.s32 $0x1BF5;
	[smem:$0x3FB5] =	sst s0  }
0x18: {  	s0 =	sld [smem:$0x3F98];
	_ =	swait.ge [sflag:s4], $0x0  }
0x19: {  	s7 =	sld [smem:$0x3F99]  }
0x1a: {  	s8 =	sadd.s32 $0xFFFFE003, lr  }
0x1b: {  	s9 =	sadd.s32 $0xFFFFFEF7, lr;
	s5 =	simm.s32 $0xFFFFFFFF;
	p2 =	slt.u32 s8, $0xFFFFF086  }
0x1c: {  	p1 =	slt.u32 s9, $0xF7A;
	s5 =	simm.s32 @!p2 $0x0  }
0x1d: {  	s5 =	simm.s32 @p1 $0x1;
	p0 =	seq.s32 s7, s2  }
0x1e: {  	s7 =	smul.u32 @!p0 $0xF7A, s2;
	p2 =	seq.s32 @!p0 s5, $0x0  }
0x1f: {  	s9 =	smul.u32 $0xF7A, s1;
	s8 =	simm.s32 @!p0 $0x1BF5;
	p2 =	por !p2, p0  }
0x20: {  	[sflag:s8] =	ssyncset.s32 @!p0 $0xFFFFF086;
	s6 =	sadd.s32 @!p0 s3, s7;
	s7 =	simm.s32 @!p0 $0x108  }
0x21: {  	s3 =	sadd.s32 s3, s9;
	s6 =	sadd.s32 @!p0 $0x88, s6;
	s7 =	simm.s32 @p2 $0x1082  }
0x22: {  	[simem:s7], [sflag:s8] =	dma.local @!p0 [hbm:s6], $0xF7A  }
0x23: {  	s9 =	sor.u32 $0xD0000000, s2;
	s6 =	simm.s32 $0x108;
	_ =	swait.ge @!p0 [sflag:s8], $0x0  }
0x24: {  	s3 =	sadd.s32 $0x88, s3;
	s6 =	simm.s32 @!p1 $0x1082;
	[sflag:s4] =	ssyncset.s32 $0xFFFFF086  }
0x25: {  	[simem:s6], [sflag:s4] =	dma.local [hbm:s3], $0xF7A  }
0x26: {  	[smem:$0x3F99] =	sst s1;
	(tag) =	ssettag s2;
	_ =	strace s9  }
0x27: {  	s1 =	sld [smem:$0x3FA9]  }
0x28: {  	s2 =	sld [smem:$0x3FAA]  }
0x29: {  	s4 =	sld [smem:$0x3FAC]  }
0x2a: {  	p0 =	seq.s32 s5, $0x0;
	s5 =	sld [smem:$0x3FAD]  }
0x2b: {  	s6 =	sld [smem:$0x3FAE]  }
0x2c: {  	s7 =	sld [smem:$0x3FAF]  }
0x2d: {  	s3 =	simm.s32 $0x108;
	s8 =	sld [smem:$0x3FB0]  }
0x2e: {  	s3 =	simm.s32 @!p0 $0x1082;
	s9 =	sld [smem:$0x3FB1]  }
0x2f: {  	lr =	sadd.s32 s0, s3;
	s0 =	sld [smem:$0x3FA8]  }
0x30: {  	s3 =	sld [smem:$0x3FAB]  }
0x31: {  	[smem:$0x3FB4] =	sst s10  }
0x32: {  	s10 =	sld [smem:$0x3FB2];
	_ =	sdelay $0x3  }
0x33: {  	p0 =	seq.s32 s10, $0x1;
	s10 =	sld [smem:$0x3FB4];
	_ =	sdelay $0x3  }
0x34: {  	[smem:$0x3FB4] =	sst s10  }
0x35: {  	s10 =	sld [smem:$0x3FB3];
	_ =	sdelay $0x3  }
0x36: {  	p1 =	seq.s32 s10, $0x1;
	s10 =	sld [smem:$0x3FB4];
	_ =	sdelay $0x3  }
0x37: {  	[smem:$0x3FB4] =	sst s10  }
0x38: {  	s10 =	sld [smem:$0x3FB5]  }
0x39: {  	_ = 	snop;
	(pc) =	sbr.ind lr, $3  }
0x3a: {  	_ = 	snop  }
0x3b: {  	_ = 	snop  }
0x3c: {  	p2 =	seq.s32 s10, $0x1;
	s10 =	sld [smem:$0x3FB4]  }
0x3d: {  	_ =	shalt  }
0x3e: {  	_ =	shalt  }
0x3f: {  	_ =	shalt  }
0x40: {  	_ =	shalt  }
0x41: {  	_ =	shalt  }
0x42: {  	_ =	shalt  }
0x43: {  	_ =	shalt  }
0x44: {  	_ =	shalt  }
0x45: {  	_ =	shalt  }
0x46: {  	_ =	shalt  }
0x47: {  	_ =	shalt  }
0x48: {  	_ =	shalt  }
0x49: {  	_ =	shalt  }
0x4a: {  	_ =	shalt  }
0x4b: {  	_ =	shalt  }
0x4c: {  	_ =	shalt  }
0x4d: {  	_ =	shalt  }
0x4e: {  	_ =	shalt  }
0x4f: {  	_ =	shalt  }
0x50: {  	_ =	shalt  }
0x51: {  	_ =	shalt  }
0x52: {  	_ =	shalt  }
0x53: {  	_ =	shalt  }
0x54: {  	_ =	shalt  }
0x55: {  	_ =	shalt  }
0x56: {  	_ =	shalt  }
0x57: {  	_ =	shalt  }
0x58: {  	_ =	shalt  }
0x59: {  	_ =	shalt  }
0x5a: {  	_ =	shalt  }
0x5b: {  	_ =	shalt  }
0x5c: {  	_ =	shalt  }
0x5d: {  	_ =	shalt  }
0x5e: {  	_ =	shalt  }
0x5f: {  	_ =	shalt  }
0x60: {  	_ =	shalt  }
0x61: {  	_ =	shalt  }
0x62: {  	_ =	shalt  }
0x63: {  	_ =	shalt  }
0x64: {  	_ =	shalt  }
0x65: {  	_ =	shalt  }
0x66: {  	_ =	shalt  }
0x67: {  	_ =	shalt  }
0x68: {  	_ =	shalt  }
0x69: {  	_ =	shalt  }
0x6a: {  	_ =	shalt  }
0x6b: {  	_ =	shalt  }
0x6c: {  	_ =	shalt  }
0x6d: {  	_ =	shalt  }
0x6e: {  	_ =	shalt  }
0x6f: {  	_ =	shalt  }
0x70: {  	_ =	shalt  }
0x71: {  	_ =	shalt  }
0x72: {  	_ =	shalt  }
0x73: {  	_ =	shalt  }
0x74: {  	_ =	shalt  }
0x75: {  	_ =	shalt  }
0x76: {  	_ =	shalt  }
0x77: {  	_ =	shalt  }
0x78: {  	_ =	shalt  }
0x79: {  	_ =	shalt  }
0x7a: {  	_ =	shalt  }
0x7b: {  	_ =	shalt  }
0x7c: {  	_ =	shalt  }
0x7d: {  	_ =	shalt  }
0x7e: {  	_ =	shalt  }
0x7f: {  	_ =	shalt  }
0x80: {  	_ =	shalt  }
0x81: {  	_ =	shalt  }
0x82: {  	_ =	shalt  }
0x83: {  	_ =	shalt  }
0x84: {  	_ =	shalt  }
0x85: {  	_ =	shalt  }
0x86: {  	_ =	shalt  }
0x87: {  	_ =	shalt  }
.Lfunc_end0:
.L_simem_size_0:
called_computation.1_lowered:
.L_overlay_start_0:
0x88: {  	s2 =	sld [smem:$0x3FD9]  }
0x89: {  	s3 =	sld [smem:$0x3FFE];
	_ =	sdelay $0x1  }
0x8a: {  	s1 =	srdreg.scid  }
0x8b: {  	s0 =	sand.u32 $0x1, s1  }
0x8c: {  	s17 =	sshll.u32 s0, $0xA;
	s2 =	sadd.s32 s3, s2  }
0x8d: {  	s2 =	sadd.s32 s2, s17  }
0x8e: {  	[smem:$0x3FC0] =	sst s2  }
0x8f: {  	_ = 	snop  }
0x90: {  	s2 =	sld [smem:$0x3FD0];
	(tm) =	ssettm $0x1  }
0x91: {  	s18 =	sld [smem:$0x3FFB];
	_ =	sdelay $0x3  }
0x92: {  	_ =	strace s18  }
0x93: {  	s3 =	sld [smem:$0x3FFC];
	_ =	sdelay $0x3  }
0x94: {  	_ =	strace s3  }
0x95: {  	s3 =	sld [smem:$0x3FFD];
	_ =	sdelay $0x3  }
0x96: {  	_ =	strace s3  }
0x97: {  	_ =	strace $0x8FFFFFFF  }
0x98: {  	s19 =	sld [smem:$0x3FDB];
	_ =	sdelay $0x1  }
0x99: {  	s4 =	simm.s32 $_scs_section_size  }
0x9a: {  	s5 =	simm.s32 $_size__tile_overlayer_lowered;
	s6 =	simm.s32 $_tile_overlayer_lowered  }
0x9b: {  	s22 =	simm.s32 $0x1BFF;
	s21 =	sshll.u32 s6, $0x1;
	s3 =	sadd.s32 s4, s19  }
0x9c: {  	s7 =	simm.s32 $0x0;
	s20 =	sshll.u32 s5, $0x1;
	s5 =	sadd.s32 s21, s3  }
0x9d: {  	[timem:s7], [sflag:s22] =	dma.local [hbm:s5], s20  }
0x9e: {  	_ =	swait.ge [sflag:s22], s20  }
0x9f: {  	s4 =	ssub.s32 $0x0, s20;
	[sflag:s22] =	ssyncset.done $0x0  }
0xa0: {  	[sflag:s22] =	ssyncadd.s32 s4;
	_ =	sdelay $0x1  }
0xa1: {  	s23 =	simm.s32 $0x1B8B  }
0xa2: {  	_ =	swait.ge [sflag:s23], $0x1  }
0xa3: {  	[sflag:s23] =	ssyncset.done $0x0  }
0xa4: {  	s25 =	simm.s32 $0x1B8E;
	s24 =	sld [smem:$0x3FFE];
	[sflag:s23] =	ssyncadd.s32 $0xFFFFFFFF  }
0xa5: {  	s26 =	simm.s32 $execute0_lowered;
	[smem:$0x3FD2] =	sst s25  }
0xa6: {  	s5 =	sshll.u32 s26, $0x1;
	_ =	strace $0x80000049;
	[dreg:$0x1] =	wrdreg $0xFFFFFFFF  }
0xa7: {  	s28 =	simm.s32 $_size_execute0_lowered;
	s3 =	sadd.s32 s3, s5;
	[dreg:$0x0] =	wrdreg $0x0  }
0xa8: {  	s5 =	sshll.u32 s28, $0x1;
	[dreg:$0x2] =	wrdreg s3  }
0xa9: {  	[dreg:$0x3] =	wrdreg s5  }
0xaa: {  	[dreg:$0x4] =	wrdreg $0xC0  }
0xab: {  	_ =	task [dreg:s7], $0x5FFFF  }
0xac: {  	[dreg:$0x1] =	wrdreg $0xFFFFFFFF  }
0xad: {  	[dreg:$0x0] =	wrdreg $0x60  }
0xae: {  	[dreg:$0x2] =	wrdreg s24  }
0xaf: {  	[dreg:$0x3] =	wrdreg s2  }
0xb0: {  	[dreg:$0x4] =	wrdreg $0x90000  }
0xb1: {  	[dreg:$0x5] =	wrdreg $0x9  }
0xb2: {  	_ =	task.clear_ibuf [dreg:s7], $0x6FFFF;
	_ =	strace $0x90000049  }
0xb3: {  	s29 =	simm.s32 $0x9;
	_ =	strace $0x8000004B  }
0xb4: {  	_ =	swait.ge [sflag:s29], $0x1  }
0xb5: {  	[sflag:s29] =	ssyncadd.s32 $0xFFFFFFFF  }
0xb6: {  	_ =	strace $0x9000004B  }
0xb7: {  	_ =	sfence  }
0xb8: {  	s30 =	sld [smem:$0x0];
	_ =	sdelay $0x2  }
0xb9: {  	s31 =	sshll.u32 s1, $0xD;
	s1 =	sshrl.u32 s1, $0x2  }
0xba: {  	s3 =	sand.u32 $0x4000, s31;
	s1 =	sadd.s32 s1, s30  }
0xbb: {  	s0 =	sor.u32 s3, s0;
	s1 =	sshll.u32 s1, $0x11  }
0xbc: {  	s0 =	sor.u32 s1, s0  }
0xbd: {  	s0 =	sadd.s32 $0x8F2B, s0  }
0xbe: {  	[sflag:s0] =	ssyncadd.remote.s32 $0x1  }
0xbf: {  	_ =	sfence.sel $0xFFFF  }
0xc0: {  	[dreg:$0x0] =	wrdreg $0xFFFFFFFF;
	(pc) =	sbr.abs _section_cstart, $3  }
0xc1: {  	[dreg:$0x1] =	wrdreg $0xFFFFFFFF  }
0xc2: {  	_ =	task.clear_ibuf [dreg:s7], $0x2FFFF;
	_ =	strace $0x9FFFFFFF  }
0xc3: {  	(tm) =	ssettm $0x7FFFFFFF  }
tec
execute0_lowered:
.L_overlay_start_1:
0x0: {  	(tag) =	ssettag $0x1  }
0x1: {  	s5 =	rddreg [dreg:$0x0]  }
0x2: {  	s7 =	rddreg [dreg:$0x1]  }
0x3: {  	s2 =	rddreg [dreg:$0x2]  }
0x4: {  	s0 =	rddreg [dreg:$0x3];
	s1 =	stileid.u32  }
0x5: {  	s3 =	simm.s32 $0x0;
	s4 =	srdreg.scid;
	s11 =	smul.u32 $0x500, s1  }
0x6: {  	s18 =	simm.s32 $0x5000;
	s19 =	simm.s32 $0x1;
	s8 =	smul.u32 $0x2800, s1  }
0x7: {  	s20 =	simm.s32 $0x2;
	s21 =	simm.s32 $0x0;
	s12 =	smul.u32 $0x50, s1  }
0x8: {  	[smem:$0x7FF] =	sst s3;
	s6 =	sand.u32 $0x1, s4;
	s17 =	smul.u32 $0x50000, s1  }
0x9: {  	s4 =	sadd.s32 $0x6E00, s5;
	s10 =	sadd.s32 $0x57400, s5;
	s9 =	smul.u32 $0x28000, s6  }
0xa: {  	s31 =	sshll.u32 s1, $0x6;
	_ =	strace $0x8000004A;
	s15 =	smul.u32 $0x500, s6  }
0xb: {  	s14 =	ssub.s32 $0x2, s6;
	s28 =	smul.u32 $0x5000, s6;
	s13 =	sadd.s32 s11, s5  }
0xc: {  	s16 =	sshrl.u32 s14, $0x1;
	s26 =	sshrl.u32 s17, $0x2;
	s7 =	sadd.s32 s7, s8  }
0xd: {  	s17 =	simm.s32 $0x1000;
	s9 =	sadd.s32 s8, s9;
	s14 =	ssub.s32 s14, s16  }
0xe: {  	s25 =	sadd.s32 s12, s15;
	s6 =	sadd.s32 $0x1E00, s13;
	s29 =	sadd.s32 s26, s2  }
.Ltmp0:
0xf: {  	s30 =	sadd.s32 s28, s10;
	s12 =	simm.s32 $0x3;
	(pc) =	sbr.rel .LBB2_1-.Ltmp0, $4  }
0x10: {  	s16 =	simm.s32 $0x80;
	s9 =	sadd.s32 s9, s5;
	s5 =	sshll.u32 s25, $0x4  }
0x11: {  	s11 =	sadd.s32 s11, s30;
	s15 =	sshrl.u32 s29, $0x3;
	s5 =	sadd.s32 s10, s5  }
0x12: {  	s8 =	sadd.s32 $0x61400, s9;
	s9 =	smax.u32 s14, $0x1;
	s10 =	sadd.s32 $0x1E80, s13  }
0x13: {  	s11 =	sadd.s32 $0x80, s11;
	s13 =	simm.s32 $0x800;
	s14 =	sor.u32 $0x1C03, s31  }
.LBB2_4:
0x14: {  	_ =	swait.ge [sflag:s20], $0x4000  }
0x15: {  	[sflag:s20] =	ssyncset.done $0x0  }
0x16: {  	[sflag:s20] =	ssyncadd.s32 $0xFFFFC000  }
0x17: {  	[spmem:s2] =	stream.indirect.scatter.add.f32 [tilespmem:s18], [sflag:$0x3], $0x80, s26, s16, $0xb8;
	[tilespmem:$0x1D000] =	vst v63  }
0x18: {  	_ =	swait.ge [sflag:s12], $0x4000  }
0x19: {  	s21 =	sadd.s32 $0x1, s21;
	[sflag:s12] =	ssyncset.done $0x0  }
0x1a: {  	p0 =	sne.s32 s21, s9;
	[sflag:s12] =	ssyncadd.s32 $0xFFFFC000  }
.Ltmp1:
0x1b: {  	[bflag:$0x0] =	sbarrier.arrive $0xFFFF;
	(pc) =	sbr.rel @!p0 .LBB2_5-.Ltmp1, $4  }
0x1c: {  	[hbm:s8], [sflag:s14] =	dma.local [spmem:s15], $0x2800  }
0x1d: {  	_ =	swait.ge [sflag:s12], $0x2800  }
0x1e: {  	[sflag:s12] =	ssyncset.done $0x0  }
0x1f: {  	[sflag:s12] =	ssyncadd.s32 $0xFFFFD800  }
.LBB2_1:
0x20: {  	[tilespmem:s3], [sflag:$0x3] =	stream.linear.gather [hbm4b:s5+s3], $0x800, $0x38;
	[tilespmem:$0x1D000] =	vst v63  }
0x21: {  	_ =	swait.ge [sflag:s12], $0x800  }
0x22: {  	[sflag:s12] =	ssyncset.done $0x0  }
0x23: {  	[sflag:s12] =	ssyncadd.s32 $0xFFFFF800  }
0x24: {  	[tilespmem:s13], [sflag:$0x3] =	stream.linear.gather [hbm4b:s6+s3], $0x800, $0x38;
	[tilespmem:$0x1D000] =	vst v63  }
0x25: {  	_ =	swait.ge [sflag:s12], $0x800  }
0x26: {  	[sflag:s12] =	ssyncset.done $0x0  }
0x27: {  	[sflag:s12] =	ssyncadd.s32 $0xFFFFF800  }
0x28: {  	[spmem:s15], [sflag:s14] =	dma.local [hbm:s7], $0x2800  }
0x29: {  	_ =	swait.ge [sflag:s12], $0x2800  }
0x2a: {  	[sflag:s12] =	ssyncset.done $0x0  }
0x2b: {  	[sflag:s12] =	ssyncadd.s32 $0xFFFFD800  }
0x2c: {  	s22 =	smov.u32 s11;
	[bflag:$0x0] =	sbarrier.arrive $0xFFFF  }
0x2d: {  	[tilespmem:s17], [sflag:$0x1] =	stream.indirect.gather [hbm4b:s4+s16], $0x80, s3, s16, $0xb8;
	[tilespmem:$0x1D000] =	vst v63  }
0x2e: {  	s23 =	smov.u32 s10;
	s24 =	simm.s32 $0x0;
	s25 =	simm.s32 $0x0  }
0x2f: {  	[tilespmem:s18], [sflag:$0x2] =	stream.indirect.gather [hbm4b:s4+s16], $0x80, s16, s16, $0xb8;
	[tilespmem:$0x1D000] =	vst v63  }
.LBB2_2:
0x30: {  	p0 =	seq.s32 s25, $0x0  }
0x31: {  	p1 =	seq.s32 @!p0 s25, $0x9  }
0x32: {  	s26 =	sand.u32 $0x1, s25;
	p0 =	por p1, p0  }
0x33: {  	s28 =	sshll.u32 @!p0 s26, $0xA  }
0x34: {  	s30 =	simm.s32 @!p0 $0x0;
	s29 =	sxor.u32 @!p0 $0x400, s28  }
0x35: {  	[tilespmem:s29], [sflag:$0x3] =	stream.linear.gather @!p0 [hbm4b:s22+s30], $0x400, $0x38;
	[tilespmem:$0x1D000] =	vst v63  }
0x36: {  	s29 =	simm.s32 @!p0 $0x3  }
0x37: {  	_ =	swait.ge @!p0 [sflag:s29], $0x400  }
0x38: {  	[sflag:s29] =	ssyncset.done @!p0 $0x0  }
0x39: {  	s28 =	sxor.u32 @!p0 $0xC00, s28;
	[sflag:s29] =	ssyncadd.s32 @!p0 $0xFFFFFC00  }
0x3a: {  	[tilespmem:s28], [sflag:$0x3] =	stream.linear.gather @!p0 [hbm4b:s23+s30], $0x400, $0x38;
	[tilespmem:$0x1D000] =	vst v63  }
0x3b: {  	_ =	swait.ge @!p0 [sflag:s29], $0x400  }
0x3c: {  	[sflag:s29] =	ssyncset.done @!p0 $0x0  }
0x3d: {  	[sflag:s29] =	ssyncadd.s32 @!p0 $0xFFFFFC00  }
0x3e: {  	_ =	swait.ge [sflag:s19], $0x4000  }
0x3f: {  	s26 =	sshll.u32 s26, $0xA;
	[sflag:s19] =	ssyncset.done $0x0  }
0x40: {  	s28 =	sor.u32 $0x800, s26;
	[sflag:s19] =	ssyncadd.s32 $0xFFFFC000  }
0x41: {  	[spmem:s2] =	stream.indirect.scatter.add.f32 [tilespmem:s17], [sflag:$0x3], $0x80, s28, s16, $0xb8;
	[tilespmem:$0x1D000] =	vst v63  }
0x42: {  	s28 =	sand.u32 $0x1000, s24;
	_ =	swait.ge [sflag:s12], $0x4000  }
0x43: {  	s29 =	sshrl.u32 s28, $0x2;
	[sflag:s12] =	ssyncset.done $0x0  }
0x44: {  	s31 =	sor.u32 $0x100, s29;
	[sflag:s12] =	ssyncadd.s32 $0xFFFFC000  }
0x45: {  	[tilespmem:s17], [sflag:$0x1] =	stream.indirect.gather [hbm4b:s4+s16], $0x80, s31, s16, $0xb8;
	[tilespmem:$0x1D000] =	vst v63  }
0x46: {  	_ =	swait.ge [sflag:s20], $0x4000  }
0x47: {  	[sflag:s20] =	ssyncset.done $0x0  }
0x48: {  	s31 =	sor.u32 $0x880, s26;
	[sflag:s20] =	ssyncadd.s32 $0xFFFFC000  }
0x49: {  	[spmem:s2] =	stream.indirect.scatter.add.f32 [tilespmem:s18], [sflag:$0x3], $0x80, s31, s16, $0xb8;
	[tilespmem:$0x1D000] =	vst v63  }
0x4a: {  	_ =	swait.ge [sflag:s12], $0x4000  }
0x4b: {  	[sflag:s12] =	ssyncset.done $0x0  }
0x4c: {  	s31 =	sor.u32 $0x180, s29;
	[sflag:s12] =	ssyncadd.s32 $0xFFFFC000  }
0x4d: {  	[tilespmem:s18], [sflag:$0x2] =	stream.indirect.gather [hbm4b:s4+s16], $0x80, s31, s16, $0xb8;
	[tilespmem:$0x1D000] =	vst v63  }
0x4e: {  	_ =	swait.ge [sflag:s19], $0x4000  }
0x4f: {  	[sflag:s19] =	ssyncset.done $0x0  }
0x50: {  	s31 =	sor.u32 $0x900, s26;
	[sflag:s19] =	ssyncadd.s32 $0xFFFFC000  }
0x51: {  	[spmem:s2] =	stream.indirect.scatter.add.f32 [tilespmem:s17], [sflag:$0x3], $0x80, s31, s16, $0xb8;
	[tilespmem:$0x1D000] =	vst v63  }
0x52: {  	_ =	swait.ge [sflag:s12], $0x4000  }
0x53: {  	[sflag:s12] =	ssyncset.done $0x0  }
0x54: {  	s31 =	sor.u32 $0x200, s29;
	[sflag:s12] =	ssyncadd.s32 $0xFFFFC000  }
0x55: {  	[tilespmem:s17], [sflag:$0x1] =	stream.indirect.gather [hbm4b:s4+s16], $0x80, s31, s16, $0xb8;
	[tilespmem:$0x1D000] =	vst v63  }
0x56: {  	_ =	swait.ge [sflag:s20], $0x4000  }
0x57: {  	[sflag:s20] =	ssyncset.done $0x0  }
0x58: {  	s31 =	sor.u32 $0x980, s26;
	[sflag:s20] =	ssyncadd.s32 $0xFFFFC000  }
0x59: {  	[spmem:s2] =	stream.indirect.scatter.add.f32 [tilespmem:s18], [sflag:$0x3], $0x80, s31, s16, $0xb8;
	[tilespmem:$0x1D000] =	vst v63  }
0x5a: {  	_ =	swait.ge [sflag:s12], $0x4000  }
0x5b: {  	[sflag:s12] =	ssyncset.done $0x0  }
0x5c: {  	s31 =	sor.u32 $0x280, s29;
	[sflag:s12] =	ssyncadd.s32 $0xFFFFC000  }
0x5d: {  	[tilespmem:s18], [sflag:$0x2] =	stream.indirect.gather [hbm4b:s4+s16], $0x80, s31, s16, $0xb8;
	[tilespmem:$0x1D000] =	vst v63  }
0x5e: {  	_ =	swait.ge [sflag:s19], $0x4000  }
0x5f: {  	[sflag:s19] =	ssyncset.done $0x0  }
0x60: {  	s31 =	sor.u32 $0xA00, s26;
	[sflag:s19] =	ssyncadd.s32 $0xFFFFC000  }
0x61: {  	[spmem:s2] =	stream.indirect.scatter.add.f32 [tilespmem:s17], [sflag:$0x3], $0x80, s31, s16, $0xb8;
	[tilespmem:$0x1D000] =	vst v63  }
0x62: {  	_ =	swait.ge [sflag:s12], $0x4000  }
0x63: {  	[sflag:s12] =	ssyncset.done $0x0  }
0x64: {  	s31 =	sor.u32 $0x300, s29;
	[sflag:s12] =	ssyncadd.s32 $0xFFFFC000  }
0x65: {  	[tilespmem:s17], [sflag:$0x1] =	stream.indirect.gather [hbm4b:s4+s16], $0x80, s31, s16, $0xb8;
	[tilespmem:$0x1D000] =	vst v63  }
0x66: {  	_ =	swait.ge [sflag:s20], $0x4000  }
0x67: {  	[sflag:s20] =	ssyncset.done $0x0  }
0x68: {  	s31 =	sor.u32 $0xA80, s26;
	[sflag:s20] =	ssyncadd.s32 $0xFFFFC000  }
0x69: {  	[spmem:s2] =	stream.indirect.scatter.add.f32 [tilespmem:s18], [sflag:$0x3], $0x80, s31, s16, $0xb8;
	[tilespmem:$0x1D000] =	vst v63  }
0x6a: {  	_ =	swait.ge [sflag:s12], $0x4000  }
0x6b: {  	[sflag:s12] =	ssyncset.done $0x0  }
0x6c: {  	s29 =	sor.u32 $0x380, s29;
	[sflag:s12] =	ssyncadd.s32 $0xFFFFC000  }
0x6d: {  	[tilespmem:s18], [sflag:$0x2] =	stream.indirect.gather [hbm4b:s4+s16], $0x80, s29, s16, $0xb8;
	[tilespmem:$0x1D000] =	vst v63  }
0x6e: {  	_ =	swait.ge [sflag:s19], $0x4000  }
0x6f: {  	p0 =	seq.s32 s25, $0x9;
	[sflag:s19] =	ssyncset.done $0x0  }
.Ltmp2:
0x70: {  	s31 =	sor.u32 $0xB00, s26;
	[sflag:s19] =	ssyncadd.s32 $0xFFFFC000;
	(pc) =	sbr.rel @p0 .LBB2_4-.Ltmp2, $4  }
0x71: {  	[spmem:s2] =	stream.indirect.scatter.add.f32 [tilespmem:s17], [sflag:$0x3], $0x80, s31, s16, $0xb8;
	[tilespmem:$0x1D000] =	vst v63  }
0x72: {  	_ =	swait.ge [sflag:s12], $0x4000  }
0x73: {  	[sflag:s12] =	ssyncset.done $0x0  }
0x74: {  	s26 =	sadd.s32 $0xB80, s26;
	[sflag:s12] =	ssyncadd.s32 $0xFFFFC000  }
0x75: {  	s28 =	sxor.u32 $0x1000, s28  }
0x76: {  	s28 =	sshrl.u32 s28, $0x2  }
0x77: {  	[tilespmem:s17], [sflag:$0x1] =	stream.indirect.gather [hbm4b:s4+s16], $0x80, s28, s16, $0xb8;
	[tilespmem:$0x1D000] =	vst v63  }
0x78: {  	_ =	swait.ge [sflag:s20], $0x4000  }
0x79: {  	[sflag:s20] =	ssyncset.done $0x0  }
0x7a: {  	[sflag:s20] =	ssyncadd.s32 $0xFFFFC000  }
0x7b: {  	[spmem:s2] =	stream.indirect.scatter.add.f32 [tilespmem:s18], [sflag:$0x3], $0x80, s26, s16, $0xb8;
	[tilespmem:$0x1D000] =	vst v63  }
.Ltmp3:
0x7c: {  	s31 =	sadd.s32 $0x1200, s24;
	(pc) =	sbr.rel .LBB2_2-.Ltmp3, $4  }
0x7d: {  	s25 =	sadd.s32 $0x1, s25;
	s24 =	sadd.s32 $0x1000, s24;
	_ =	swait.ge [sflag:s12], $0x4000  }
0x7e: {  	s23 =	sadd.s32 $0x80, s23;
	s26 =	sand.u32 $0x1200, s31;
	[sflag:s12] =	ssyncset.done $0x0  }
0x7f: {  	s22 =	sadd.s32 $0x80, s22;
	s26 =	sshrl.u32 s26, $0x2;
	[sflag:s12] =	ssyncadd.s32 $0xFFFFC000  }
0x80: {  	[tilespmem:s18], [sflag:$0x2] =	stream.indirect.gather [hbm4b:s4+s16], $0x80, s26, s16, $0xb8;
	[tilespmem:$0x1D000] =	vst v63  }
.LBB2_5:
0x81: {  	_ =	sfence.sel $0x180000  }
0x82: {  	[bflag:$0x0] =	sbarrier.arrive $0xFFFF  }
0x83: {  	p0 =	sne.s32 s1, $0x0;
	_ =	strace $0x9000004A  }
0x84: {  	s0 =	sadd.s32 @!p0 $0x100000, s0;
	[bflag:$0x2] =	sbarrier.arrive $0xFFFF  }
0x85: {  	[sflag:s0] =	ssyncadd.tile.s32 @!p0 $0x1;
	_ =	shalt  }
.Lfunc_end2:
_tile_overlayer_lowered:
.L_overlay_start_2:
0x86: {  	(tag) =	ssettag $0x2  }
0x87: {  	s0 =	rddreg [dreg:$0x0];
	s2 =	stileid.u32  }
0x88: {  	s1 =	rddreg [dreg:$0x1];
	p0 =	sne.s32 s2, $0x0  }
0x89: {  	s3 =	rddreg [dreg:$0x2];
	[bflag:$0x3] =	sbarrier.arrive $0xFFFF;
	s2 =	simm.s32 @!p0 $0x1C03  }
0x8a: {  	[timem:s3], [sflag:s2] =	dma.local @!p0 [hbm:s0], s1  }
0x8b: {  	s0 =	simm.s32 @!p0 $0x3  }
0x8c: {  	_ =	swait.ge @!p0 [sflag:s0], s1  }
0x8d: {  	s1 =	ssub.s32 @!p0 $0x0, s1;
	[sflag:s0] =	ssyncset.done @!p0 $0x0  }
0x8e: {  	[sflag:s0] =	ssyncadd.s32 @!p0 s1  }
0x8f: {  	[bflag:$0x3] =	sbarrier.arrive $0xFFFF  }
0x90: {  	_ =	shalt  }

// kernel: kernel.17.cloned.1.call-start
scs
__scs_entry_jumppad:
0x0: {  	(pc) =	sbr.rel $0x88, $3  }
0x1: {  	(tag) =	ssettag $0x0;
	lr =	simm.s32 $0x1  }
0x2: {  	[smem:$0x3F99] =	sst lr;
	_ =	strace $0xD0000000  }
0x3: {  	_ = 	snop  }
0x4: {  	_ = 	snop  }
0x5: {  	_ = 	snop  }
0x6: {  	_ = 	snop  }
0x7: {  	_ = 	snop  }
__scs_overlays_trampoline_lowered:
0x8: {  	[smem:$0x3FA8] =	sst s0  }
0x9: {  	[smem:$0x3FA9] =	sst s1  }
0xa: {  	[smem:$0x3FAA] =	sst s2  }
0xb: {  	[smem:$0x3FAB] =	sst s3  }
0xc: {  	[smem:$0x3FAC] =	sst s4  }
0xd: {  	[smem:$0x3FAD] =	sst s5  }
0xe: {  	[smem:$0x3FAE] =	sst s6  }
0xf: {  	[smem:$0x3FAF] =	sst s7  }
0x10: {  	[smem:$0x3FB0] =	sst s8  }
0x11: {  	[smem:$0x3FB1] =	sst s9;
	s0 =	simm.s32 @!p0 $0x0  }
0x12: {  	s1 =	sld [smem:$0x3F97];
	s0 =	simm.s32 @p0 $0x1  }
0x13: {  	[smem:$0x3FB2] =	sst s0;
	s0 =	simm.s32 @!p1 $0x0  }
0x14: {  	s2 =	sld [smem:$0x3F96];
	s0 =	simm.s32 @p1 $0x1  }
0x15: {  	[smem:$0x3FB3] =	sst s0;
	s0 =	simm.s32 @!p2 $0x0  }
0x16: {  	s3 =	sld [smem:$0x3FDB];
	s0 =	simm.s32 @p2 $0x1  }
0x17: {  	s4 =	simm.s32 $0x1BF5;
	[smem:$0x3FB5] =	sst s0  }
0x18: {  	s0 =	sld [smem:$0x3F98];
	_ =	swait.ge [sflag:s4], $0x0  }
0x19: {  	s7 =	sld [smem:$0x3F99]  }
0x1a: {  	s8 =	sadd.s32 $0xFFFFE003, lr  }
0x1b: {  	s9 =	sadd.s32 $0xFFFFFEF7, lr;
	s5 =	simm.s32 $0xFFFFFFFF;
	p2 =	slt.u32 s8, $0xFFFFF086  }
0x1c: {  	p1 =	slt.u32 s9, $0xF7A;
	s5 =	simm.s32 @!p2 $0x0  }
0x1d: {  	s5 =	simm.s32 @p1 $0x1;
	p0 =	seq.s32 s7, s2  }
0x1e: {  	s7 =	smul.u32 @!p0 $0xF7A, s2;
	p2 =	seq.s32 @!p0 s5, $0x0  }
0x1f: {  	s9 =	smul.u32 $0xF7A, s1;
	s8 =	simm.s32 @!p0 $0x1BF5;
	p2 =	por !p2, p0  }
0x20: {  	[sflag:s8] =	ssyncset.s32 @!p0 $0xFFFFF086;
	s6 =	sadd.s32 @!p0 s3, s7;
	s7 =	simm.s32 @!p0 $0x108  }
0x21: {  	s3 =	sadd.s32 s3, s9;
	s6 =	sadd.s32 @!p0 $0x88, s6;
	s7 =	simm.s32 @p2 $0x1082  }
0x22: {  	[simem:s7], [sflag:s8] =	dma.local @!p0 [hbm:s6], $0xF7A  }
0x23: {  	s9 =	sor.u32 $0xD0000000, s2;
	s6 =	simm.s32 $0x108;
	_ =	swait.ge @!p0 [sflag:s8], $0x0  }
0x24: {  	s3 =	sadd.s32 $0x88, s3;
	s6 =	simm.s32 @!p1 $0x1082;
	[sflag:s4] =	ssyncset.s32 $0xFFFFF086  }
0x25: {  	[simem:s6], [sflag:s4] =	dma.local [hbm:s3], $0xF7A  }
0x26: {  	[smem:$0x3F99] =	sst s1;
	(tag) =	ssettag s2;
	_ =	strace s9  }
0x27: {  	s1 =	sld [smem:$0x3FA9]  }
0x28: {  	s2 =	sld [smem:$0x3FAA]  }
0x29: {  	s4 =	sld [smem:$0x3FAC]  }
0x2a: {  	p0 =	seq.s32 s5, $0x0;
	s5 =	sld [smem:$0x3FAD]  }
0x2b: {  	s6 =	sld [smem:$0x3FAE]  }
0x2c: {  	s7 =	sld [smem:$0x3FAF]  }
0x2d: {  	s3 =	simm.s32 $0x108;
	s8 =	sld [smem:$0x3FB0]  }
0x2e: {  	s3 =	simm.s32 @!p0 $0x1082;
	s9 =	sld [smem:$0x3FB1]  }
0x2f: {  	lr =	sadd.s32 s0, s3;
	s0 =	sld [smem:$0x3FA8]  }
0x30: {  	s3 =	sld [smem:$0x3FAB]  }
0x31: {  	[smem:$0x3FB4] =	sst s10  }
0x32: {  	s10 =	sld [smem:$0x3FB2];
	_ =	sdelay $0x3  }
0x33: {  	p0 =	seq.s32 s10, $0x1;
	s10 =	sld [smem:$0x3FB4];
	_ =	sdelay $0x3  }
0x34: {  	[smem:$0x3FB4] =	sst s10  }
0x35: {  	s10 =	sld [smem:$0x3FB3];
	_ =	sdelay $0x3  }
0x36: {  	p1 =	seq.s32 s10, $0x1;
	s10 =	sld [smem:$0x3FB4];
	_ =	sdelay $0x3  }
0x37: {  	[smem:$0x3FB4] =	sst s10  }
0x38: {  	s10 =	sld [smem:$0x3FB5]  }
0x39: {  	_ = 	snop;
	(pc) =	sbr.ind lr, $3  }
0x3a: {  	_ = 	snop  }
0x3b: {  	_ = 	snop  }
0x3c: {  	p2 =	seq.s32 s10, $0x1;
	s10 =	sld [smem:$0x3FB4]  }
0x3d: {  	_ =	shalt  }
0x3e: {  	_ =	shalt  }
0x3f: {  	_ =	shalt  }
0x40: {  	_ =	shalt  }
0x41: {  	_ =	shalt  }
0x42: {  	_ =	shalt  }
0x43: {  	_ =	shalt  }
0x44: {  	_ =	shalt  }
0x45: {  	_ =	shalt  }
0x46: {  	_ =	shalt  }
0x47: {  	_ =	shalt  }
0x48: {  	_ =	shalt  }
0x49: {  	_ =	shalt  }
0x4a: {  	_ =	shalt  }
0x4b: {  	_ =	shalt  }
0x4c: {  	_ =	shalt  }
0x4d: {  	_ =	shalt  }
0x4e: {  	_ =	shalt  }
0x4f: {  	_ =	shalt  }
0x50: {  	_ =	shalt  }
0x51: {  	_ =	shalt  }
0x52: {  	_ =	shalt  }
0x53: {  	_ =	shalt  }
0x54: {  	_ =	shalt  }
0x55: {  	_ =	shalt  }
0x56: {  	_ =	shalt  }
0x57: {  	_ =	shalt  }
0x58: {  	_ =	shalt  }
0x59: {  	_ =	shalt  }
0x5a: {  	_ =	shalt  }
0x5b: {  	_ =	shalt  }
0x5c: {  	_ =	shalt  }
0x5d: {  	_ =	shalt  }
0x5e: {  	_ =	shalt  }
0x5f: {  	_ =	shalt  }
0x60: {  	_ =	shalt  }
0x61: {  	_ =	shalt  }
0x62: {  	_ =	shalt  }
0x63: {  	_ =	shalt  }
0x64: {  	_ =	shalt  }
0x65: {  	_ =	shalt  }
0x66: {  	_ =	shalt  }
0x67: {  	_ =	shalt  }
0x68: {  	_ =	shalt  }
0x69: {  	_ =	shalt  }
0x6a: {  	_ =	shalt  }
0x6b: {  	_ =	shalt  }
0x6c: {  	_ =	shalt  }
0x6d: {  	_ =	shalt  }
0x6e: {  	_ =	shalt  }
0x6f: {  	_ =	shalt  }
0x70: {  	_ =	shalt  }
0x71: {  	_ =	shalt  }
0x72: {  	_ =	shalt  }
0x73: {  	_ =	shalt  }
0x74: {  	_ =	shalt  }
0x75: {  	_ =	shalt  }
0x76: {  	_ =	shalt  }
0x77: {  	_ =	shalt  }
0x78: {  	_ =	shalt  }
0x79: {  	_ =	shalt  }
0x7a: {  	_ =	shalt  }
0x7b: {  	_ =	shalt  }
0x7c: {  	_ =	shalt  }
0x7d: {  	_ =	shalt  }
0x7e: {  	_ =	shalt  }
0x7f: {  	_ =	shalt  }
0x80: {  	_ =	shalt  }
0x81: {  	_ =	shalt  }
0x82: {  	_ =	shalt  }
0x83: {  	_ =	shalt  }
0x84: {  	_ =	shalt  }
0x85: {  	_ =	shalt  }
0x86: {  	_ =	shalt  }
0x87: {  	_ =	shalt  }
.Lfunc_end0:
.L_simem_size_0:
called_computation.2_lowered:
.L_overlay_start_0:
0x88: {  	s2 =	sld [smem:$0x3FD9]  }
0x89: {  	s3 =	sld [smem:$0x3FFE];
	_ =	sdelay $0x1  }
0x8a: {  	s1 =	srdreg.scid  }
0x8b: {  	s0 =	sand.u32 $0x1, s1  }
0x8c: {  	s17 =	sshll.u32 s0, $0xA;
	s2 =	sadd.s32 s3, s2  }
0x8d: {  	s2 =	sadd.s32 s2, s17  }
0x8e: {  	[smem:$0x3FC0] =	sst s2  }
0x8f: {  	_ = 	snop  }
0x90: {  	s2 =	sld [smem:$0x3FD0];
	(tm) =	ssettm $0x1  }
0x91: {  	s18 =	sld [smem:$0x3FFB];
	_ =	sdelay $0x3  }
0x92: {  	_ =	strace s18  }
0x93: {  	s3 =	sld [smem:$0x3FFC];
	_ =	sdelay $0x3  }
0x94: {  	_ =	strace s3  }
0x95: {  	s3 =	sld [smem:$0x3FFD];
	_ =	sdelay $0x3  }
0x96: {  	_ =	strace s3  }
0x97: {  	_ =	strace $0x8FFFFFFF  }
0x98: {  	s19 =	sld [smem:$0x3FDB];
	_ =	sdelay $0x1  }
0x99: {  	s4 =	simm.s32 $_scs_section_size  }
0x9a: {  	s5 =	simm.s32 $_size__tile_overlayer_lowered;
	s6 =	simm.s32 $_tile_overlayer_lowered  }
0x9b: {  	s22 =	simm.s32 $0x1BFF;
	s21 =	sshll.u32 s6, $0x1;
	s3 =	sadd.s32 s4, s19  }
0x9c: {  	s7 =	simm.s32 $0x0;
	s20 =	sshll.u32 s5, $0x1;
	s5 =	sadd.s32 s21, s3  }
0x9d: {  	[timem:s7], [sflag:s22] =	dma.local [hbm:s5], s20  }
0x9e: {  	_ =	swait.ge [sflag:s22], s20  }
0x9f: {  	s4 =	ssub.s32 $0x0, s20;
	[sflag:s22] =	ssyncset.done $0x0  }
0xa0: {  	[sflag:s22] =	ssyncadd.s32 s4;
	_ =	sdelay $0x1  }
0xa1: {  	s23 =	simm.s32 $0x1B8B  }
0xa2: {  	_ =	swait.ge [sflag:s23], $0x1  }
0xa3: {  	[sflag:s23] =	ssyncset.done $0x0  }
0xa4: {  	s25 =	simm.s32 $0x1B8E;
	s24 =	sld [smem:$0x3FFE];
	[sflag:s23] =	ssyncadd.s32 $0xFFFFFFFF  }
0xa5: {  	s26 =	simm.s32 $execute0_lowered;
	[smem:$0x3FD2] =	sst s25  }
0xa6: {  	s5 =	sshll.u32 s26, $0x1;
	_ =	strace $0x8000004C;
	[dreg:$0x1] =	wrdreg $0xFFFFFFFF  }
0xa7: {  	s28 =	simm.s32 $_size_execute0_lowered;
	s3 =	sadd.s32 s3, s5;
	[dreg:$0x0] =	wrdreg $0x0  }
0xa8: {  	s5 =	sshll.u32 s28, $0x1;
	[dreg:$0x2] =	wrdreg s3  }
0xa9: {  	[dreg:$0x3] =	wrdreg s5  }
0xaa: {  	[dreg:$0x4] =	wrdreg $0xC0  }
0xab: {  	_ =	task [dreg:s7], $0x5FFFF  }
0xac: {  	[dreg:$0x1] =	wrdreg $0xFFFFFFFF  }
0xad: {  	[dreg:$0x0] =	wrdreg $0x60  }
0xae: {  	[dreg:$0x2] =	wrdreg s24  }
0xaf: {  	[dreg:$0x3] =	wrdreg s2  }
0xb0: {  	[dreg:$0x4] =	wrdreg $0x90000  }
0xb1: {  	[dreg:$0x5] =	wrdreg $0x9  }
0xb2: {  	_ =	task.clear_ibuf [dreg:s7], $0x6FFFF;
	_ =	strace $0x9000004C  }
0xb3: {  	s29 =	simm.s32 $0x9;
	_ =	strace $0x8000004E  }
0xb4: {  	_ =	swait.ge [sflag:s29], $0x1  }
0xb5: {  	[sflag:s29] =	ssyncadd.s32 $0xFFFFFFFF  }
0xb6: {  	_ =	strace $0x9000004E  }
0xb7: {  	_ =	sfence  }
0xb8: {  	s30 =	sld [smem:$0x0];
	_ =	sdelay $0x2  }
0xb9: {  	s31 =	sshll.u32 s1, $0xD;
	s1 =	sshrl.u32 s1, $0x2  }
0xba: {  	s3 =	sand.u32 $0x4000, s31;
	s1 =	sadd.s32 s1, s30  }
0xbb: {  	s0 =	sor.u32 s3, s0;
	s1 =	sshll.u32 s1, $0x11  }
0xbc: {  	s0 =	sor.u32 s1, s0  }
0xbd: {  	s0 =	sadd.s32 $0x8F2B, s0  }
0xbe: {  	[sflag:s0] =	ssyncadd.remote.s32 $0x1  }
0xbf: {  	_ =	sfence.sel $0xFFFF  }
0xc0: {  	[dreg:$0x0] =	wrdreg $0xFFFFFFFF;
	(pc) =	sbr.abs _section_cstart, $3  }
0xc1: {  	[dreg:$0x1] =	wrdreg $0xFFFFFFFF  }
0xc2: {  	_ =	task.clear_ibuf [dreg:s7], $0x2FFFF;
	_ =	strace $0x9FFFFFFF  }
0xc3: {  	(tm) =	ssettm $0x7FFFFFFF  }
tec
execute0_lowered:
.L_overlay_start_1:
0x0: {  	(tag) =	ssettag $0x1  }
0x1: {  	s5 =	rddreg [dreg:$0x0]  }
0x2: {  	s7 =	rddreg [dreg:$0x1]  }
0x3: {  	s2 =	rddreg [dreg:$0x2]  }
0x4: {  	s0 =	rddreg [dreg:$0x3];
	s1 =	stileid.u32  }
0x5: {  	s3 =	simm.s32 $0x0;
	s4 =	srdreg.scid;
	s11 =	smul.u32 $0x500, s1  }
0x6: {  	s18 =	simm.s32 $0x5000;
	s19 =	simm.s32 $0x1;
	s8 =	smul.u32 $0x2800, s1  }
0x7: {  	s20 =	simm.s32 $0x2;
	s21 =	simm.s32 $0x0;
	s12 =	smul.u32 $0x50, s1  }
0x8: {  	[smem:$0x7FF] =	sst s3;
	s6 =	sand.u32 $0x1, s4;
	s17 =	smul.u32 $0x50000, s1  }
0x9: {  	s4 =	sadd.s32 $0x6E00, s5;
	s10 =	sadd.s32 $0x57400, s5;
	s9 =	smul.u32 $0x28000, s6  }
0xa: {  	s31 =	sshll.u32 s1, $0x6;
	_ =	strace $0x8000004D;
	s15 =	smul.u32 $0x500, s6  }
0xb: {  	s14 =	ssub.s32 $0x2, s6;
	s28 =	smul.u32 $0x5000, s6;
	s13 =	sadd.s32 s11, s5  }
0xc: {  	s16 =	sshrl.u32 s14, $0x1;
	s26 =	sshrl.u32 s17, $0x2;
	s7 =	sadd.s32 s7, s8  }
0xd: {  	s17 =	simm.s32 $0x1000;
	s9 =	sadd.s32 s8, s9;
	s14 =	ssub.s32 s14, s16  }
0xe: {  	s25 =	sadd.s32 s12, s15;
	s6 =	sadd.s32 $0x1E00, s13;
	s29 =	sadd.s32 s26, s2  }
.Ltmp0:
0xf: {  	s30 =	sadd.s32 s28, s10;
	s12 =	simm.s32 $0x3;
	(pc) =	sbr.rel .LBB2_1-.Ltmp0, $4  }
0x10: {  	s16 =	simm.s32 $0x80;
	s9 =	sadd.s32 s9, s5;
	s5 =	sshll.u32 s25, $0x4  }
0x11: {  	s11 =	sadd.s32 s11, s30;
	s15 =	sshrl.u32 s29, $0x3;
	s5 =	sadd.s32 s10, s5  }
0x12: {  	s8 =	sadd.s32 $0x61400, s9;
	s9 =	smax.u32 s14, $0x1;
	s10 =	sadd.s32 $0x1E80, s13  }
0x13: {  	s11 =	sadd.s32 $0x80, s11;
	s13 =	simm.s32 $0x800;
	s14 =	sor.u32 $0x1C03, s31  }
.LBB2_4:
0x14: {  	_ =	swait.ge [sflag:s20], $0x4000  }
0x15: {  	[sflag:s20] =	ssyncset.done $0x0  }
0x16: {  	[sflag:s20] =	ssyncadd.s32 $0xFFFFC000  }
0x17: {  	[spmem:s2] =	stream.indirect.scatter.add.f32 [tilespmem:s18], [sflag:$0x3], $0x80, s26, s16, $0xb8;
	[tilespmem:$0x1D000] =	vst v63  }
0x18: {  	_ =	swait.ge [sflag:s12], $0x4000  }
0x19: {  	s21 =	sadd.s32 $0x1, s21;
	[sflag:s12] =	ssyncset.done $0x0  }
0x1a: {  	p0 =	sne.s32 s21, s9;
	[sflag:s12] =	ssyncadd.s32 $0xFFFFC000  }
.Ltmp1:
0x1b: {  	[bflag:$0x0] =	sbarrier.arrive $0xFFFF;
	(pc) =	sbr.rel @!p0 .LBB2_5-.Ltmp1, $4  }
0x1c: {  	[hbm:s8], [sflag:s14] =	dma.local [spmem:s15], $0x2800  }
0x1d: {  	_ =	swait.ge [sflag:s12], $0x2800  }
0x1e: {  	[sflag:s12] =	ssyncset.done $0x0  }
0x1f: {  	[sflag:s12] =	ssyncadd.s32 $0xFFFFD800  }
.LBB2_1:
0x20: {  	[tilespmem:s3], [sflag:$0x3] =	stream.linear.gather [hbm4b:s5+s3], $0x800, $0x38;
	[tilespmem:$0x1D000] =	vst v63  }
0x21: {  	_ =	swait.ge [sflag:s12], $0x800  }
0x22: {  	[sflag:s12] =	ssyncset.done $0x0  }
0x23: {  	[sflag:s12] =	ssyncadd.s32 $0xFFFFF800  }
0x24: {  	[tilespmem:s13], [sflag:$0x3] =	stream.linear.gather [hbm4b:s6+s3], $0x800, $0x38;
	[tilespmem:$0x1D000] =	vst v63  }
0x25: {  	_ =	swait.ge [sflag:s12], $0x800  }
0x26: {  	[sflag:s12] =	ssyncset.done $0x0  }
0x27: {  	[sflag:s12] =	ssyncadd.s32 $0xFFFFF800  }
0x28: {  	[spmem:s15], [sflag:s14] =	dma.local [hbm:s7], $0x2800  }
0x29: {  	_ =	swait.ge [sflag:s12], $0x2800  }
0x2a: {  	[sflag:s12] =	ssyncset.done $0x0  }
0x2b: {  	[sflag:s12] =	ssyncadd.s32 $0xFFFFD800  }
0x2c: {  	s22 =	smov.u32 s11;
	[bflag:$0x0] =	sbarrier.arrive $0xFFFF  }
0x2d: {  	[tilespmem:s17], [sflag:$0x1] =	stream.indirect.gather [hbm4b:s4+s16], $0x80, s3, s16, $0xb8;
	[tilespmem:$0x1D000] =	vst v63  }
0x2e: {  	s23 =	smov.u32 s10;
	s24 =	simm.s32 $0x0;
	s25 =	simm.s32 $0x0  }
0x2f: {  	[tilespmem:s18], [sflag:$0x2] =	stream.indirect.gather [hbm4b:s4+s16], $0x80, s16, s16, $0xb8;
	[tilespmem:$0x1D000] =	vst v63  }
.LBB2_2:
0x30: {  	p0 =	seq.s32 s25, $0x0  }
0x31: {  	p1 =	seq.s32 @!p0 s25, $0x9  }
0x32: {  	s26 =	sand.u32 $0x1, s25;
	p0 =	por p1, p0  }
0x33: {  	s28 =	sshll.u32 @!p0 s26, $0xA  }
0x34: {  	s30 =	simm.s32 @!p0 $0x0;
	s29 =	sxor.u32 @!p0 $0x400, s28  }
0x35: {  	[tilespmem:s29], [sflag:$0x3] =	stream.linear.gather @!p0 [hbm4b:s22+s30], $0x400, $0x38;
	[tilespmem:$0x1D000] =	vst v63  }
0x36: {  	s29 =	simm.s32 @!p0 $0x3  }
0x37: {  	_ =	swait.ge @!p0 [sflag:s29], $0x400  }
0x38: {  	[sflag:s29] =	ssyncset.done @!p0 $0x0  }
0x39: {  	s28 =	sxor.u32 @!p0 $0xC00, s28;
	[sflag:s29] =	ssyncadd.s32 @!p0 $0xFFFFFC00  }
0x3a: {  	[tilespmem:s28], [sflag:$0x3] =	stream.linear.gather @!p0 [hbm4b:s23+s30], $0x400, $0x38;
	[tilespmem:$0x1D000] =	vst v63  }
0x3b: {  	_ =	swait.ge @!p0 [sflag:s29], $0x400  }
0x3c: {  	[sflag:s29] =	ssyncset.done @!p0 $0x0  }
0x3d: {  	[sflag:s29] =	ssyncadd.s32 @!p0 $0xFFFFFC00  }
0x3e: {  	_ =	swait.ge [sflag:s19], $0x4000  }
0x3f: {  	s26 =	sshll.u32 s26, $0xA;
	[sflag:s19] =	ssyncset.done $0x0  }
0x40: {  	s28 =	sor.u32 $0x800, s26;
	[sflag:s19] =	ssyncadd.s32 $0xFFFFC000  }
0x41: {  	[spmem:s2] =	stream.indirect.scatter.add.f32 [tilespmem:s17], [sflag:$0x3], $0x80, s28, s16, $0xb8;
	[tilespmem:$0x1D000] =	vst v63  }
0x42: {  	s28 =	sand.u32 $0x1000, s24;
	_ =	swait.ge [sflag:s12], $0x4000  }
0x43: {  	s29 =	sshrl.u32 s28, $0x2;
	[sflag:s12] =	ssyncset.done $0x0  }
0x44: {  	s31 =	sor.u32 $0x100, s29;
	[sflag:s12] =	ssyncadd.s32 $0xFFFFC000  }
0x45: {  	[tilespmem:s17], [sflag:$0x1] =	stream.indirect.gather [hbm4b:s4+s16], $0x80, s31, s16, $0xb8;
	[tilespmem:$0x1D000] =	vst v63  }
0x46: {  	_ =	swait.ge [sflag:s20], $0x4000  }
0x47: {  	[sflag:s20] =	ssyncset.done $0x0  }
0x48: {  	s31 =	sor.u32 $0x880, s26;
	[sflag:s20] =	ssyncadd.s32 $0xFFFFC000  }
0x49: {  	[spmem:s2] =	stream.indirect.scatter.add.f32 [tilespmem:s18], [sflag:$0x3], $0x80, s31, s16, $0xb8;
	[tilespmem:$0x1D000] =	vst v63  }
0x4a: {  	_ =	swait.ge [sflag:s12], $0x4000  }
0x4b: {  	[sflag:s12] =	ssyncset.done $0x0  }
0x4c: {  	s31 =	sor.u32 $0x180, s29;
	[sflag:s12] =	ssyncadd.s32 $0xFFFFC000  }
0x4d: {  	[tilespmem:s18], [sflag:$0x2] =	stream.indirect.gather [hbm4b:s4+s16], $0x80, s31, s16, $0xb8;
	[tilespmem:$0x1D000] =	vst v63  }
0x4e: {  	_ =	swait.ge [sflag:s19], $0x4000  }
0x4f: {  	[sflag:s19] =	ssyncset.done $0x0  }
0x50: {  	s31 =	sor.u32 $0x900, s26;
	[sflag:s19] =	ssyncadd.s32 $0xFFFFC000  }
0x51: {  	[spmem:s2] =	stream.indirect.scatter.add.f32 [tilespmem:s17], [sflag:$0x3], $0x80, s31, s16, $0xb8;
	[tilespmem:$0x1D000] =	vst v63  }
0x52: {  	_ =	swait.ge [sflag:s12], $0x4000  }
0x53: {  	[sflag:s12] =	ssyncset.done $0x0  }
0x54: {  	s31 =	sor.u32 $0x200, s29;
	[sflag:s12] =	ssyncadd.s32 $0xFFFFC000  }
0x55: {  	[tilespmem:s17], [sflag:$0x1] =	stream.indirect.gather [hbm4b:s4+s16], $0x80, s31, s16, $0xb8;
	[tilespmem:$0x1D000] =	vst v63  }
0x56: {  	_ =	swait.ge [sflag:s20], $0x4000  }
0x57: {  	[sflag:s20] =	ssyncset.done $0x0  }
0x58: {  	s31 =	sor.u32 $0x980, s26;
	[sflag:s20] =	ssyncadd.s32 $0xFFFFC000  }
0x59: {  	[spmem:s2] =	stream.indirect.scatter.add.f32 [tilespmem:s18], [sflag:$0x3], $0x80, s31, s16, $0xb8;
	[tilespmem:$0x1D000] =	vst v63  }
0x5a: {  	_ =	swait.ge [sflag:s12], $0x4000  }
0x5b: {  	[sflag:s12] =	ssyncset.done $0x0  }
0x5c: {  	s31 =	sor.u32 $0x280, s29;
	[sflag:s12] =	ssyncadd.s32 $0xFFFFC000  }
0x5d: {  	[tilespmem:s18], [sflag:$0x2] =	stream.indirect.gather [hbm4b:s4+s16], $0x80, s31, s16, $0xb8;
	[tilespmem:$0x1D000] =	vst v63  }
0x5e: {  	_ =	swait.ge [sflag:s19], $0x4000  }
0x5f: {  	[sflag:s19] =	ssyncset.done $0x0  }
0x60: {  	s31 =	sor.u32 $0xA00, s26;
	[sflag:s19] =	ssyncadd.s32 $0xFFFFC000  }
0x61: {  	[spmem:s2] =	stream.indirect.scatter.add.f32 [tilespmem:s17], [sflag:$0x3], $0x80, s31, s16, $0xb8;
	[tilespmem:$0x1D000] =	vst v63  }
0x62: {  	_ =	swait.ge [sflag:s12], $0x4000  }
0x63: {  	[sflag:s12] =	ssyncset.done $0x0  }
0x64: {  	s31 =	sor.u32 $0x300, s29;
	[sflag:s12] =	ssyncadd.s32 $0xFFFFC000  }
0x65: {  	[tilespmem:s17], [sflag:$0x1] =	stream.indirect.gather [hbm4b:s4+s16], $0x80, s31, s16, $0xb8;
	[tilespmem:$0x1D000] =	vst v63  }
0x66: {  	_ =	swait.ge [sflag:s20], $0x4000  }
0x67: {  	[sflag:s20] =	ssyncset.done $0x0  }
0x68: {  	s31 =	sor.u32 $0xA80, s26;
	[sflag:s20] =	ssyncadd.s32 $0xFFFFC000  }
0x69: {  	[spmem:s2] =	stream.indirect.scatter.add.f32 [tilespmem:s18], [sflag:$0x3], $0x80, s31, s16, $0xb8;
	[tilespmem:$0x1D000] =	vst v63  }
0x6a: {  	_ =	swait.ge [sflag:s12], $0x4000  }
0x6b: {  	[sflag:s12] =	ssyncset.done $0x0  }
0x6c: {  	s29 =	sor.u32 $0x380, s29;
	[sflag:s12] =	ssyncadd.s32 $0xFFFFC000  }
0x6d: {  	[tilespmem:s18], [sflag:$0x2] =	stream.indirect.gather [hbm4b:s4+s16], $0x80, s29, s16, $0xb8;
	[tilespmem:$0x1D000] =	vst v63  }
0x6e: {  	_ =	swait.ge [sflag:s19], $0x4000  }
0x6f: {  	p0 =	seq.s32 s25, $0x9;
	[sflag:s19] =	ssyncset.done $0x0  }
.Ltmp2:
0x70: {  	s31 =	sor.u32 $0xB00, s26;
	[sflag:s19] =	ssyncadd.s32 $0xFFFFC000;
	(pc) =	sbr.rel @p0 .LBB2_4-.Ltmp2, $4  }
0x71: {  	[spmem:s2] =	stream.indirect.scatter.add.f32 [tilespmem:s17], [sflag:$0x3], $0x80, s31, s16, $0xb8;
	[tilespmem:$0x1D000] =	vst v63  }
0x72: {  	_ =	swait.ge [sflag:s12], $0x4000  }
0x73: {  	[sflag:s12] =	ssyncset.done $0x0  }
0x74: {  	s26 =	sadd.s32 $0xB80, s26;
	[sflag:s12] =	ssyncadd.s32 $0xFFFFC000  }
0x75: {  	s28 =	sxor.u32 $0x1000, s28  }
0x76: {  	s28 =	sshrl.u32 s28, $0x2  }
0x77: {  	[tilespmem:s17], [sflag:$0x1] =	stream.indirect.gather [hbm4b:s4+s16], $0x80, s28, s16, $0xb8;
	[tilespmem:$0x1D000] =	vst v63  }
0x78: {  	_ =	swait.ge [sflag:s20], $0x4000  }
0x79: {  	[sflag:s20] =	ssyncset.done $0x0  }
0x7a: {  	[sflag:s20] =	ssyncadd.s32 $0xFFFFC000  }
0x7b: {  	[spmem:s2] =	stream.indirect.scatter.add.f32 [tilespmem:s18], [sflag:$0x3], $0x80, s26, s16, $0xb8;
	[tilespmem:$0x1D000] =	vst v63  }
.Ltmp3:
0x7c: {  	s31 =	sadd.s32 $0x1200, s24;
	(pc) =	sbr.rel .LBB2_2-.Ltmp3, $4  }
0x7d: {  	s25 =	sadd.s32 $0x1, s25;
	s24 =	sadd.s32 $0x1000, s24;
	_ =	swait.ge [sflag:s12], $0x4000  }
0x7e: {  	s23 =	sadd.s32 $0x80, s23;
	s26 =	sand.u32 $0x1200, s31;
	[sflag:s12] =	ssyncset.done $0x0  }
0x7f: {  	s22 =	sadd.s32 $0x80, s22;
	s26 =	sshrl.u32 s26, $0x2;
	[sflag:s12] =	ssyncadd.s32 $0xFFFFC000  }
0x80: {  	[tilespmem:s18], [sflag:$0x2] =	stream.indirect.gather [hbm4b:s4+s16], $0x80, s26, s16, $0xb8;
	[tilespmem:$0x1D000] =	vst v63  }
.LBB2_5:
0x81: {  	_ =	sfence.sel $0x180000  }
0x82: {  	[bflag:$0x0] =	sbarrier.arrive $0xFFFF  }
0x83: {  	p0 =	sne.s32 s1, $0x0;
	_ =	strace $0x9000004D  }
0x84: {  	s0 =	sadd.s32 @!p0 $0x100000, s0;
	[bflag:$0x2] =	sbarrier.arrive $0xFFFF  }
0x85: {  	[sflag:s0] =	ssyncadd.tile.s32 @!p0 $0x1;
	_ =	shalt  }
.Lfunc_end2:
_tile_overlayer_lowered:
.L_overlay_start_2:
0x86: {  	(tag) =	ssettag $0x2  }
0x87: {  	s0 =	rddreg [dreg:$0x0];
	s2 =	stileid.u32  }
0x88: {  	s1 =	rddreg [dreg:$0x1];
	p0 =	sne.s32 s2, $0x0  }
0x89: {  	s3 =	rddreg [dreg:$0x2];
	[bflag:$0x3] =	sbarrier.arrive $0xFFFF;
	s2 =	simm.s32 @!p0 $0x1C03  }
0x8a: {  	[timem:s3], [sflag:s2] =	dma.local @!p0 [hbm:s0], s1  }
0x8b: {  	s0 =	simm.s32 @!p0 $0x3  }
0x8c: {  	_ =	swait.ge @!p0 [sflag:s0], s1  }
0x8d: {  	s1 =	ssub.s32 @!p0 $0x0, s1;
	[sflag:s0] =	ssyncset.done @!p0 $0x0  }
0x8e: {  	[sflag:s0] =	ssyncadd.s32 @!p0 s1  }
0x8f: {  	[bflag:$0x3] =	sbarrier.arrive $0xFFFF  }
0x90: {  	_ =	shalt  }

// kernel: kernel.20.cloned.1.call-start
scs
__scs_entry_jumppad:
0x0: {  	(pc) =	sbr.rel $0x88, $3  }
0x1: {  	(tag) =	ssettag $0x0;
	lr =	simm.s32 $0x1  }
0x2: {  	[smem:$0x3F99] =	sst lr;
	_ =	strace $0xD0000000  }
0x3: {  	_ = 	snop  }
0x4: {  	_ = 	snop  }
0x5: {  	_ = 	snop  }
0x6: {  	_ = 	snop  }
0x7: {  	_ = 	snop  }
__scs_overlays_trampoline_lowered:
0x8: {  	[smem:$0x3FA8] =	sst s0  }
0x9: {  	[smem:$0x3FA9] =	sst s1  }
0xa: {  	[smem:$0x3FAA] =	sst s2  }
0xb: {  	[smem:$0x3FAB] =	sst s3  }
0xc: {  	[smem:$0x3FAC] =	sst s4  }
0xd: {  	[smem:$0x3FAD] =	sst s5  }
0xe: {  	[smem:$0x3FAE] =	sst s6  }
0xf: {  	[smem:$0x3FAF] =	sst s7  }
0x10: {  	[smem:$0x3FB0] =	sst s8  }
0x11: {  	[smem:$0x3FB1] =	sst s9;
	s0 =	simm.s32 @!p0 $0x0  }
0x12: {  	s1 =	sld [smem:$0x3F97];
	s0 =	simm.s32 @p0 $0x1  }
0x13: {  	[smem:$0x3FB2] =	sst s0;
	s0 =	simm.s32 @!p1 $0x0  }
0x14: {  	s2 =	sld [smem:$0x3F96];
	s0 =	simm.s32 @p1 $0x1  }
0x15: {  	[smem:$0x3FB3] =	sst s0;
	s0 =	simm.s32 @!p2 $0x0  }
0x16: {  	s3 =	sld [smem:$0x3FDB];
	s0 =	simm.s32 @p2 $0x1  }
0x17: {  	s4 =	simm.s32 $0x1BF5;
	[smem:$0x3FB5] =	sst s0  }
0x18: {  	s0 =	sld [smem:$0x3F98];
	_ =	swait.ge [sflag:s4], $0x0  }
0x19: {  	s7 =	sld [smem:$0x3F99]  }
0x1a: {  	s8 =	sadd.s32 $0xFFFFE003, lr  }
0x1b: {  	s9 =	sadd.s32 $0xFFFFFEF7, lr;
	s5 =	simm.s32 $0xFFFFFFFF;
	p2 =	slt.u32 s8, $0xFFFFF086  }
0x1c: {  	p1 =	slt.u32 s9, $0xF7A;
	s5 =	simm.s32 @!p2 $0x0  }
0x1d: {  	s5 =	simm.s32 @p1 $0x1;
	p0 =	seq.s32 s7, s2  }
0x1e: {  	s7 =	smul.u32 @!p0 $0xF7A, s2;
	p2 =	seq.s32 @!p0 s5, $0x0  }
0x1f: {  	s9 =	smul.u32 $0xF7A, s1;
	s8 =	simm.s32 @!p0 $0x1BF5;
	p2 =	por !p2, p0  }
0x20: {  	[sflag:s8] =	ssyncset.s32 @!p0 $0xFFFFF086;
	s6 =	sadd.s32 @!p0 s3, s7;
	s7 =	simm.s32 @!p0 $0x108  }
0x21: {  	s3 =	sadd.s32 s3, s9;
	s6 =	sadd.s32 @!p0 $0x88, s6;
	s7 =	simm.s32 @p2 $0x1082  }
0x22: {  	[simem:s7], [sflag:s8] =	dma.local @!p0 [hbm:s6], $0xF7A  }
0x23: {  	s9 =	sor.u32 $0xD0000000, s2;
	s6 =	simm.s32 $0x108;
	_ =	swait.ge @!p0 [sflag:s8], $0x0  }
0x24: {  	s3 =	sadd.s32 $0x88, s3;
	s6 =	simm.s32 @!p1 $0x1082;
	[sflag:s4] =	ssyncset.s32 $0xFFFFF086  }
0x25: {  	[simem:s6], [sflag:s4] =	dma.local [hbm:s3], $0xF7A  }
0x26: {  	[smem:$0x3F99] =	sst s1;
	(tag) =	ssettag s2;
	_ =	strace s9  }
0x27: {  	s1 =	sld [smem:$0x3FA9]  }
0x28: {  	s2 =	sld [smem:$0x3FAA]  }
0x29: {  	s4 =	sld [smem:$0x3FAC]  }
0x2a: {  	p0 =	seq.s32 s5, $0x0;
	s5 =	sld [smem:$0x3FAD]  }
0x2b: {  	s6 =	sld [smem:$0x3FAE]  }
0x2c: {  	s7 =	sld [smem:$0x3FAF]  }
0x2d: {  	s3 =	simm.s32 $0x108;
	s8 =	sld [smem:$0x3FB0]  }
0x2e: {  	s3 =	simm.s32 @!p0 $0x1082;
	s9 =	sld [smem:$0x3FB1]  }
0x2f: {  	lr =	sadd.s32 s0, s3;
	s0 =	sld [smem:$0x3FA8]  }
0x30: {  	s3 =	sld [smem:$0x3FAB]  }
0x31: {  	[smem:$0x3FB4] =	sst s10  }
0x32: {  	s10 =	sld [smem:$0x3FB2];
	_ =	sdelay $0x3  }
0x33: {  	p0 =	seq.s32 s10, $0x1;
	s10 =	sld [smem:$0x3FB4];
	_ =	sdelay $0x3  }
0x34: {  	[smem:$0x3FB4] =	sst s10  }
0x35: {  	s10 =	sld [smem:$0x3FB3];
	_ =	sdelay $0x3  }
0x36: {  	p1 =	seq.s32 s10, $0x1;
	s10 =	sld [smem:$0x3FB4];
	_ =	sdelay $0x3  }
0x37: {  	[smem:$0x3FB4] =	sst s10  }
0x38: {  	s10 =	sld [smem:$0x3FB5]  }
0x39: {  	_ = 	snop;
	(pc) =	sbr.ind lr, $3  }
0x3a: {  	_ = 	snop  }
0x3b: {  	_ = 	snop  }
0x3c: {  	p2 =	seq.s32 s10, $0x1;
	s10 =	sld [smem:$0x3FB4]  }
0x3d: {  	_ =	shalt  }
0x3e: {  	_ =	shalt  }
0x3f: {  	_ =	shalt  }
0x40: {  	_ =	shalt  }
0x41: {  	_ =	shalt  }
0x42: {  	_ =	shalt  }
0x43: {  	_ =	shalt  }
0x44: {  	_ =	shalt  }
0x45: {  	_ =	shalt  }
0x46: {  	_ =	shalt  }
0x47: {  	_ =	shalt  }
0x48: {  	_ =	shalt  }
0x49: {  	_ =	shalt  }
0x4a: {  	_ =	shalt  }
0x4b: {  	_ =	shalt  }
0x4c: {  	_ =	shalt  }
0x4d: {  	_ =	shalt  }
0x4e: {  	_ =	shalt  }
0x4f: {  	_ =	shalt  }
0x50: {  	_ =	shalt  }
0x51: {  	_ =	shalt  }
0x52: {  	_ =	shalt  }
0x53: {  	_ =	shalt  }
0x54: {  	_ =	shalt  }
0x55: {  	_ =	shalt  }
0x56: {  	_ =	shalt  }
0x57: {  	_ =	shalt  }
0x58: {  	_ =	shalt  }
0x59: {  	_ =	shalt  }
0x5a: {  	_ =	shalt  }
0x5b: {  	_ =	shalt  }
0x5c: {  	_ =	shalt  }
0x5d: {  	_ =	shalt  }
0x5e: {  	_ =	shalt  }
0x5f: {  	_ =	shalt  }
0x60: {  	_ =	shalt  }
0x61: {  	_ =	shalt  }
0x62: {  	_ =	shalt  }
0x63: {  	_ =	shalt  }
0x64: {  	_ =	shalt  }
0x65: {  	_ =	shalt  }
0x66: {  	_ =	shalt  }
0x67: {  	_ =	shalt  }
0x68: {  	_ =	shalt  }
0x69: {  	_ =	shalt  }
0x6a: {  	_ =	shalt  }
0x6b: {  	_ =	shalt  }
0x6c: {  	_ =	shalt  }
0x6d: {  	_ =	shalt  }
0x6e: {  	_ =	shalt  }
0x6f: {  	_ =	shalt  }
0x70: {  	_ =	shalt  }
0x71: {  	_ =	shalt  }
0x72: {  	_ =	shalt  }
0x73: {  	_ =	shalt  }
0x74: {  	_ =	shalt  }
0x75: {  	_ =	shalt  }
0x76: {  	_ =	shalt  }
0x77: {  	_ =	shalt  }
0x78: {  	_ =	shalt  }
0x79: {  	_ =	shalt  }
0x7a: {  	_ =	shalt  }
0x7b: {  	_ =	shalt  }
0x7c: {  	_ =	shalt  }
0x7d: {  	_ =	shalt  }
0x7e: {  	_ =	shalt  }
0x7f: {  	_ =	shalt  }
0x80: {  	_ =	shalt  }
0x81: {  	_ =	shalt  }
0x82: {  	_ =	shalt  }
0x83: {  	_ =	shalt  }
0x84: {  	_ =	shalt  }
0x85: {  	_ =	shalt  }
0x86: {  	_ =	shalt  }
0x87: {  	_ =	shalt  }
.Lfunc_end0:
.L_simem_size_0:
called_computation.3_lowered:
.L_overlay_start_0:
0x88: {  	s2 =	sld [smem:$0x3FD9]  }
0x89: {  	s3 =	sld [smem:$0x3FFE];
	_ =	sdelay $0x1  }
0x8a: {  	s1 =	srdreg.scid  }
0x8b: {  	s0 =	sand.u32 $0x1, s1  }
0x8c: {  	s17 =	sshll.u32 s0, $0xA;
	s2 =	sadd.s32 s3, s2  }
0x8d: {  	s2 =	sadd.s32 s2, s17  }
0x8e: {  	[smem:$0x3FC0] =	sst s2  }
0x8f: {  	_ = 	snop  }
0x90: {  	s2 =	sld [smem:$0x3FD0];
	(tm) =	ssettm $0x1  }
0x91: {  	s18 =	sld [smem:$0x3FFB];
	_ =	sdelay $0x3  }
0x92: {  	_ =	strace s18  }
0x93: {  	s3 =	sld [smem:$0x3FFC];
	_ =	sdelay $0x3  }
0x94: {  	_ =	strace s3  }
0x95: {  	s3 =	sld [smem:$0x3FFD];
	_ =	sdelay $0x3  }
0x96: {  	_ =	strace s3  }
0x97: {  	_ =	strace $0x8FFFFFFF  }
0x98: {  	s19 =	sld [smem:$0x3FDB];
	_ =	sdelay $0x1  }
0x99: {  	s4 =	simm.s32 $_scs_section_size  }
0x9a: {  	s5 =	simm.s32 $_size__tile_overlayer_lowered;
	s6 =	simm.s32 $_tile_overlayer_lowered  }
0x9b: {  	s22 =	simm.s32 $0x1BFF;
	s21 =	sshll.u32 s6, $0x1;
	s3 =	sadd.s32 s4, s19  }
0x9c: {  	s7 =	simm.s32 $0x0;
	s20 =	sshll.u32 s5, $0x1;
	s5 =	sadd.s32 s21, s3  }
0x9d: {  	[timem:s7], [sflag:s22] =	dma.local [hbm:s5], s20  }
0x9e: {  	_ =	swait.ge [sflag:s22], s20  }
0x9f: {  	s4 =	ssub.s32 $0x0, s20;
	[sflag:s22] =	ssyncset.done $0x0  }
0xa0: {  	[sflag:s22] =	ssyncadd.s32 s4;
	_ =	sdelay $0x1  }
0xa1: {  	s23 =	simm.s32 $0x1B8B  }
0xa2: {  	_ =	swait.ge [sflag:s23], $0x1  }
0xa3: {  	[sflag:s23] =	ssyncset.done $0x0  }
0xa4: {  	s25 =	simm.s32 $0x1B8E;
	s24 =	sld [smem:$0x3FFE];
	[sflag:s23] =	ssyncadd.s32 $0xFFFFFFFF  }
0xa5: {  	s26 =	simm.s32 $execute0_lowered;
	[smem:$0x3FD2] =	sst s25  }
0xa6: {  	s5 =	sshll.u32 s26, $0x1;
	_ =	strace $0x8000004F;
	[dreg:$0x1] =	wrdreg $0xFFFFFFFF  }
0xa7: {  	s28 =	simm.s32 $_size_execute0_lowered;
	s3 =	sadd.s32 s3, s5;
	[dreg:$0x0] =	wrdreg $0x0  }
0xa8: {  	s5 =	sshll.u32 s28, $0x1;
	[dreg:$0x2] =	wrdreg s3  }
0xa9: {  	[dreg:$0x3] =	wrdreg s5  }
0xaa: {  	[dreg:$0x4] =	wrdreg $0xC0  }
0xab: {  	_ =	task [dreg:s7], $0x5FFFF  }
0xac: {  	[dreg:$0x1] =	wrdreg $0xFFFFFFFF  }
0xad: {  	[dreg:$0x0] =	wrdreg $0x60  }
0xae: {  	[dreg:$0x2] =	wrdreg s24  }
0xaf: {  	[dreg:$0x3] =	wrdreg s2  }
0xb0: {  	[dreg:$0x4] =	wrdreg $0x90000  }
0xb1: {  	[dreg:$0x5] =	wrdreg $0x9  }
0xb2: {  	_ =	task.clear_ibuf [dreg:s7], $0x6FFFF;
	_ =	strace $0x9000004F  }
0xb3: {  	s29 =	simm.s32 $0x9;
	_ =	strace $0x80000051  }
0xb4: {  	_ =	swait.ge [sflag:s29], $0x1  }
0xb5: {  	[sflag:s29] =	ssyncadd.s32 $0xFFFFFFFF  }
0xb6: {  	_ =	strace $0x90000051  }
0xb7: {  	_ =	sfence  }
0xb8: {  	s30 =	sld [smem:$0x0];
	_ =	sdelay $0x2  }
0xb9: {  	s31 =	sshll.u32 s1, $0xD;
	s1 =	sshrl.u32 s1, $0x2  }
0xba: {  	s3 =	sand.u32 $0x4000, s31;
	s1 =	sadd.s32 s1, s30  }
0xbb: {  	s0 =	sor.u32 s3, s0;
	s1 =	sshll.u32 s1, $0x11  }
0xbc: {  	s0 =	sor.u32 s1, s0  }
0xbd: {  	s0 =	sadd.s32 $0x8F2B, s0  }
0xbe: {  	[sflag:s0] =	ssyncadd.remote.s32 $0x1  }
0xbf: {  	_ =	sfence.sel $0xFFFF  }
0xc0: {  	[dreg:$0x0] =	wrdreg $0xFFFFFFFF;
	(pc) =	sbr.abs _section_cstart, $3  }
0xc1: {  	[dreg:$0x1] =	wrdreg $0xFFFFFFFF  }
0xc2: {  	_ =	task.clear_ibuf [dreg:s7], $0x2FFFF;
	_ =	strace $0x9FFFFFFF  }
0xc3: {  	(tm) =	ssettm $0x7FFFFFFF  }
tec
execute0_lowered:
.L_overlay_start_1:
0x0: {  	(tag) =	ssettag $0x1  }
0x1: {  	s5 =	rddreg [dreg:$0x0]  }
0x2: {  	s7 =	rddreg [dreg:$0x1]  }
0x3: {  	s2 =	rddreg [dreg:$0x2]  }
0x4: {  	s0 =	rddreg [dreg:$0x3];
	s1 =	stileid.u32  }
0x5: {  	s3 =	simm.s32 $0x0;
	s4 =	srdreg.scid;
	s11 =	smul.u32 $0x500, s1  }
0x6: {  	s18 =	simm.s32 $0x5000;
	s19 =	simm.s32 $0x1;
	s8 =	smul.u32 $0x2800, s1  }
0x7: {  	s20 =	simm.s32 $0x2;
	s21 =	simm.s32 $0x0;
	s12 =	smul.u32 $0x50, s1  }
0x8: {  	[smem:$0x7FF] =	sst s3;
	s6 =	sand.u32 $0x1, s4;
	s17 =	smul.u32 $0x50000, s1  }
0x9: {  	s4 =	sadd.s32 $0x6E00, s5;
	s10 =	sadd.s32 $0x57400, s5;
	s9 =	smul.u32 $0x28000, s6  }
0xa: {  	s31 =	sshll.u32 s1, $0x6;
	_ =	strace $0x80000050;
	s15 =	smul.u32 $0x500, s6  }
0xb: {  	s14 =	ssub.s32 $0x2, s6;
	s28 =	smul.u32 $0x5000, s6;
	s13 =	sadd.s32 s11, s5  }
0xc: {  	s16 =	sshrl.u32 s14, $0x1;
	s26 =	sshrl.u32 s17, $0x2;
	s7 =	sadd.s32 s7, s8  }
0xd: {  	s17 =	simm.s32 $0x1000;
	s9 =	sadd.s32 s8, s9;
	s14 =	ssub.s32 s14, s16  }
0xe: {  	s25 =	sadd.s32 s12, s15;
	s6 =	sadd.s32 $0x1E00, s13;
	s29 =	sadd.s32 s26, s2  }
.Ltmp0:
0xf: {  	s30 =	sadd.s32 s28, s10;
	s12 =	simm.s32 $0x3;
	(pc) =	sbr.rel .LBB2_1-.Ltmp0, $4  }
0x10: {  	s16 =	simm.s32 $0x80;
	s9 =	sadd.s32 s9, s5;
	s5 =	sshll.u32 s25, $0x4  }
0x11: {  	s11 =	sadd.s32 s11, s30;
	s15 =	sshrl.u32 s29, $0x3;
	s5 =	sadd.s32 s10, s5  }
0x12: {  	s8 =	sadd.s32 $0x61400, s9;
	s9 =	smax.u32 s14, $0x1;
	s10 =	sadd.s32 $0x1E80, s13  }
0x13: {  	s11 =	sadd.s32 $0x80, s11;
	s13 =	simm.s32 $0x800;
	s14 =	sor.u32 $0x1C03, s31  }
.LBB2_4:
0x14: {  	_ =	swait.ge [sflag:s20], $0x4000  }
0x15: {  	[sflag:s20] =	ssyncset.done $0x0  }
0x16: {  	[sflag:s20] =	ssyncadd.s32 $0xFFFFC000  }
0x17: {  	[spmem:s2] =	stream.indirect.scatter.add.f32 [tilespmem:s18], [sflag:$0x3], $0x80, s26, s16, $0xb8;
	[tilespmem:$0x1D000] =	vst v63  }
0x18: {  	_ =	swait.ge [sflag:s12], $0x4000  }
0x19: {  	s21 =	sadd.s32 $0x1, s21;
	[sflag:s12] =	ssyncset.done $0x0  }
0x1a: {  	p0 =	sne.s32 s21, s9;
	[sflag:s12] =	ssyncadd.s32 $0xFFFFC000  }
.Ltmp1:
0x1b: {  	[bflag:$0x0] =	sbarrier.arrive $0xFFFF;
	(pc) =	sbr.rel @!p0 .LBB2_5-.Ltmp1, $4  }
0x1c: {  	[hbm:s8], [sflag:s14] =	dma.local [spmem:s15], $0x2800  }
0x1d: {  	_ =	swait.ge [sflag:s12], $0x2800  }
0x1e: {  	[sflag:s12] =	ssyncset.done $0x0  }
0x1f: {  	[sflag:s12] =	ssyncadd.s32 $0xFFFFD800  }
.LBB2_1:
0x20: {  	[tilespmem:s3], [sflag:$0x3] =	stream.linear.gather [hbm4b:s5+s3], $0x800, $0x38;
	[tilespmem:$0x1D000] =	vst v63  }
0x21: {  	_ =	swait.ge [sflag:s12], $0x800  }
0x22: {  	[sflag:s12] =	ssyncset.done $0x0  }
0x23: {  	[sflag:s12] =	ssyncadd.s32 $0xFFFFF800  }
0x24: {  	[tilespmem:s13], [sflag:$0x3] =	stream.linear.gather [hbm4b:s6+s3], $0x800, $0x38;
	[tilespmem:$0x1D000] =	vst v63  }
0x25: {  	_ =	swait.ge [sflag:s12], $0x800  }
0x26: {  	[sflag:s12] =	ssyncset.done $0x0  }
0x27: {  	[sflag:s12] =	ssyncadd.s32 $0xFFFFF800  }
0x28: {  	[spmem:s15], [sflag:s14] =	dma.local [hbm:s7], $0x2800  }
0x29: {  	_ =	swait.ge [sflag:s12], $0x2800  }
0x2a: {  	[sflag:s12] =	ssyncset.done $0x0  }
0x2b: {  	[sflag:s12] =	ssyncadd.s32 $0xFFFFD800  }
0x2c: {  	s22 =	smov.u32 s11;
	[bflag:$0x0] =	sbarrier.arrive $0xFFFF  }
0x2d: {  	[tilespmem:s17], [sflag:$0x1] =	stream.indirect.gather [hbm4b:s4+s16], $0x80, s3, s16, $0xb8;
	[tilespmem:$0x1D000] =	vst v63  }
0x2e: {  	s23 =	smov.u32 s10;
	s24 =	simm.s32 $0x0;
	s25 =	simm.s32 $0x0  }
0x2f: {  	[tilespmem:s18], [sflag:$0x2] =	stream.indirect.gather [hbm4b:s4+s16], $0x80, s16, s16, $0xb8;
	[tilespmem:$0x1D000] =	vst v63  }
.LBB2_2:
0x30: {  	p0 =	seq.s32 s25, $0x0  }
0x31: {  	p1 =	seq.s32 @!p0 s25, $0x9  }
0x32: {  	s26 =	sand.u32 $0x1, s25;
	p0 =	por p1, p0  }
0x33: {  	s28 =	sshll.u32 @!p0 s26, $0xA  }
0x34: {  	s30 =	simm.s32 @!p0 $0x0;
	s29 =	sxor.u32 @!p0 $0x400, s28  }
0x35: {  	[tilespmem:s29], [sflag:$0x3] =	stream.linear.gather @!p0 [hbm4b:s22+s30], $0x400, $0x38;
	[tilespmem:$0x1D000] =	vst v63  }
0x36: {  	s29 =	simm.s32 @!p0 $0x3  }
0x37: {  	_ =	swait.ge @!p0 [sflag:s29], $0x400  }
0x38: {  	[sflag:s29] =	ssyncset.done @!p0 $0x0  }
0x39: {  	s28 =	sxor.u32 @!p0 $0xC00, s28;
	[sflag:s29] =	ssyncadd.s32 @!p0 $0xFFFFFC00  }
0x3a: {  	[tilespmem:s28], [sflag:$0x3] =	stream.linear.gather @!p0 [hbm4b:s23+s30], $0x400, $0x38;
	[tilespmem:$0x1D000] =	vst v63  }
0x3b: {  	_ =	swait.ge @!p0 [sflag:s29], $0x400  }
0x3c: {  	[sflag:s29] =	ssyncset.done @!p0 $0x0  }
0x3d: {  	[sflag:s29] =	ssyncadd.s32 @!p0 $0xFFFFFC00  }
0x3e: {  	_ =	swait.ge [sflag:s19], $0x4000  }
0x3f: {  	s26 =	sshll.u32 s26, $0xA;
	[sflag:s19] =	ssyncset.done $0x0  }
0x40: {  	s28 =	sor.u32 $0x800, s26;
	[sflag:s19] =	ssyncadd.s32 $0xFFFFC000  }
0x41: {  	[spmem:s2] =	stream.indirect.scatter.add.f32 [tilespmem:s17], [sflag:$0x3], $0x80, s28, s16, $0xb8;
	[tilespmem:$0x1D000] =	vst v63  }
0x42: {  	s28 =	sand.u32 $0x1000, s24;
	_ =	swait.ge [sflag:s12], $0x4000  }
0x43: {  	s29 =	sshrl.u32 s28, $0x2;
	[sflag:s12] =	ssyncset.done $0x0  }
0x44: {  	s31 =	sor.u32 $0x100, s29;
	[sflag:s12] =	ssyncadd.s32 $0xFFFFC000  }
0x45: {  	[tilespmem:s17], [sflag:$0x1] =	stream.indirect.gather [hbm4b:s4+s16], $0x80, s31, s16, $0xb8;
	[tilespmem:$0x1D000] =	vst v63  }
0x46: {  	_ =	swait.ge [sflag:s20], $0x4000  }
0x47: {  	[sflag:s20] =	ssyncset.done $0x0  }
0x48: {  	s31 =	sor.u32 $0x880, s26;
	[sflag:s20] =	ssyncadd.s32 $0xFFFFC000  }
0x49: {  	[spmem:s2] =	stream.indirect.scatter.add.f32 [tilespmem:s18], [sflag:$0x3], $0x80, s31, s16, $0xb8;
	[tilespmem:$0x1D000] =	vst v63  }
0x4a: {  	_ =	swait.ge [sflag:s12], $0x4000  }
0x4b: {  	[sflag:s12] =	ssyncset.done $0x0  }
0x4c: {  	s31 =	sor.u32 $0x180, s29;
	[sflag:s12] =	ssyncadd.s32 $0xFFFFC000  }
0x4d: {  	[tilespmem:s18], [sflag:$0x2] =	stream.indirect.gather [hbm4b:s4+s16], $0x80, s31, s16, $0xb8;
	[tilespmem:$0x1D000] =	vst v63  }
0x4e: {  	_ =	swait.ge [sflag:s19], $0x4000  }
0x4f: {  	[sflag:s19] =	ssyncset.done $0x0  }
0x50: {  	s31 =	sor.u32 $0x900, s26;
	[sflag:s19] =	ssyncadd.s32 $0xFFFFC000  }
0x51: {  	[spmem:s2] =	stream.indirect.scatter.add.f32 [tilespmem:s17], [sflag:$0x3], $0x80, s31, s16, $0xb8;
	[tilespmem:$0x1D000] =	vst v63  }
0x52: {  	_ =	swait.ge [sflag:s12], $0x4000  }
0x53: {  	[sflag:s12] =	ssyncset.done $0x0  }
0x54: {  	s31 =	sor.u32 $0x200, s29;
	[sflag:s12] =	ssyncadd.s32 $0xFFFFC000  }
0x55: {  	[tilespmem:s17], [sflag:$0x1] =	stream.indirect.gather [hbm4b:s4+s16], $0x80, s31, s16, $0xb8;
	[tilespmem:$0x1D000] =	vst v63  }
0x56: {  	_ =	swait.ge [sflag:s20], $0x4000  }
0x57: {  	[sflag:s20] =	ssyncset.done $0x0  }
0x58: {  	s31 =	sor.u32 $0x980, s26;
	[sflag:s20] =	ssyncadd.s32 $0xFFFFC000  }
0x59: {  	[spmem:s2] =	stream.indirect.scatter.add.f32 [tilespmem:s18], [sflag:$0x3], $0x80, s31, s16, $0xb8;
	[tilespmem:$0x1D000] =	vst v63  }
0x5a: {  	_ =	swait.ge [sflag:s12], $0x4000  }
0x5b: {  	[sflag:s12] =	ssyncset.done $0x0  }
0x5c: {  	s31 =	sor.u32 $0x280, s29;
	[sflag:s12] =	ssyncadd.s32 $0xFFFFC000  }
0x5d: {  	[tilespmem:s18], [sflag:$0x2] =	stream.indirect.gather [hbm4b:s4+s16], $0x80, s31, s16, $0xb8;
	[tilespmem:$0x1D000] =	vst v63  }
0x5e: {  	_ =	swait.ge [sflag:s19], $0x4000  }
0x5f: {  	[sflag:s19] =	ssyncset.done $0x0  }
0x60: {  	s31 =	sor.u32 $0xA00, s26;
	[sflag:s19] =	ssyncadd.s32 $0xFFFFC000  }
0x61: {  	[spmem:s2] =	stream.indirect.scatter.add.f32 [tilespmem:s17], [sflag:$0x3], $0x80, s31, s16, $0xb8;
	[tilespmem:$0x1D000] =	vst v63  }
0x62: {  	_ =	swait.ge [sflag:s12], $0x4000  }
0x63: {  	[sflag:s12] =	ssyncset.done $0x0  }
0x64: {  	s31 =	sor.u32 $0x300, s29;
	[sflag:s12] =	ssyncadd.s32 $0xFFFFC000  }
0x65: {  	[tilespmem:s17], [sflag:$0x1] =	stream.indirect.gather [hbm4b:s4+s16], $0x80, s31, s16, $0xb8;
	[tilespmem:$0x1D000] =	vst v63  }
0x66: {  	_ =	swait.ge [sflag:s20], $0x4000  }
0x67: {  	[sflag:s20] =	ssyncset.done $0x0  }
0x68: {  	s31 =	sor.u32 $0xA80, s26;
	[sflag:s20] =	ssyncadd.s32 $0xFFFFC000  }
0x69: {  	[spmem:s2] =	stream.indirect.scatter.add.f32 [tilespmem:s18], [sflag:$0x3], $0x80, s31, s16, $0xb8;
	[tilespmem:$0x1D000] =	vst v63  }
0x6a: {  	_ =	swait.ge [sflag:s12], $0x4000  }
0x6b: {  	[sflag:s12] =	ssyncset.done $0x0  }
0x6c: {  	s29 =	sor.u32 $0x380, s29;
	[sflag:s12] =	ssyncadd.s32 $0xFFFFC000  }
0x6d: {  	[tilespmem:s18], [sflag:$0x2] =	stream.indirect.gather [hbm4b:s4+s16], $0x80, s29, s16, $0xb8;
	[tilespmem:$0x1D000] =	vst v63  }
0x6e: {  	_ =	swait.ge [sflag:s19], $0x4000  }
0x6f: {  	p0 =	seq.s32 s25, $0x9;
	[sflag:s19] =	ssyncset.done $0x0  }
.Ltmp2:
0x70: {  	s31 =	sor.u32 $0xB00, s26;
	[sflag:s19] =	ssyncadd.s32 $0xFFFFC000;
	(pc) =	sbr.rel @p0 .LBB2_4-.Ltmp2, $4  }
0x71: {  	[spmem:s2] =	stream.indirect.scatter.add.f32 [tilespmem:s17], [sflag:$0x3], $0x80, s31, s16, $0xb8;
	[tilespmem:$0x1D000] =	vst v63  }
0x72: {  	_ =	swait.ge [sflag:s12], $0x4000  }
0x73: {  	[sflag:s12] =	ssyncset.done $0x0  }
0x74: {  	s26 =	sadd.s32 $0xB80, s26;
	[sflag:s12] =	ssyncadd.s32 $0xFFFFC000  }
0x75: {  	s28 =	sxor.u32 $0x1000, s28  }
0x76: {  	s28 =	sshrl.u32 s28, $0x2  }
0x77: {  	[tilespmem:s17], [sflag:$0x1] =	stream.indirect.gather [hbm4b:s4+s16], $0x80, s28, s16, $0xb8;
	[tilespmem:$0x1D000] =	vst v63  }
0x78: {  	_ =	swait.ge [sflag:s20], $0x4000  }
0x79: {  	[sflag:s20] =	ssyncset.done $0x0  }
0x7a: {  	[sflag:s20] =	ssyncadd.s32 $0xFFFFC000  }
0x7b: {  	[spmem:s2] =	stream.indirect.scatter.add.f32 [tilespmem:s18], [sflag:$0x3], $0x80, s26, s16, $0xb8;
	[tilespmem:$0x1D000] =	vst v63  }
.Ltmp3:
0x7c: {  	s31 =	sadd.s32 $0x1200, s24;
	(pc) =	sbr.rel .LBB2_2-.Ltmp3, $4  }
0x7d: {  	s25 =	sadd.s32 $0x1, s25;
	s24 =	sadd.s32 $0x1000, s24;
	_ =	swait.ge [sflag:s12], $0x4000  }
0x7e: {  	s23 =	sadd.s32 $0x80, s23;
	s26 =	sand.u32 $0x1200, s31;
	[sflag:s12] =	ssyncset.done $0x0  }
0x7f: {  	s22 =	sadd.s32 $0x80, s22;
	s26 =	sshrl.u32 s26, $0x2;
	[sflag:s12] =	ssyncadd.s32 $0xFFFFC000  }
0x80: {  	[tilespmem:s18], [sflag:$0x2] =	stream.indirect.gather [hbm4b:s4+s16], $0x80, s26, s16, $0xb8;
	[tilespmem:$0x1D000] =	vst v63  }
.LBB2_5:
0x81: {  	_ =	sfence.sel $0x180000  }
0x82: {  	[bflag:$0x0] =	sbarrier.arrive $0xFFFF  }
0x83: {  	p0 =	sne.s32 s1, $0x0;
	_ =	strace $0x90000050  }
0x84: {  	s0 =	sadd.s32 @!p0 $0x100000, s0;
	[bflag:$0x2] =	sbarrier.arrive $0xFFFF  }
0x85: {  	[sflag:s0] =	ssyncadd.tile.s32 @!p0 $0x1;
	_ =	shalt  }
.Lfunc_end2:
_tile_overlayer_lowered:
.L_overlay_start_2:
0x86: {  	(tag) =	ssettag $0x2  }
0x87: {  	s0 =	rddreg [dreg:$0x0];
	s2 =	stileid.u32  }
0x88: {  	s1 =	rddreg [dreg:$0x1];
	p0 =	sne.s32 s2, $0x0  }
0x89: {  	s3 =	rddreg [dreg:$0x2];
	[bflag:$0x3] =	sbarrier.arrive $0xFFFF;
	s2 =	simm.s32 @!p0 $0x1C03  }
0x8a: {  	[timem:s3], [sflag:s2] =	dma.local @!p0 [hbm:s0], s1  }
0x8b: {  	s0 =	simm.s32 @!p0 $0x3  }
0x8c: {  	_ =	swait.ge @!p0 [sflag:s0], s1  }
0x8d: {  	s1 =	ssub.s32 @!p0 $0x0, s1;
	[sflag:s0] =	ssyncset.done @!p0 $0x0  }
0x8e: {  	[sflag:s0] =	ssyncadd.s32 @!p0 s1  }
0x8f: {  	[bflag:$0x3] =	sbarrier.arrive $0xFFFF  }
0x90: {  	_ =	shalt  }

</sc_bundles>
